<compile_context>
chip_gen: v7x
topology: tpu7x:2x2x1
jax: 0.10.2.dev20260603
libtpu: 0.0.44.dev20260713+nightly
codegen_flags: <defaults>
</compile_context>

<pallas_src>
import functools

import jax
import jax.numpy as jnp
from jax.experimental import pallas as pl
from jax.experimental.pallas import tpu as pltpu
from jax.experimental.pallas import tpu_sc as plsc

_B, _D, _H, _W = 16, 32, 64, 64
_HW = _H * _W
_V = 8192
_CBLK = 1024
_PBLK = 512
_NPC = _HW // _PBLK
_NCC = _V // _CBLK

_NC, _NS = 2, 16
_NW = _NC * _NS


@functools.partial(
    pl.kernel,
    mesh=plsc.VectorSubcoreMesh(core_axis_name="c", subcore_axis_name="s"),
    out_type=(
        jax.ShapeDtypeStruct((_B, _D, _HW), jnp.float32),
        jax.ShapeDtypeStruct((_NW, 16), jnp.float32),
    ),
    scratch_types=[
        pltpu.VMEM((_V,), jnp.float32),
        pltpu.VMEM((_B * _HW,), jnp.int32),
        pltpu.VMEM((2, _HW), jnp.float32),
        pltpu.VMEM((2, _HW), jnp.float32),
        pltpu.VMEM((16,), jnp.float32),
        pltpu.SemaphoreType.DMA,
        pltpu.SemaphoreType.DMA,
        pltpu.SemaphoreType.DMA,
        pltpu.SemaphoreType.DMA,
    ],
    compiler_params=pltpu.CompilerParams(needs_layout_passes=False),
)
def _sc_gather(et_hbm, idx_hbm, z_hbm, out_hbm, loss_hbm,
               tab_v, idx_v, z_v, o_v, l_v, sz0, sz1, so0, so1):
    cid = jax.lax.axis_index("c")
    sid = jax.lax.axis_index("s")
    wid = sid * _NC + cid
    pltpu.sync_copy(et_hbm.at[wid], tab_v)
    pltpu.sync_copy(idx_hbm, idx_v)

    zsem = (sz0, sz1)
    osem = (so0, so1)
    hz = [None, None]
    ho = [None, None]
    hz[0] = pltpu.async_copy(z_hbm.at[0, wid], z_v.at[0], zsem[0])

    def compute(b, cur, acc):
        def i_body(i, acc):
            o = i * 32
            iv0 = idx_v[pl.ds(b * _HW + o, 16)]
            iv1 = idx_v[pl.ds(b * _HW + o + 16, 16)]
            g0 = plsc.load_gather(tab_v, [iv0])
            g1 = plsc.load_gather(tab_v, [iv1])
            zv0 = z_v[cur, pl.ds(o, 16)]
            zv1 = z_v[cur, pl.ds(o + 16, 16)]
            t0 = g0 - zv0
            t1 = g1 - zv1
            o_v[cur, pl.ds(o, 16)] = zv0 + t0
            o_v[cur, pl.ds(o + 16, 16)] = zv1 + t1
            return acc + (t0 * t0 + t1 * t1)

        return jax.lax.fori_loop(0, _HW // 32, i_body, acc)

    acc = jnp.zeros((16,), jnp.float32)
    for b in range(_B):
        cur = b & 1
        nxt = 1 - cur
        hz[cur].wait()
        if b + 1 < _B:
            hz[nxt] = pltpu.async_copy(z_hbm.at[b + 1, wid], z_v.at[nxt],
                                       zsem[nxt])
        if b >= 2:
            ho[cur].wait()
        acc = compute(b, cur, acc)
        ho[cur] = pltpu.async_copy(o_v.at[cur], out_hbm.at[b, wid], osem[cur])
    ho[0].wait()
    ho[1].wait()
    l_v[...] = acc
    pltpu.sync_copy(l_v, loss_hbm.at[wid])


def kernel(z_e, embeddings):
    B, D, H, W = z_e.shape
    z3 = z_e.reshape(B, D, H * W)
    zf = jnp.transpose(z_e, (0, 2, 3, 1)).reshape(-1, D)
    distances = (jnp.sum(zf ** 2, axis=1, keepdims=True)
                 - 2.0 * zf @ embeddings.T
                 + jnp.sum(embeddings ** 2, axis=1))
    idx = jnp.argmin(distances, axis=1).astype(jnp.int32)
    et = embeddings.T
    zq3, loss_parts = _sc_gather(et, idx, z3)
    loss = 1.25 * (jnp.sum(loss_parts) / (B * D * H * W))
    return zq3.reshape(B, D, H, W), loss

# --- scband reference (transcript-rebuilt; emitter-appended) ---
"""Pipeline reference for scband-vector-quantizer-29119878267084 (READ-ONLY COPY).

The authoritative reference and input builder live on the scoring server;
editing this copy changes nothing except your own understanding.
"""

import jax, jax.numpy as jnp
import numpy as np


def setup_inputs(seed: int = 0) -> dict:
    key = jax.random.key(seed)
    k1, k2 = jax.random.split(key)
    z_e = jax.random.normal(k1, (16, 32, 64, 64), dtype=jnp.float32)
    embeddings = jax.random.normal(k2, (8192, 32), dtype=jnp.float32)
    return {"z_e": z_e, "embeddings": embeddings}


def reference(z_e, embeddings):
    commitment_cost = 0.25
    B, D, H, W = z_e.shape
    z_flattened = jnp.transpose(z_e, (0, 2, 3, 1)).reshape(-1, D)
    distances = (
        jnp.sum(z_flattened ** 2, axis=1, keepdims=True)
        - 2.0 * z_flattened @ embeddings.T
        + jnp.sum(embeddings ** 2, axis=1)
    )
    encoding_indices = jnp.argmin(distances, axis=1)
    z_q = jnp.take(embeddings, encoding_indices, axis=0).reshape(B, H, W, D)
    z_q = jnp.transpose(z_q, (0, 3, 1, 2))
    loss = jnp.mean((jax.lax.stop_gradient(z_q) - z_e) ** 2) + commitment_cost * jnp.mean((z_q - jax.lax.stop_gradient(z_e)) ** 2)
    z_q_st = z_e + jax.lax.stop_gradient(z_q - z_e)
    return (z_q_st, loss)

if __name__ == "__main__":
    import jax
    _d = setup_inputs()
    print(jax.jit(kernel)(*tuple(_d.values())))

</pallas_src>

<mosaic_0001>
#map = affine_map<(d0, d1) -> (0, 0)>
#map1 = affine_map<(d0, d1) -> (0)>
#map2 = affine_map<(d0, d1) -> (0, 0, 0)>
module attributes {stable_mosaic.version = 14 : i64} {
  func.func @_sc_gather(%arg0: i32, %arg1: i32, %arg2: memref<32x8192xf32, #tpu.memory_space<hbm>>, %arg3: memref<65536xi32, #tpu.memory_space<hbm>>, %arg4: memref<16x32x4096xf32, #tpu.memory_space<hbm>>, %arg5: memref<16x32x4096xf32, #tpu.memory_space<hbm>>, %arg6: memref<32x16xf32, #tpu.memory_space<hbm>>, %arg7: memref<8192xf32, #tpu.memory_space<vmem>>, %arg8: memref<65536xi32, #tpu.memory_space<vmem>>, %arg9: memref<2x4096xf32, #tpu.memory_space<vmem>>, %arg10: memref<2x4096xf32, #tpu.memory_space<vmem>>, %arg11: memref<16xf32, #tpu.memory_space<vmem>>, %arg12: memref<!tpu.dma_semaphore, #tpu.memory_space<semaphore_mem>>, %arg13: memref<!tpu.dma_semaphore, #tpu.memory_space<semaphore_mem>>, %arg14: memref<!tpu.dma_semaphore, #tpu.memory_space<semaphore_mem>>, %arg15: memref<!tpu.dma_semaphore, #tpu.memory_space<semaphore_mem>>) attributes {dimension_semantics = [#tpu.dimension_semantics<core_parallel>, #tpu.dimension_semantics<subcore_parallel>], iteration_bounds = array<i64: 2, 16>, scalar_prefetch = 0 : i64, scratch_operands = 9 : i64, tpu.core_type = #tpu.core_type<sc_vector_subcore>, window_params = [{transform_indices = #map}, {transform_indices = #map1}, {transform_indices = #map2}, {transform_indices = #map2}, {transform_indices = #map}]} {
    %mul3A = arith.constant 2 : i32
    %mul3A_0 = arith.muli %arg1, %mul3A : i32
    %add3A = arith.addi %mul3A_0, %arg0 : i32
    "tpu.region"() ({
      %run_scoped3A = tpu.sem_alloc : memref<!tpu.dma_semaphore, #tpu.memory_space<semaphore_mem>>
      %dma_start3A_992 = arith.constant 0 : i32
      %dma_start3A_993 = tpu.memref_slice %arg2[%add3A, %dma_start3A_992] : memref<32x8192xf32, #tpu.memory_space<hbm>> -> memref<1x8192xf32, #tpu.memory_space<hbm>>
      %dma_start3A_994 = tpu.memref_squeeze %dma_start3A_993 : memref<1x8192xf32, #tpu.memory_space<hbm>> -> memref<8192xf32, #tpu.memory_space<hbm>>
      %dma_start3A_995 = arith.constant 0 : i32
      %dma_start3A_996 = tpu.memref_slice %arg2[%add3A, %dma_start3A_995] : memref<32x8192xf32, #tpu.memory_space<hbm>> -> memref<1x8192xf32, #tpu.memory_space<hbm>>
      %dma_start3A_997 = tpu.memref_squeeze %dma_start3A_996 : memref<1x8192xf32, #tpu.memory_space<hbm>> -> memref<8192xf32, #tpu.memory_space<hbm>>
      tpu.enqueue_dma source(%dma_start3A_997 : memref<8192xf32, #tpu.memory_space<hbm>>) target(%arg7 : memref<8192xf32, #tpu.memory_space<vmem>>) target_semaphore(%run_scoped3A : memref<!tpu.dma_semaphore, #tpu.memory_space<semaphore_mem>>)
      %dma_wait3A_998 = arith.constant 0 : i32
      %dma_wait3A_999 = tpu.memref_slice %arg2[%add3A, %dma_wait3A_998] : memref<32x8192xf32, #tpu.memory_space<hbm>> -> memref<1x8192xf32, #tpu.memory_space<hbm>>
      %dma_wait3A_1000 = tpu.memref_squeeze %dma_wait3A_999 : memref<1x8192xf32, #tpu.memory_space<hbm>> -> memref<8192xf32, #tpu.memory_space<hbm>>
      %dma_wait3A_1001 = arith.constant 0 : i32
      %dma_wait3A_1002 = tpu.memref_slice %arg2[%add3A, %dma_wait3A_1001] : memref<32x8192xf32, #tpu.memory_space<hbm>> -> memref<1x8192xf32, #tpu.memory_space<hbm>>
      %dma_wait3A_1003 = tpu.memref_squeeze %dma_wait3A_1002 : memref<1x8192xf32, #tpu.memory_space<hbm>> -> memref<8192xf32, #tpu.memory_space<hbm>>
      tpu.wait_dma2 semaphore(%run_scoped3A : memref<!tpu.dma_semaphore, #tpu.memory_space<semaphore_mem>>) src(%dma_wait3A_1003 : memref<8192xf32, #tpu.memory_space<hbm>>) dst(%arg7 : memref<8192xf32, #tpu.memory_space<vmem>>)
      tpu.yield
    }) : () -> ()
    "tpu.region"() ({
      %run_scoped3A = tpu.sem_alloc : memref<!tpu.dma_semaphore, #tpu.memory_space<semaphore_mem>>
      tpu.enqueue_dma source(%arg3 : memref<65536xi32, #tpu.memory_space<hbm>>) target(%arg8 : memref<65536xi32, #tpu.memory_space<vmem>>) target_semaphore(%run_scoped3A : memref<!tpu.dma_semaphore, #tpu.memory_space<semaphore_mem>>)
      tpu.wait_dma2 semaphore(%run_scoped3A : memref<!tpu.dma_semaphore, #tpu.memory_space<semaphore_mem>>) src(%arg3 : memref<65536xi32, #tpu.memory_space<hbm>>) dst(%arg8 : memref<65536xi32, #tpu.memory_space<vmem>>)
      tpu.yield
    }) : () -> ()
    %dma_start3A = arith.constant 0 : i32
    %dma_start3A_1 = arith.constant 0 : i32
    %dma_start3A_2 = arith.constant 0 : i32
    %dma_start3A_3 = tpu.memref_slice %arg9[%dma_start3A_1, %dma_start3A_2] : memref<2x4096xf32, #tpu.memory_space<vmem>> -> memref<1x4096xf32, #tpu.memory_space<vmem>>
    %dma_start3A_4 = tpu.memref_squeeze %dma_start3A_3 : memref<1x4096xf32, #tpu.memory_space<vmem>> -> memref<4096xf32, #tpu.memory_space<vmem>>
    %dma_start3A_5 = arith.constant 0 : i32
    %dma_start3A_6 = tpu.memref_slice %arg4[%dma_start3A, %add3A, %dma_start3A_5] : memref<16x32x4096xf32, #tpu.memory_space<hbm>> -> memref<1x1x4096xf32, #tpu.memory_space<hbm>>
    %dma_start3A_7 = tpu.memref_squeeze %dma_start3A_6 : memref<1x1x4096xf32, #tpu.memory_space<hbm>> -> memref<4096xf32, #tpu.memory_space<hbm>>
    %dma_start3A_8 = arith.constant 0 : i32
    %dma_start3A_9 = tpu.memref_slice %arg9[%dma_start3A_1, %dma_start3A_8] : memref<2x4096xf32, #tpu.memory_space<vmem>> -> memref<1x4096xf32, #tpu.memory_space<vmem>>
    %dma_start3A_10 = tpu.memref_squeeze %dma_start3A_9 : memref<1x4096xf32, #tpu.memory_space<vmem>> -> memref<4096xf32, #tpu.memory_space<vmem>>
    %dma_start3A_11 = arith.constant 0 : i32
    %dma_start3A_12 = tpu.memref_slice %arg4[%dma_start3A, %add3A, %dma_start3A_11] : memref<16x32x4096xf32, #tpu.memory_space<hbm>> -> memref<1x1x4096xf32, #tpu.memory_space<hbm>>
    %dma_start3A_13 = tpu.memref_squeeze %dma_start3A_12 : memref<1x1x4096xf32, #tpu.memory_space<hbm>> -> memref<4096xf32, #tpu.memory_space<hbm>>
    tpu.enqueue_dma source(%dma_start3A_13 : memref<4096xf32, #tpu.memory_space<hbm>>) target(%dma_start3A_10 : memref<4096xf32, #tpu.memory_space<vmem>>) target_semaphore(%arg12 : memref<!tpu.dma_semaphore, #tpu.memory_space<semaphore_mem>>)
    %broadcast_in_dim3A = arith.constant 0.000000e+00 : f32
    %broadcast_in_dim3A_14 = vector.broadcast %broadcast_in_dim3A : f32 to vector<16xf32>
    %dma_wait3A = arith.constant 0 : i32
    %dma_wait3A_15 = arith.constant 0 : i32
    %dma_wait3A_16 = arith.constant 0 : i32
    %dma_wait3A_17 = tpu.memref_slice %arg9[%dma_wait3A_15, %dma_wait3A_16] : memref<2x4096xf32, #tpu.memory_space<vmem>> -> memref<1x4096xf32, #tpu.memory_space<vmem>>
    %dma_wait3A_18 = tpu.memref_squeeze %dma_wait3A_17 : memref<1x4096xf32, #tpu.memory_space<vmem>> -> memref<4096xf32, #tpu.memory_space<vmem>>
    %dma_wait3A_19 = arith.constant 0 : i32
    %dma_wait3A_20 = tpu.memref_slice %arg4[%dma_wait3A, %add3A, %dma_wait3A_19] : memref<16x32x4096xf32, #tpu.memory_space<hbm>> -> memref<1x1x4096xf32, #tpu.memory_space<hbm>>
    %dma_wait3A_21 = tpu.memref_squeeze %dma_wait3A_20 : memref<1x1x4096xf32, #tpu.memory_space<hbm>> -> memref<4096xf32, #tpu.memory_space<hbm>>
    %dma_wait3A_22 = arith.constant 0 : i32
    %dma_wait3A_23 = tpu.memref_slice %arg9[%dma_wait3A_15, %dma_wait3A_22] : memref<2x4096xf32, #tpu.memory_space<vmem>> -> memref<1x4096xf32, #tpu.memory_space<vmem>>
    %dma_wait3A_24 = tpu.memref_squeeze %dma_wait3A_23 : memref<1x4096xf32, #tpu.memory_space<vmem>> -> memref<4096xf32, #tpu.memory_space<vmem>>
    %dma_wait3A_25 = arith.constant 0 : i32
    %dma_wait3A_26 = tpu.memref_slice %arg4[%dma_wait3A, %add3A, %dma_wait3A_25] : memref<16x32x4096xf32, #tpu.memory_space<hbm>> -> memref<1x1x4096xf32, #tpu.memory_space<hbm>>
    %dma_wait3A_27 = tpu.memref_squeeze %dma_wait3A_26 : memref<1x1x4096xf32, #tpu.memory_space<hbm>> -> memref<4096xf32, #tpu.memory_space<hbm>>
    tpu.wait_dma2 semaphore(%arg12 : memref<!tpu.dma_semaphore, #tpu.memory_space<semaphore_mem>>) src(%dma_wait3A_27 : memref<4096xf32, #tpu.memory_space<hbm>>) dst(%dma_wait3A_24 : memref<4096xf32, #tpu.memory_space<vmem>>)
    %dma_start3A_28 = arith.constant 1 : i32
    %dma_start3A_29 = arith.constant 1 : i32
    %dma_start3A_30 = arith.constant 0 : i32
    %dma_start3A_31 = tpu.memref_slice %arg9[%dma_start3A_29, %dma_start3A_30] : memref<2x4096xf32, #tpu.memory_space<vmem>> -> memref<1x4096xf32, #tpu.memory_space<vmem>>
    %dma_start3A_32 = tpu.memref_squeeze %dma_start3A_31 : memref<1x4096xf32, #tpu.memory_space<vmem>> -> memref<4096xf32, #tpu.memory_space<vmem>>
    %dma_start3A_33 = arith.constant 0 : i32
    %dma_start3A_34 = tpu.memref_slice %arg4[%dma_start3A_28, %add3A, %dma_start3A_33] : memref<16x32x4096xf32, #tpu.memory_space<hbm>> -> memref<1x1x4096xf32, #tpu.memory_space<hbm>>
    %dma_start3A_35 = tpu.memref_squeeze %dma_start3A_34 : memref<1x1x4096xf32, #tpu.memory_space<hbm>> -> memref<4096xf32, #tpu.memory_space<hbm>>
    %dma_start3A_36 = arith.constant 0 : i32
    %dma_start3A_37 = tpu.memref_slice %arg9[%dma_start3A_29, %dma_start3A_36] : memref<2x4096xf32, #tpu.memory_space<vmem>> -> memref<1x4096xf32, #tpu.memory_space<vmem>>
    %dma_start3A_38 = tpu.memref_squeeze %dma_start3A_37 : memref<1x4096xf32, #tpu.memory_space<vmem>> -> memref<4096xf32, #tpu.memory_space<vmem>>
    %dma_start3A_39 = arith.constant 0 : i32
    %dma_start3A_40 = tpu.memref_slice %arg4[%dma_start3A_28, %add3A, %dma_start3A_39] : memref<16x32x4096xf32, #tpu.memory_space<hbm>> -> memref<1x1x4096xf32, #tpu.memory_space<hbm>>
    %dma_start3A_41 = tpu.memref_squeeze %dma_start3A_40 : memref<1x1x4096xf32, #tpu.memory_space<hbm>> -> memref<4096xf32, #tpu.memory_space<hbm>>
    tpu.enqueue_dma source(%dma_start3A_41 : memref<4096xf32, #tpu.memory_space<hbm>>) target(%dma_start3A_38 : memref<4096xf32, #tpu.memory_space<vmem>>) target_semaphore(%arg13 : memref<!tpu.dma_semaphore, #tpu.memory_space<semaphore_mem>>)
    %scan3A = arith.constant 0 : i32
    %scan3A_42 = arith.constant 128 : i32
    %scan3A_43 = arith.addi %scan3A, %scan3A_42 : i32
    %scan3A_44 = arith.constant 1 : i32
    %scan3A_45 = scf.for %scan3A_992 = %scan3A to %scan3A_43 step %scan3A_44 iter_args(%scan3A_993 = %broadcast_in_dim3A_14) -> (vector<16xf32>)  : i32 {
      %mul3A_994 = arith.constant 32 : i32
      %mul3A_995 = arith.muli %scan3A_992, %mul3A_994 : i32
      %add3A_996 = arith.constant 0 : i32
      %add3A_997 = arith.addi %add3A_996, %mul3A_995 : i32
      %get3A = arith.index_cast %add3A_997 : i32 to index
      %get3A_998 = tpu.vector_load %arg8[%get3A] {strides = array<i32>} : memref<65536xi32, #tpu.memory_space<vmem>>, vector<16xi32>,
      %add3A_999 = arith.constant 0 : i32
      %add3A_1000 = arith.addi %add3A_999, %mul3A_995 : i32
      %add3A_1001 = arith.constant 16 : i32
      %add3A_1002 = arith.addi %add3A_1000, %add3A_1001 : i32
      %get3A_1003 = arith.index_cast %add3A_1002 : i32 to index
      %get3A_1004 = tpu.vector_load %arg8[%get3A_1003] {strides = array<i32>} : memref<65536xi32, #tpu.memory_space<vmem>>, vector<16xi32>,
      %gather3A = tpu.vector_load_idx %arg7[%get3A_998] : memref<8192xf32, #tpu.memory_space<vmem>>[vector<16xi32>], vector<16xf32>,
      %gather3A_1005 = tpu.vector_load_idx %arg7[%get3A_1004] : memref<8192xf32, #tpu.memory_space<vmem>>[vector<16xi32>], vector<16xf32>,
      %get3A_1006 = arith.constant 0 : i32
      %get3A_1007 = arith.index_cast %get3A_1006 : i32 to index
      %get3A_1008 = arith.index_cast %mul3A_995 : i32 to index
      %get3A_1009 = tpu.vector_load %arg9[%get3A_1007, %get3A_1008] {strides = array<i32>} : memref<2x4096xf32, #tpu.memory_space<vmem>>, vector<16xf32>,
      %add3A_1010 = arith.constant 16 : i32
      %add3A_1011 = arith.addi %mul3A_995, %add3A_1010 : i32
      %get3A_1012 = arith.constant 0 : i32
      %get3A_1013 = arith.index_cast %get3A_1012 : i32 to index
      %get3A_1014 = arith.index_cast %add3A_1011 : i32 to index
      %get3A_1015 = tpu.vector_load %arg9[%get3A_1013, %get3A_1014] {strides = array<i32>} : memref<2x4096xf32, #tpu.memory_space<vmem>>, vector<16xf32>,
      %sub3A = arith.subf %gather3A, %get3A_1009 : vector<16xf32>
      %sub3A_1016 = arith.subf %gather3A_1005, %get3A_1015 : vector<16xf32>
      %add3A_1017 = arith.addf %get3A_1009, %sub3A : vector<16xf32>
      %swap3A_1018 = arith.constant 0 : i32
      %swap3A_1019 = arith.index_cast %swap3A_1018 : i32 to index
      %swap3A_1020 = arith.index_cast %mul3A_995 : i32 to index
      %swap3A_1021 = tpu.vector_load %arg10[%swap3A_1019, %swap3A_1020] {strides = array<i32>} : memref<2x4096xf32, #tpu.memory_space<vmem>>, vector<16xf32>,
      tpu.vector_store %arg10[%swap3A_1019, %swap3A_1020], %add3A_1017 {strides = array<i32>} : memref<2x4096xf32, #tpu.memory_space<vmem>>, vector<16xf32>,
      %add3A_1022 = arith.addf %get3A_1015, %sub3A_1016 : vector<16xf32>
      %add3A_1023 = arith.constant 16 : i32
      %add3A_1024 = arith.addi %mul3A_995, %add3A_1023 : i32
      %swap3A_1025 = arith.constant 0 : i32
      %swap3A_1026 = arith.index_cast %swap3A_1025 : i32 to index
      %swap3A_1027 = arith.index_cast %add3A_1024 : i32 to index
      %swap3A_1028 = tpu.vector_load %arg10[%swap3A_1026, %swap3A_1027] {strides = array<i32>} : memref<2x4096xf32, #tpu.memory_space<vmem>>, vector<16xf32>,
      tpu.vector_store %arg10[%swap3A_1026, %swap3A_1027], %add3A_1022 {strides = array<i32>} : memref<2x4096xf32, #tpu.memory_space<vmem>>, vector<16xf32>,
      %mul3A_1029 = arith.mulf %sub3A, %sub3A : vector<16xf32>
      %mul3A_1030 = arith.mulf %sub3A_1016, %sub3A_1016 : vector<16xf32>
      %add3A_1031 = arith.addf %mul3A_1029, %mul3A_1030 : vector<16xf32>
      %add3A_1032 = arith.addf %scan3A_993, %add3A_1031 : vector<16xf32>
      scf.yield %add3A_1032 : vector<16xf32>
    }
    %scan3A_46 = arith.constant 128 : i32
    %dma_start3A_47 = arith.constant 0 : i32
    %dma_start3A_48 = arith.constant 0 : i32
    %dma_start3A_49 = arith.constant 0 : i32
    %dma_start3A_50 = tpu.memref_slice %arg10[%dma_start3A_47, %dma_start3A_49] : memref<2x4096xf32, #tpu.memory_space<vmem>> -> memref<1x4096xf32, #tpu.memory_space<vmem>>
    %dma_start3A_51 = tpu.memref_squeeze %dma_start3A_50 : memref<1x4096xf32, #tpu.memory_space<vmem>> -> memref<4096xf32, #tpu.memory_space<vmem>>
    %dma_start3A_52 = arith.constant 0 : i32
    %dma_start3A_53 = tpu.memref_slice %arg5[%dma_start3A_48, %add3A, %dma_start3A_52] : memref<16x32x4096xf32, #tpu.memory_space<hbm>> -> memref<1x1x4096xf32, #tpu.memory_space<hbm>>
    %dma_start3A_54 = tpu.memref_squeeze %dma_start3A_53 : memref<1x1x4096xf32, #tpu.memory_space<hbm>> -> memref<4096xf32, #tpu.memory_space<hbm>>
    %dma_start3A_55 = arith.constant 0 : i32
    %dma_start3A_56 = tpu.memref_slice %arg5[%dma_start3A_48, %add3A, %dma_start3A_55] : memref<16x32x4096xf32, #tpu.memory_space<hbm>> -> memref<1x1x4096xf32, #tpu.memory_space<hbm>>
    %dma_start3A_57 = tpu.memref_squeeze %dma_start3A_56 : memref<1x1x4096xf32, #tpu.memory_space<hbm>> -> memref<4096xf32, #tpu.memory_space<hbm>>
    %dma_start3A_58 = arith.constant 0 : i32
    %dma_start3A_59 = tpu.memref_slice %arg10[%dma_start3A_47, %dma_start3A_58] : memref<2x4096xf32, #tpu.memory_space<vmem>> -> memref<1x4096xf32, #tpu.memory_space<vmem>>
    %dma_start3A_60 = tpu.memref_squeeze %dma_start3A_59 : memref<1x4096xf32, #tpu.memory_space<vmem>> -> memref<4096xf32, #tpu.memory_space<vmem>>
    tpu.enqueue_dma source(%dma_start3A_60 : memref<4096xf32, #tpu.memory_space<vmem>>) target(%dma_start3A_57 : memref<4096xf32, #tpu.memory_space<hbm>>) target_semaphore(%arg14 : memref<!tpu.dma_semaphore, #tpu.memory_space<semaphore_mem>>)
    %dma_wait3A_61 = arith.constant 1 : i32
    %dma_wait3A_62 = arith.constant 1 : i32
    %dma_wait3A_63 = arith.constant 0 : i32
    %dma_wait3A_64 = tpu.memref_slice %arg9[%dma_wait3A_62, %dma_wait3A_63] : memref<2x4096xf32, #tpu.memory_space<vmem>> -> memref<1x4096xf32, #tpu.memory_space<vmem>>
    %dma_wait3A_65 = tpu.memref_squeeze %dma_wait3A_64 : memref<1x4096xf32, #tpu.memory_space<vmem>> -> memref<4096xf32, #tpu.memory_space<vmem>>
    %dma_wait3A_66 = arith.constant 0 : i32
    %dma_wait3A_67 = tpu.memref_slice %arg4[%dma_wait3A_61, %add3A, %dma_wait3A_66] : memref<16x32x4096xf32, #tpu.memory_space<hbm>> -> memref<1x1x4096xf32, #tpu.memory_space<hbm>>
    %dma_wait3A_68 = tpu.memref_squeeze %dma_wait3A_67 : memref<1x1x4096xf32, #tpu.memory_space<hbm>> -> memref<4096xf32, #tpu.memory_space<hbm>>
    %dma_wait3A_69 = arith.constant 0 : i32
    %dma_wait3A_70 = tpu.memref_slice %arg9[%dma_wait3A_62, %dma_wait3A_69] : memref<2x4096xf32, #tpu.memory_space<vmem>> -> memref<1x4096xf32, #tpu.memory_space<vmem>>
    %dma_wait3A_71 = tpu.memref_squeeze %dma_wait3A_70 : memref<1x4096xf32, #tpu.memory_space<vmem>> -> memref<4096xf32, #tpu.memory_space<vmem>>
    %dma_wait3A_72 = arith.constant 0 : i32
    %dma_wait3A_73 = tpu.memref_slice %arg4[%dma_wait3A_61, %add3A, %dma_wait3A_72] : memref<16x32x4096xf32, #tpu.memory_space<hbm>> -> memref<1x1x4096xf32, #tpu.memory_space<hbm>>
    %dma_wait3A_74 = tpu.memref_squeeze %dma_wait3A_73 : memref<1x1x4096xf32, #tpu.memory_space<hbm>> -> memref<4096xf32, #tpu.memory_space<hbm>>
    tpu.wait_dma2 semaphore(%arg13 : memref<!tpu.dma_semaphore, #tpu.memory_space<semaphore_mem>>) src(%dma_wait3A_74 : memref<4096xf32, #tpu.memory_space<hbm>>) dst(%dma_wait3A_71 : memref<4096xf32, #tpu.memory_space<vmem>>)
    %dma_start3A_75 = arith.constant 2 : i32
    %dma_start3A_76 = arith.constant 0 : i32
    %dma_start3A_77 = arith.constant 0 : i32
    %dma_start3A_78 = tpu.memref_slice %arg9[%dma_start3A_76, %dma_start3A_77] : memref<2x4096xf32, #tpu.memory_space<vmem>> -> memref<1x4096xf32, #tpu.memory_space<vmem>>
    %dma_start3A_79 = tpu.memref_squeeze %dma_start3A_78 : memref<1x4096xf32, #tpu.memory_space<vmem>> -> memref<4096xf32, #tpu.memory_space<vmem>>
    %dma_start3A_80 = arith.constant 0 : i32
    %dma_start3A_81 = tpu.memref_slice %arg4[%dma_start3A_75, %add3A, %dma_start3A_80] : memref<16x32x4096xf32, #tpu.memory_space<hbm>> -> memref<1x1x4096xf32, #tpu.memory_space<hbm>>
    %dma_start3A_82 = tpu.memref_squeeze %dma_start3A_81 : memref<1x1x4096xf32, #tpu.memory_space<hbm>> -> memref<4096xf32, #tpu.memory_space<hbm>>
    %dma_start3A_83 = arith.constant 0 : i32
    %dma_start3A_84 = tpu.memref_slice %arg9[%dma_start3A_76, %dma_start3A_83] : memref<2x4096xf32, #tpu.memory_space<vmem>> -> memref<1x4096xf32, #tpu.memory_space<vmem>>
    %dma_start3A_85 = tpu.memref_squeeze %dma_start3A_84 : memref<1x4096xf32, #tpu.memory_space<vmem>> -> memref<4096xf32, #tpu.memory_space<vmem>>
    %dma_start3A_86 = arith.constant 0 : i32
    %dma_start3A_87 = tpu.memref_slice %arg4[%dma_start3A_75, %add3A, %dma_start3A_86] : memref<16x32x4096xf32, #tpu.memory_space<hbm>> -> memref<1x1x4096xf32, #tpu.memory_space<hbm>>
    %dma_start3A_88 = tpu.memref_squeeze %dma_start3A_87 : memref<1x1x4096xf32, #tpu.memory_space<hbm>> -> memref<4096xf32, #tpu.memory_space<hbm>>
    tpu.enqueue_dma source(%dma_start3A_88 : memref<4096xf32, #tpu.memory_space<hbm>>) target(%dma_start3A_85 : memref<4096xf32, #tpu.memory_space<vmem>>) target_semaphore(%arg12 : memref<!tpu.dma_semaphore, #tpu.memory_space<semaphore_mem>>)
    %scan3A_89 = arith.constant 0 : i32
    %scan3A_90 = arith.constant 128 : i32
    %scan3A_91 = arith.addi %scan3A_89, %scan3A_90 : i32
    %scan3A_92 = arith.constant 1 : i32
    %scan3A_93 = scf.for %scan3A_992 = %scan3A_89 to %scan3A_91 step %scan3A_92 iter_args(%scan3A_993 = %scan3A_45) -> (vector<16xf32>)  : i32 {
      %mul3A_994 = arith.constant 32 : i32
      %mul3A_995 = arith.muli %scan3A_992, %mul3A_994 : i32
      %add3A_996 = arith.constant 4096 : i32
      %add3A_997 = arith.addi %add3A_996, %mul3A_995 : i32
      %get3A = arith.index_cast %add3A_997 : i32 to index
      %get3A_998 = tpu.vector_load %arg8[%get3A] {strides = array<i32>} : memref<65536xi32, #tpu.memory_space<vmem>>, vector<16xi32>,
      %add3A_999 = arith.constant 4096 : i32
      %add3A_1000 = arith.addi %add3A_999, %mul3A_995 : i32
      %add3A_1001 = arith.constant 16 : i32
      %add3A_1002 = arith.addi %add3A_1000, %add3A_1001 : i32
      %get3A_1003 = arith.index_cast %add3A_1002 : i32 to index
      %get3A_1004 = tpu.vector_load %arg8[%get3A_1003] {strides = array<i32>} : memref<65536xi32, #tpu.memory_space<vmem>>, vector<16xi32>,
      %gather3A = tpu.vector_load_idx %arg7[%get3A_998] : memref<8192xf32, #tpu.memory_space<vmem>>[vector<16xi32>], vector<16xf32>,
      %gather3A_1005 = tpu.vector_load_idx %arg7[%get3A_1004] : memref<8192xf32, #tpu.memory_space<vmem>>[vector<16xi32>], vector<16xf32>,
      %get3A_1006 = arith.constant 1 : i32
      %get3A_1007 = arith.index_cast %get3A_1006 : i32 to index
      %get3A_1008 = arith.index_cast %mul3A_995 : i32 to index
      %get3A_1009 = tpu.vector_load %arg9[%get3A_1007, %get3A_1008] {strides = array<i32>} : memref<2x4096xf32, #tpu.memory_space<vmem>>, vector<16xf32>,
      %add3A_1010 = arith.constant 16 : i32
      %add3A_1011 = arith.addi %mul3A_995, %add3A_1010 : i32
      %get3A_1012 = arith.constant 1 : i32
      %get3A_1013 = arith.index_cast %get3A_1012 : i32 to index
      %get3A_1014 = arith.index_cast %add3A_1011 : i32 to index
      %get3A_1015 = tpu.vector_load %arg9[%get3A_1013, %get3A_1014] {strides = array<i32>} : memref<2x4096xf32, #tpu.memory_space<vmem>>, vector<16xf32>,
      %sub3A = arith.subf %gather3A, %get3A_1009 : vector<16xf32>
      %sub3A_1016 = arith.subf %gather3A_1005, %get3A_1015 : vector<16xf32>
      %add3A_1017 = arith.addf %get3A_1009, %sub3A : vector<16xf32>
      %swap3A_1018 = arith.constant 1 : i32
      %swap3A_1019 = arith.index_cast %swap3A_1018 : i32 to index
      %swap3A_1020 = arith.index_cast %mul3A_995 : i32 to index
      %swap3A_1021 = tpu.vector_load %arg10[%swap3A_1019, %swap3A_1020] {strides = array<i32>} : memref<2x4096xf32, #tpu.memory_space<vmem>>, vector<16xf32>,
      tpu.vector_store %arg10[%swap3A_1019, %swap3A_1020], %add3A_1017 {strides = array<i32>} : memref<2x4096xf32, #tpu.memory_space<vmem>>, vector<16xf32>,
      %add3A_1022 = arith.addf %get3A_1015, %sub3A_1016 : vector<16xf32>
      %add3A_1023 = arith.constant 16 : i32
      %add3A_1024 = arith.addi %mul3A_995, %add3A_1023 : i32
      %swap3A_1025 = arith.constant 1 : i32
      %swap3A_1026 = arith.index_cast %swap3A_1025 : i32 to index
      %swap3A_1027 = arith.index_cast %add3A_1024 : i32 to index
      %swap3A_1028 = tpu.vector_load %arg10[%swap3A_1026, %swap3A_1027] {strides = array<i32>} : memref<2x4096xf32, #tpu.memory_space<vmem>>, vector<16xf32>,
      tpu.vector_store %arg10[%swap3A_1026, %swap3A_1027], %add3A_1022 {strides = array<i32>} : memref<2x4096xf32, #tpu.memory_space<vmem>>, vector<16xf32>,
      %mul3A_1029 = arith.mulf %sub3A, %sub3A : vector<16xf32>
      %mul3A_1030 = arith.mulf %sub3A_1016, %sub3A_1016 : vector<16xf32>
      %add3A_1031 = arith.addf %mul3A_1029, %mul3A_1030 : vector<16xf32>
      %add3A_1032 = arith.addf %scan3A_993, %add3A_1031 : vector<16xf32>
      scf.yield %add3A_1032 : vector<16xf32>
    }
    %scan3A_94 = arith.constant 128 : i32
    %dma_start3A_95 = arith.constant 1 : i32
    %dma_start3A_96 = arith.constant 1 : i32
    %dma_start3A_97 = arith.constant 0 : i32
    %dma_start3A_98 = tpu.memref_slice %arg10[%dma_start3A_95, %dma_start3A_97] : memref<2x4096xf32, #tpu.memory_space<vmem>> -> memref<1x4096xf32, #tpu.memory_space<vmem>>
    %dma_start3A_99 = tpu.memref_squeeze %dma_start3A_98 : memref<1x4096xf32, #tpu.memory_space<vmem>> -> memref<4096xf32, #tpu.memory_space<vmem>>
    %dma_start3A_100 = arith.constant 0 : i32
    %dma_start3A_101 = tpu.memref_slice %arg5[%dma_start3A_96, %add3A, %dma_start3A_100] : memref<16x32x4096xf32, #tpu.memory_space<hbm>> -> memref<1x1x4096xf32, #tpu.memory_space<hbm>>
    %dma_start3A_102 = tpu.memref_squeeze %dma_start3A_101 : memref<1x1x4096xf32, #tpu.memory_space<hbm>> -> memref<4096xf32, #tpu.memory_space<hbm>>
    %dma_start3A_103 = arith.constant 0 : i32
    %dma_start3A_104 = tpu.memref_slice %arg5[%dma_start3A_96, %add3A, %dma_start3A_103] : memref<16x32x4096xf32, #tpu.memory_space<hbm>> -> memref<1x1x4096xf32, #tpu.memory_space<hbm>>
    %dma_start3A_105 = tpu.memref_squeeze %dma_start3A_104 : memref<1x1x4096xf32, #tpu.memory_space<hbm>> -> memref<4096xf32, #tpu.memory_space<hbm>>
    %dma_start3A_106 = arith.constant 0 : i32
    %dma_start3A_107 = tpu.memref_slice %arg10[%dma_start3A_95, %dma_start3A_106] : memref<2x4096xf32, #tpu.memory_space<vmem>> -> memref<1x4096xf32, #tpu.memory_space<vmem>>
    %dma_start3A_108 = tpu.memref_squeeze %dma_start3A_107 : memref<1x4096xf32, #tpu.memory_space<vmem>> -> memref<4096xf32, #tpu.memory_space<vmem>>
    tpu.enqueue_dma source(%dma_start3A_108 : memref<4096xf32, #tpu.memory_space<vmem>>) target(%dma_start3A_105 : memref<4096xf32, #tpu.memory_space<hbm>>) target_semaphore(%arg15 : memref<!tpu.dma_semaphore, #tpu.memory_space<semaphore_mem>>)
    %dma_wait3A_109 = arith.constant 2 : i32
    %dma_wait3A_110 = arith.constant 0 : i32
    %dma_wait3A_111 = arith.constant 0 : i32
    %dma_wait3A_112 = tpu.memref_slice %arg9[%dma_wait3A_110, %dma_wait3A_111] : memref<2x4096xf32, #tpu.memory_space<vmem>> -> memref<1x4096xf32, #tpu.memory_space<vmem>>
    %dma_wait3A_113 = tpu.memref_squeeze %dma_wait3A_112 : memref<1x4096xf32, #tpu.memory_space<vmem>> -> memref<4096xf32, #tpu.memory_space<vmem>>
    %dma_wait3A_114 = arith.constant 0 : i32
    %dma_wait3A_115 = tpu.memref_slice %arg4[%dma_wait3A_109, %add3A, %dma_wait3A_114] : memref<16x32x4096xf32, #tpu.memory_space<hbm>> -> memref<1x1x4096xf32, #tpu.memory_space<hbm>>
    %dma_wait3A_116 = tpu.memref_squeeze %dma_wait3A_115 : memref<1x1x4096xf32, #tpu.memory_space<hbm>> -> memref<4096xf32, #tpu.memory_space<hbm>>
    %dma_wait3A_117 = arith.constant 0 : i32
    %dma_wait3A_118 = tpu.memref_slice %arg9[%dma_wait3A_110, %dma_wait3A_117] : memref<2x4096xf32, #tpu.memory_space<vmem>> -> memref<1x4096xf32, #tpu.memory_space<vmem>>
    %dma_wait3A_119 = tpu.memref_squeeze %dma_wait3A_118 : memref<1x4096xf32, #tpu.memory_space<vmem>> -> memref<4096xf32, #tpu.memory_space<vmem>>
    %dma_wait3A_120 = arith.constant 0 : i32
    %dma_wait3A_121 = tpu.memref_slice %arg4[%dma_wait3A_109, %add3A, %dma_wait3A_120] : memref<16x32x4096xf32, #tpu.memory_space<hbm>> -> memref<1x1x4096xf32, #tpu.memory_space<hbm>>
    %dma_wait3A_122 = tpu.memref_squeeze %dma_wait3A_121 : memref<1x1x4096xf32, #tpu.memory_space<hbm>> -> memref<4096xf32, #tpu.memory_space<hbm>>
    tpu.wait_dma2 semaphore(%arg12 : memref<!tpu.dma_semaphore, #tpu.memory_space<semaphore_mem>>) src(%dma_wait3A_122 : memref<4096xf32, #tpu.memory_space<hbm>>) dst(%dma_wait3A_119 : memref<4096xf32, #tpu.memory_space<vmem>>)
    %dma_start3A_123 = arith.constant 3 : i32
    %dma_start3A_124 = arith.constant 1 : i32
    %dma_start3A_125 = arith.constant 0 : i32
    %dma_start3A_126 = tpu.memref_slice %arg9[%dma_start3A_124, %dma_start3A_125] : memref<2x4096xf32, #tpu.memory_space<vmem>> -> memref<1x4096xf32, #tpu.memory_space<vmem>>
    %dma_start3A_127 = tpu.memref_squeeze %dma_start3A_126 : memref<1x4096xf32, #tpu.memory_space<vmem>> -> memref<4096xf32, #tpu.memory_space<vmem>>
    %dma_start3A_128 = arith.constant 0 : i32
    %dma_start3A_129 = tpu.memref_slice %arg4[%dma_start3A_123, %add3A, %dma_start3A_128] : memref<16x32x4096xf32, #tpu.memory_space<hbm>> -> memref<1x1x4096xf32, #tpu.memory_space<hbm>>
    %dma_start3A_130 = tpu.memref_squeeze %dma_start3A_129 : memref<1x1x4096xf32, #tpu.memory_space<hbm>> -> memref<4096xf32, #tpu.memory_space<hbm>>
    %dma_start3A_131 = arith.constant 0 : i32
    %dma_start3A_132 = tpu.memref_slice %arg9[%dma_start3A_124, %dma_start3A_131] : memref<2x4096xf32, #tpu.memory_space<vmem>> -> memref<1x4096xf32, #tpu.memory_space<vmem>>
    %dma_start3A_133 = tpu.memref_squeeze %dma_start3A_132 : memref<1x4096xf32, #tpu.memory_space<vmem>> -> memref<4096xf32, #tpu.memory_space<vmem>>
    %dma_start3A_134 = arith.constant 0 : i32
    %dma_start3A_135 = tpu.memref_slice %arg4[%dma_start3A_123, %add3A, %dma_start3A_134] : memref<16x32x4096xf32, #tpu.memory_space<hbm>> -> memref<1x1x4096xf32, #tpu.memory_space<hbm>>
    %dma_start3A_136 = tpu.memref_squeeze %dma_start3A_135 : memref<1x1x4096xf32, #tpu.memory_space<hbm>> -> memref<4096xf32, #tpu.memory_space<hbm>>
    tpu.enqueue_dma source(%dma_start3A_136 : memref<4096xf32, #tpu.memory_space<hbm>>) target(%dma_start3A_133 : memref<4096xf32, #tpu.memory_space<vmem>>) target_semaphore(%arg13 : memref<!tpu.dma_semaphore, #tpu.memory_space<semaphore_mem>>)
    %dma_wait3A_137 = arith.constant 0 : i32
    %dma_wait3A_138 = arith.constant 0 : i32
    %dma_wait3A_139 = arith.constant 0 : i32
    %dma_wait3A_140 = tpu.memref_slice %arg10[%dma_wait3A_137, %dma_wait3A_139] : memref<2x4096xf32, #tpu.memory_space<vmem>> -> memref<1x4096xf32, #tpu.memory_space<vmem>>
    %dma_wait3A_141 = tpu.memref_squeeze %dma_wait3A_140 : memref<1x4096xf32, #tpu.memory_space<vmem>> -> memref<4096xf32, #tpu.memory_space<vmem>>
    %dma_wait3A_142 = arith.constant 0 : i32
    %dma_wait3A_143 = tpu.memref_slice %arg5[%dma_wait3A_138, %add3A, %dma_wait3A_142] : memref<16x32x4096xf32, #tpu.memory_space<hbm>> -> memref<1x1x4096xf32, #tpu.memory_space<hbm>>
    %dma_wait3A_144 = tpu.memref_squeeze %dma_wait3A_143 : memref<1x1x4096xf32, #tpu.memory_space<hbm>> -> memref<4096xf32, #tpu.memory_space<hbm>>
    %dma_wait3A_145 = arith.constant 0 : i32
    %dma_wait3A_146 = tpu.memref_slice %arg5[%dma_wait3A_138, %add3A, %dma_wait3A_145] : memref<16x32x4096xf32, #tpu.memory_space<hbm>> -> memref<1x1x4096xf32, #tpu.memory_space<hbm>>
    %dma_wait3A_147 = tpu.memref_squeeze %dma_wait3A_146 : memref<1x1x4096xf32, #tpu.memory_space<hbm>> -> memref<4096xf32, #tpu.memory_space<hbm>>
    %dma_wait3A_148 = arith.constant 0 : i32
    %dma_wait3A_149 = tpu.memref_slice %arg10[%dma_wait3A_137, %dma_wait3A_148] : memref<2x4096xf32, #tpu.memory_space<vmem>> -> memref<1x4096xf32, #tpu.memory_space<vmem>>
    %dma_wait3A_150 = tpu.memref_squeeze %dma_wait3A_149 : memref<1x4096xf32, #tpu.memory_space<vmem>> -> memref<4096xf32, #tpu.memory_space<vmem>>
    tpu.wait_dma2 semaphore(%arg14 : memref<!tpu.dma_semaphore, #tpu.memory_space<semaphore_mem>>) src(%dma_wait3A_150 : memref<4096xf32, #tpu.memory_space<vmem>>) dst(%dma_wait3A_147 : memref<4096xf32, #tpu.memory_space<hbm>>)
    %scan3A_151 = arith.constant 0 : i32
    %scan3A_152 = arith.constant 128 : i32
    %scan3A_153 = arith.addi %scan3A_151, %scan3A_152 : i32
    %scan3A_154 = arith.constant 1 : i32
    %scan3A_155 = scf.for %scan3A_992 = %scan3A_151 to %scan3A_153 step %scan3A_154 iter_args(%scan3A_993 = %scan3A_93) -> (vector<16xf32>)  : i32 {
      %mul3A_994 = arith.constant 32 : i32
      %mul3A_995 = arith.muli %scan3A_992, %mul3A_994 : i32
      %add3A_996 = arith.constant 8192 : i32
      %add3A_997 = arith.addi %add3A_996, %mul3A_995 : i32
      %get3A = arith.index_cast %add3A_997 : i32 to index
      %get3A_998 = tpu.vector_load %arg8[%get3A] {strides = array<i32>} : memref<65536xi32, #tpu.memory_space<vmem>>, vector<16xi32>,
      %add3A_999 = arith.constant 8192 : i32
      %add3A_1000 = arith.addi %add3A_999, %mul3A_995 : i32
      %add3A_1001 = arith.constant 16 : i32
      %add3A_1002 = arith.addi %add3A_1000, %add3A_1001 : i32
      %get3A_1003 = arith.index_cast %add3A_1002 : i32 to index
      %get3A_1004 = tpu.vector_load %arg8[%get3A_1003] {strides = array<i32>} : memref<65536xi32, #tpu.memory_space<vmem>>, vector<16xi32>,
      %gather3A = tpu.vector_load_idx %arg7[%get3A_998] : memref<8192xf32, #tpu.memory_space<vmem>>[vector<16xi32>], vector<16xf32>,
      %gather3A_1005 = tpu.vector_load_idx %arg7[%get3A_1004] : memref<8192xf32, #tpu.memory_space<vmem>>[vector<16xi32>], vector<16xf32>,
      %get3A_1006 = arith.constant 0 : i32
      %get3A_1007 = arith.index_cast %get3A_1006 : i32 to index
      %get3A_1008 = arith.index_cast %mul3A_995 : i32 to index
      %get3A_1009 = tpu.vector_load %arg9[%get3A_1007, %get3A_1008] {strides = array<i32>} : memref<2x4096xf32, #tpu.memory_space<vmem>>, vector<16xf32>,
      %add3A_1010 = arith.constant 16 : i32
      %add3A_1011 = arith.addi %mul3A_995, %add3A_1010 : i32
      %get3A_1012 = arith.constant 0 : i32
      %get3A_1013 = arith.index_cast %get3A_1012 : i32 to index
      %get3A_1014 = arith.index_cast %add3A_1011 : i32 to index
      %get3A_1015 = tpu.vector_load %arg9[%get3A_1013, %get3A_1014] {strides = array<i32>} : memref<2x4096xf32, #tpu.memory_space<vmem>>, vector<16xf32>,
      %sub3A = arith.subf %gather3A, %get3A_1009 : vector<16xf32>
      %sub3A_1016 = arith.subf %gather3A_1005, %get3A_1015 : vector<16xf32>
      %add3A_1017 = arith.addf %get3A_1009, %sub3A : vector<16xf32>
      %swap3A_1018 = arith.constant 0 : i32
      %swap3A_1019 = arith.index_cast %swap3A_1018 : i32 to index
      %swap3A_1020 = arith.index_cast %mul3A_995 : i32 to index
      %swap3A_1021 = tpu.vector_load %arg10[%swap3A_1019, %swap3A_1020] {strides = array<i32>} : memref<2x4096xf32, #tpu.memory_space<vmem>>, vector<16xf32>,
      tpu.vector_store %arg10[%swap3A_1019, %swap3A_1020], %add3A_1017 {strides = array<i32>} : memref<2x4096xf32, #tpu.memory_space<vmem>>, vector<16xf32>,
      %add3A_1022 = arith.addf %get3A_1015, %sub3A_1016 : vector<16xf32>
      %add3A_1023 = arith.constant 16 : i32
      %add3A_1024 = arith.addi %mul3A_995, %add3A_1023 : i32
      %swap3A_1025 = arith.constant 0 : i32
      %swap3A_1026 = arith.index_cast %swap3A_1025 : i32 to index
      %swap3A_1027 = arith.index_cast %add3A_1024 : i32 to index
      %swap3A_1028 = tpu.vector_load %arg10[%swap3A_1026, %swap3A_1027] {strides = array<i32>} : memref<2x4096xf32, #tpu.memory_space<vmem>>, vector<16xf32>,
      tpu.vector_store %arg10[%swap3A_1026, %swap3A_1027], %add3A_1022 {strides = array<i32>} : memref<2x4096xf32, #tpu.memory_space<vmem>>, vector<16xf32>,
      %mul3A_1029 = arith.mulf %sub3A, %sub3A : vector<16xf32>
      %mul3A_1030 = arith.mulf %sub3A_1016, %sub3A_1016 : vector<16xf32>
      %add3A_1031 = arith.addf %mul3A_1029, %mul3A_1030 : vector<16xf32>
      %add3A_1032 = arith.addf %scan3A_993, %add3A_1031 : vector<16xf32>
      scf.yield %add3A_1032 : vector<16xf32>
    }
    %scan3A_156 = arith.constant 128 : i32
    %dma_start3A_157 = arith.constant 0 : i32
    %dma_start3A_158 = arith.constant 2 : i32
    %dma_start3A_159 = arith.constant 0 : i32
    %dma_start3A_160 = tpu.memref_slice %arg10[%dma_start3A_157, %dma_start3A_159] : memref<2x4096xf32, #tpu.memory_space<vmem>> -> memref<1x4096xf32, #tpu.memory_space<vmem>>
    %dma_start3A_161 = tpu.memref_squeeze %dma_start3A_160 : memref<1x4096xf32, #tpu.memory_space<vmem>> -> memref<4096xf32, #tpu.memory_space<vmem>>
    %dma_start3A_162 = arith.constant 0 : i32
    %dma_start3A_163 = tpu.memref_slice %arg5[%dma_start3A_158, %add3A, %dma_start3A_162] : memref<16x32x4096xf32, #tpu.memory_space<hbm>> -> memref<1x1x4096xf32, #tpu.memory_space<hbm>>
    %dma_start3A_164 = tpu.memref_squeeze %dma_start3A_163 : memref<1x1x4096xf32, #tpu.memory_space<hbm>> -> memref<4096xf32, #tpu.memory_space<hbm>>
    %dma_start3A_165 = arith.constant 0 : i32
    %dma_start3A_166 = tpu.memref_slice %arg5[%dma_start3A_158, %add3A, %dma_start3A_165] : memref<16x32x4096xf32, #tpu.memory_space<hbm>> -> memref<1x1x4096xf32, #tpu.memory_space<hbm>>
    %dma_start3A_167 = tpu.memref_squeeze %dma_start3A_166 : memref<1x1x4096xf32, #tpu.memory_space<hbm>> -> memref<4096xf32, #tpu.memory_space<hbm>>
    %dma_start3A_168 = arith.constant 0 : i32
    %dma_start3A_169 = tpu.memref_slice %arg10[%dma_start3A_157, %dma_start3A_168] : memref<2x4096xf32, #tpu.memory_space<vmem>> -> memref<1x4096xf32, #tpu.memory_space<vmem>>
    %dma_start3A_170 = tpu.memref_squeeze %dma_start3A_169 : memref<1x4096xf32, #tpu.memory_space<vmem>> -> memref<4096xf32, #tpu.memory_space<vmem>>
    tpu.enqueue_dma source(%dma_start3A_170 : memref<4096xf32, #tpu.memory_space<vmem>>) target(%dma_start3A_167 : memref<4096xf32, #tpu.memory_space<hbm>>) target_semaphore(%arg14 : memref<!tpu.dma_semaphore, #tpu.memory_space<semaphore_mem>>)
    %dma_wait3A_171 = arith.constant 3 : i32
    %dma_wait3A_172 = arith.constant 1 : i32
    %dma_wait3A_173 = arith.constant 0 : i32
    %dma_wait3A_174 = tpu.memref_slice %arg9[%dma_wait3A_172, %dma_wait3A_173] : memref<2x4096xf32, #tpu.memory_space<vmem>> -> memref<1x4096xf32, #tpu.memory_space<vmem>>
    %dma_wait3A_175 = tpu.memref_squeeze %dma_wait3A_174 : memref<1x4096xf32, #tpu.memory_space<vmem>> -> memref<4096xf32, #tpu.memory_space<vmem>>
    %dma_wait3A_176 = arith.constant 0 : i32
    %dma_wait3A_177 = tpu.memref_slice %arg4[%dma_wait3A_171, %add3A, %dma_wait3A_176] : memref<16x32x4096xf32, #tpu.memory_space<hbm>> -> memref<1x1x4096xf32, #tpu.memory_space<hbm>>
    %dma_wait3A_178 = tpu.memref_squeeze %dma_wait3A_177 : memref<1x1x4096xf32, #tpu.memory_space<hbm>> -> memref<4096xf32, #tpu.memory_space<hbm>>
    %dma_wait3A_179 = arith.constant 0 : i32
    %dma_wait3A_180 = tpu.memref_slice %arg9[%dma_wait3A_172, %dma_wait3A_179] : memref<2x4096xf32, #tpu.memory_space<vmem>> -> memref<1x4096xf32, #tpu.memory_space<vmem>>
    %dma_wait3A_181 = tpu.memref_squeeze %dma_wait3A_180 : memref<1x4096xf32, #tpu.memory_space<vmem>> -> memref<4096xf32, #tpu.memory_space<vmem>>
    %dma_wait3A_182 = arith.constant 0 : i32
    %dma_wait3A_183 = tpu.memref_slice %arg4[%dma_wait3A_171, %add3A, %dma_wait3A_182] : memref<16x32x4096xf32, #tpu.memory_space<hbm>> -> memref<1x1x4096xf32, #tpu.memory_space<hbm>>
    %dma_wait3A_184 = tpu.memref_squeeze %dma_wait3A_183 : memref<1x1x4096xf32, #tpu.memory_space<hbm>> -> memref<4096xf32, #tpu.memory_space<hbm>>
    tpu.wait_dma2 semaphore(%arg13 : memref<!tpu.dma_semaphore, #tpu.memory_space<semaphore_mem>>) src(%dma_wait3A_184 : memref<4096xf32, #tpu.memory_space<hbm>>) dst(%dma_wait3A_181 : memref<4096xf32, #tpu.memory_space<vmem>>)
    %dma_start3A_185 = arith.constant 4 : i32
    %dma_start3A_186 = arith.constant 0 : i32
    %dma_start3A_187 = arith.constant 0 : i32
    %dma_start3A_188 = tpu.memref_slice %arg9[%dma_start3A_186, %dma_start3A_187] : memref<2x4096xf32, #tpu.memory_space<vmem>> -> memref<1x4096xf32, #tpu.memory_space<vmem>>
    %dma_start3A_189 = tpu.memref_squeeze %dma_start3A_188 : memref<1x4096xf32, #tpu.memory_space<vmem>> -> memref<4096xf32, #tpu.memory_space<vmem>>
    %dma_start3A_190 = arith.constant 0 : i32
    %dma_start3A_191 = tpu.memref_slice %arg4[%dma_start3A_185, %add3A, %dma_start3A_190] : memref<16x32x4096xf32, #tpu.memory_space<hbm>> -> memref<1x1x4096xf32, #tpu.memory_space<hbm>>
    %dma_start3A_192 = tpu.memref_squeeze %dma_start3A_191 : memref<1x1x4096xf32, #tpu.memory_space<hbm>> -> memref<4096xf32, #tpu.memory_space<hbm>>
    %dma_start3A_193 = arith.constant 0 : i32
    %dma_start3A_194 = tpu.memref_slice %arg9[%dma_start3A_186, %dma_start3A_193] : memref<2x4096xf32, #tpu.memory_space<vmem>> -> memref<1x4096xf32, #tpu.memory_space<vmem>>
    %dma_start3A_195 = tpu.memref_squeeze %dma_start3A_194 : memref<1x4096xf32, #tpu.memory_space<vmem>> -> memref<4096xf32, #tpu.memory_space<vmem>>
    %dma_start3A_196 = arith.constant 0 : i32
    %dma_start3A_197 = tpu.memref_slice %arg4[%dma_start3A_185, %add3A, %dma_start3A_196] : memref<16x32x4096xf32, #tpu.memory_space<hbm>> -> memref<1x1x4096xf32, #tpu.memory_space<hbm>>
    %dma_start3A_198 = tpu.memref_squeeze %dma_start3A_197 : memref<1x1x4096xf32, #tpu.memory_space<hbm>> -> memref<4096xf32, #tpu.memory_space<hbm>>
    tpu.enqueue_dma source(%dma_start3A_198 : memref<4096xf32, #tpu.memory_space<hbm>>) target(%dma_start3A_195 : memref<4096xf32, #tpu.memory_space<vmem>>) target_semaphore(%arg12 : memref<!tpu.dma_semaphore, #tpu.memory_space<semaphore_mem>>)
    %dma_wait3A_199 = arith.constant 1 : i32
    %dma_wait3A_200 = arith.constant 1 : i32
    %dma_wait3A_201 = arith.constant 0 : i32
    %dma_wait3A_202 = tpu.memref_slice %arg10[%dma_wait3A_199, %dma_wait3A_201] : memref<2x4096xf32, #tpu.memory_space<vmem>> -> memref<1x4096xf32, #tpu.memory_space<vmem>>
    %dma_wait3A_203 = tpu.memref_squeeze %dma_wait3A_202 : memref<1x4096xf32, #tpu.memory_space<vmem>> -> memref<4096xf32, #tpu.memory_space<vmem>>
    %dma_wait3A_204 = arith.constant 0 : i32
    %dma_wait3A_205 = tpu.memref_slice %arg5[%dma_wait3A_200, %add3A, %dma_wait3A_204] : memref<16x32x4096xf32, #tpu.memory_space<hbm>> -> memref<1x1x4096xf32, #tpu.memory_space<hbm>>
    %dma_wait3A_206 = tpu.memref_squeeze %dma_wait3A_205 : memref<1x1x4096xf32, #tpu.memory_space<hbm>> -> memref<4096xf32, #tpu.memory_space<hbm>>
    %dma_wait3A_207 = arith.constant 0 : i32
    %dma_wait3A_208 = tpu.memref_slice %arg5[%dma_wait3A_200, %add3A, %dma_wait3A_207] : memref<16x32x4096xf32, #tpu.memory_space<hbm>> -> memref<1x1x4096xf32, #tpu.memory_space<hbm>>
    %dma_wait3A_209 = tpu.memref_squeeze %dma_wait3A_208 : memref<1x1x4096xf32, #tpu.memory_space<hbm>> -> memref<4096xf32, #tpu.memory_space<hbm>>
    %dma_wait3A_210 = arith.constant 0 : i32
    %dma_wait3A_211 = tpu.memref_slice %arg10[%dma_wait3A_199, %dma_wait3A_210] : memref<2x4096xf32, #tpu.memory_space<vmem>> -> memref<1x4096xf32, #tpu.memory_space<vmem>>
    %dma_wait3A_212 = tpu.memref_squeeze %dma_wait3A_211 : memref<1x4096xf32, #tpu.memory_space<vmem>> -> memref<4096xf32, #tpu.memory_space<vmem>>
    tpu.wait_dma2 semaphore(%arg15 : memref<!tpu.dma_semaphore, #tpu.memory_space<semaphore_mem>>) src(%dma_wait3A_212 : memref<4096xf32, #tpu.memory_space<vmem>>) dst(%dma_wait3A_209 : memref<4096xf32, #tpu.memory_space<hbm>>)
    %scan3A_213 = arith.constant 0 : i32
    %scan3A_214 = arith.constant 128 : i32
    %scan3A_215 = arith.addi %scan3A_213, %scan3A_214 : i32
    %scan3A_216 = arith.constant 1 : i32
    %scan3A_217 = scf.for %scan3A_992 = %scan3A_213 to %scan3A_215 step %scan3A_216 iter_args(%scan3A_993 = %scan3A_155) -> (vector<16xf32>)  : i32 {
      %mul3A_994 = arith.constant 32 : i32
      %mul3A_995 = arith.muli %scan3A_992, %mul3A_994 : i32
      %add3A_996 = arith.constant 12288 : i32
      %add3A_997 = arith.addi %add3A_996, %mul3A_995 : i32
      %get3A = arith.index_cast %add3A_997 : i32 to index
      %get3A_998 = tpu.vector_load %arg8[%get3A] {strides = array<i32>} : memref<65536xi32, #tpu.memory_space<vmem>>, vector<16xi32>,
      %add3A_999 = arith.constant 12288 : i32
      %add3A_1000 = arith.addi %add3A_999, %mul3A_995 : i32
      %add3A_1001 = arith.constant 16 : i32
      %add3A_1002 = arith.addi %add3A_1000, %add3A_1001 : i32
      %get3A_1003 = arith.index_cast %add3A_1002 : i32 to index
      %get3A_1004 = tpu.vector_load %arg8[%get3A_1003] {strides = array<i32>} : memref<65536xi32, #tpu.memory_space<vmem>>, vector<16xi32>,
      %gather3A = tpu.vector_load_idx %arg7[%get3A_998] : memref<8192xf32, #tpu.memory_space<vmem>>[vector<16xi32>], vector<16xf32>,
      %gather3A_1005 = tpu.vector_load_idx %arg7[%get3A_1004] : memref<8192xf32, #tpu.memory_space<vmem>>[vector<16xi32>], vector<16xf32>,
      %get3A_1006 = arith.constant 1 : i32
      %get3A_1007 = arith.index_cast %get3A_1006 : i32 to index
      %get3A_1008 = arith.index_cast %mul3A_995 : i32 to index
      %get3A_1009 = tpu.vector_load %arg9[%get3A_1007, %get3A_1008] {strides = array<i32>} : memref<2x4096xf32, #tpu.memory_space<vmem>>, vector<16xf32>,
      %add3A_1010 = arith.constant 16 : i32
      %add3A_1011 = arith.addi %mul3A_995, %add3A_1010 : i32
      %get3A_1012 = arith.constant 1 : i32
      %get3A_1013 = arith.index_cast %get3A_1012 : i32 to index
      %get3A_1014 = arith.index_cast %add3A_1011 : i32 to index
      %get3A_1015 = tpu.vector_load %arg9[%get3A_1013, %get3A_1014] {strides = array<i32>} : memref<2x4096xf32, #tpu.memory_space<vmem>>, vector<16xf32>,
      %sub3A = arith.subf %gather3A, %get3A_1009 : vector<16xf32>
      %sub3A_1016 = arith.subf %gather3A_1005, %get3A_1015 : vector<16xf32>
      %add3A_1017 = arith.addf %get3A_1009, %sub3A : vector<16xf32>
      %swap3A_1018 = arith.constant 1 : i32
      %swap3A_1019 = arith.index_cast %swap3A_1018 : i32 to index
      %swap3A_1020 = arith.index_cast %mul3A_995 : i32 to index
      %swap3A_1021 = tpu.vector_load %arg10[%swap3A_1019, %swap3A_1020] {strides = array<i32>} : memref<2x4096xf32, #tpu.memory_space<vmem>>, vector<16xf32>,
      tpu.vector_store %arg10[%swap3A_1019, %swap3A_1020], %add3A_1017 {strides = array<i32>} : memref<2x4096xf32, #tpu.memory_space<vmem>>, vector<16xf32>,
      %add3A_1022 = arith.addf %get3A_1015, %sub3A_1016 : vector<16xf32>
      %add3A_1023 = arith.constant 16 : i32
      %add3A_1024 = arith.addi %mul3A_995, %add3A_1023 : i32
      %swap3A_1025 = arith.constant 1 : i32
      %swap3A_1026 = arith.index_cast %swap3A_1025 : i32 to index
      %swap3A_1027 = arith.index_cast %add3A_1024 : i32 to index
      %swap3A_1028 = tpu.vector_load %arg10[%swap3A_1026, %swap3A_1027] {strides = array<i32>} : memref<2x4096xf32, #tpu.memory_space<vmem>>, vector<16xf32>,
      tpu.vector_store %arg10[%swap3A_1026, %swap3A_1027], %add3A_1022 {strides = array<i32>} : memref<2x4096xf32, #tpu.memory_space<vmem>>, vector<16xf32>,
      %mul3A_1029 = arith.mulf %sub3A, %sub3A : vector<16xf32>
      %mul3A_1030 = arith.mulf %sub3A_1016, %sub3A_1016 : vector<16xf32>
      %add3A_1031 = arith.addf %mul3A_1029, %mul3A_1030 : vector<16xf32>
      %add3A_1032 = arith.addf %scan3A_993, %add3A_1031 : vector<16xf32>
      scf.yield %add3A_1032 : vector<16xf32>
    }
    %scan3A_218 = arith.constant 128 : i32
    %dma_start3A_219 = arith.constant 1 : i32
    %dma_start3A_220 = arith.constant 3 : i32
    %dma_start3A_221 = arith.constant 0 : i32
    %dma_start3A_222 = tpu.memref_slice %arg10[%dma_start3A_219, %dma_start3A_221] : memref<2x4096xf32, #tpu.memory_space<vmem>> -> memref<1x4096xf32, #tpu.memory_space<vmem>>
    %dma_start3A_223 = tpu.memref_squeeze %dma_start3A_222 : memref<1x4096xf32, #tpu.memory_space<vmem>> -> memref<4096xf32, #tpu.memory_space<vmem>>
    %dma_start3A_224 = arith.constant 0 : i32
    %dma_start3A_225 = tpu.memref_slice %arg5[%dma_start3A_220, %add3A, %dma_start3A_224] : memref<16x32x4096xf32, #tpu.memory_space<hbm>> -> memref<1x1x4096xf32, #tpu.memory_space<hbm>>
    %dma_start3A_226 = tpu.memref_squeeze %dma_start3A_225 : memref<1x1x4096xf32, #tpu.memory_space<hbm>> -> memref<4096xf32, #tpu.memory_space<hbm>>
    %dma_start3A_227 = arith.constant 0 : i32
    %dma_start3A_228 = tpu.memref_slice %arg5[%dma_start3A_220, %add3A, %dma_start3A_227] : memref<16x32x4096xf32, #tpu.memory_space<hbm>> -> memref<1x1x4096xf32, #tpu.memory_space<hbm>>
    %dma_start3A_229 = tpu.memref_squeeze %dma_start3A_228 : memref<1x1x4096xf32, #tpu.memory_space<hbm>> -> memref<4096xf32, #tpu.memory_space<hbm>>
    %dma_start3A_230 = arith.constant 0 : i32
    %dma_start3A_231 = tpu.memref_slice %arg10[%dma_start3A_219, %dma_start3A_230] : memref<2x4096xf32, #tpu.memory_space<vmem>> -> memref<1x4096xf32, #tpu.memory_space<vmem>>
    %dma_start3A_232 = tpu.memref_squeeze %dma_start3A_231 : memref<1x4096xf32, #tpu.memory_space<vmem>> -> memref<4096xf32, #tpu.memory_space<vmem>>
    tpu.enqueue_dma source(%dma_start3A_232 : memref<4096xf32, #tpu.memory_space<vmem>>) target(%dma_start3A_229 : memref<4096xf32, #tpu.memory_space<hbm>>) target_semaphore(%arg15 : memref<!tpu.dma_semaphore, #tpu.memory_space<semaphore_mem>>)
    %dma_wait3A_233 = arith.constant 4 : i32
    %dma_wait3A_234 = arith.constant 0 : i32
    %dma_wait3A_235 = arith.constant 0 : i32
    %dma_wait3A_236 = tpu.memref_slice %arg9[%dma_wait3A_234, %dma_wait3A_235] : memref<2x4096xf32, #tpu.memory_space<vmem>> -> memref<1x4096xf32, #tpu.memory_space<vmem>>
    %dma_wait3A_237 = tpu.memref_squeeze %dma_wait3A_236 : memref<1x4096xf32, #tpu.memory_space<vmem>> -> memref<4096xf32, #tpu.memory_space<vmem>>
    %dma_wait3A_238 = arith.constant 0 : i32
    %dma_wait3A_239 = tpu.memref_slice %arg4[%dma_wait3A_233, %add3A, %dma_wait3A_238] : memref<16x32x4096xf32, #tpu.memory_space<hbm>> -> memref<1x1x4096xf32, #tpu.memory_space<hbm>>
    %dma_wait3A_240 = tpu.memref_squeeze %dma_wait3A_239 : memref<1x1x4096xf32, #tpu.memory_space<hbm>> -> memref<4096xf32, #tpu.memory_space<hbm>>
    %dma_wait3A_241 = arith.constant 0 : i32
    %dma_wait3A_242 = tpu.memref_slice %arg9[%dma_wait3A_234, %dma_wait3A_241] : memref<2x4096xf32, #tpu.memory_space<vmem>> -> memref<1x4096xf32, #tpu.memory_space<vmem>>
    %dma_wait3A_243 = tpu.memref_squeeze %dma_wait3A_242 : memref<1x4096xf32, #tpu.memory_space<vmem>> -> memref<4096xf32, #tpu.memory_space<vmem>>
    %dma_wait3A_244 = arith.constant 0 : i32
    %dma_wait3A_245 = tpu.memref_slice %arg4[%dma_wait3A_233, %add3A, %dma_wait3A_244] : memref<16x32x4096xf32, #tpu.memory_space<hbm>> -> memref<1x1x4096xf32, #tpu.memory_space<hbm>>
    %dma_wait3A_246 = tpu.memref_squeeze %dma_wait3A_245 : memref<1x1x4096xf32, #tpu.memory_space<hbm>> -> memref<4096xf32, #tpu.memory_space<hbm>>
    tpu.wait_dma2 semaphore(%arg12 : memref<!tpu.dma_semaphore, #tpu.memory_space<semaphore_mem>>) src(%dma_wait3A_246 : memref<4096xf32, #tpu.memory_space<hbm>>) dst(%dma_wait3A_243 : memref<4096xf32, #tpu.memory_space<vmem>>)
    %dma_start3A_247 = arith.constant 5 : i32
    %dma_start3A_248 = arith.constant 1 : i32
    %dma_start3A_249 = arith.constant 0 : i32
    %dma_start3A_250 = tpu.memref_slice %arg9[%dma_start3A_248, %dma_start3A_249] : memref<2x4096xf32, #tpu.memory_space<vmem>> -> memref<1x4096xf32, #tpu.memory_space<vmem>>
    %dma_start3A_251 = tpu.memref_squeeze %dma_start3A_250 : memref<1x4096xf32, #tpu.memory_space<vmem>> -> memref<4096xf32, #tpu.memory_space<vmem>>
    %dma_start3A_252 = arith.constant 0 : i32
    %dma_start3A_253 = tpu.memref_slice %arg4[%dma_start3A_247, %add3A, %dma_start3A_252] : memref<16x32x4096xf32, #tpu.memory_space<hbm>> -> memref<1x1x4096xf32, #tpu.memory_space<hbm>>
    %dma_start3A_254 = tpu.memref_squeeze %dma_start3A_253 : memref<1x1x4096xf32, #tpu.memory_space<hbm>> -> memref<4096xf32, #tpu.memory_space<hbm>>
    %dma_start3A_255 = arith.constant 0 : i32
    %dma_start3A_256 = tpu.memref_slice %arg9[%dma_start3A_248, %dma_start3A_255] : memref<2x4096xf32, #tpu.memory_space<vmem>> -> memref<1x4096xf32, #tpu.memory_space<vmem>>
    %dma_start3A_257 = tpu.memref_squeeze %dma_start3A_256 : memref<1x4096xf32, #tpu.memory_space<vmem>> -> memref<4096xf32, #tpu.memory_space<vmem>>
    %dma_start3A_258 = arith.constant 0 : i32
    %dma_start3A_259 = tpu.memref_slice %arg4[%dma_start3A_247, %add3A, %dma_start3A_258] : memref<16x32x4096xf32, #tpu.memory_space<hbm>> -> memref<1x1x4096xf32, #tpu.memory_space<hbm>>
    %dma_start3A_260 = tpu.memref_squeeze %dma_start3A_259 : memref<1x1x4096xf32, #tpu.memory_space<hbm>> -> memref<4096xf32, #tpu.memory_space<hbm>>
    tpu.enqueue_dma source(%dma_start3A_260 : memref<4096xf32, #tpu.memory_space<hbm>>) target(%dma_start3A_257 : memref<4096xf32, #tpu.memory_space<vmem>>) target_semaphore(%arg13 : memref<!tpu.dma_semaphore, #tpu.memory_space<semaphore_mem>>)
    %dma_wait3A_261 = arith.constant 0 : i32
    %dma_wait3A_262 = arith.constant 2 : i32
    %dma_wait3A_263 = arith.constant 0 : i32
    %dma_wait3A_264 = tpu.memref_slice %arg10[%dma_wait3A_261, %dma_wait3A_263] : memref<2x4096xf32, #tpu.memory_space<vmem>> -> memref<1x4096xf32, #tpu.memory_space<vmem>>
    %dma_wait3A_265 = tpu.memref_squeeze %dma_wait3A_264 : memref<1x4096xf32, #tpu.memory_space<vmem>> -> memref<4096xf32, #tpu.memory_space<vmem>>
    %dma_wait3A_266 = arith.constant 0 : i32
    %dma_wait3A_267 = tpu.memref_slice %arg5[%dma_wait3A_262, %add3A, %dma_wait3A_266] : memref<16x32x4096xf32, #tpu.memory_space<hbm>> -> memref<1x1x4096xf32, #tpu.memory_space<hbm>>
    %dma_wait3A_268 = tpu.memref_squeeze %dma_wait3A_267 : memref<1x1x4096xf32, #tpu.memory_space<hbm>> -> memref<4096xf32, #tpu.memory_space<hbm>>
    %dma_wait3A_269 = arith.constant 0 : i32
    %dma_wait3A_270 = tpu.memref_slice %arg5[%dma_wait3A_262, %add3A, %dma_wait3A_269] : memref<16x32x4096xf32, #tpu.memory_space<hbm>> -> memref<1x1x4096xf32, #tpu.memory_space<hbm>>
    %dma_wait3A_271 = tpu.memref_squeeze %dma_wait3A_270 : memref<1x1x4096xf32, #tpu.memory_space<hbm>> -> memref<4096xf32, #tpu.memory_space<hbm>>
    %dma_wait3A_272 = arith.constant 0 : i32
    %dma_wait3A_273 = tpu.memref_slice %arg10[%dma_wait3A_261, %dma_wait3A_272] : memref<2x4096xf32, #tpu.memory_space<vmem>> -> memref<1x4096xf32, #tpu.memory_space<vmem>>
    %dma_wait3A_274 = tpu.memref_squeeze %dma_wait3A_273 : memref<1x4096xf32, #tpu.memory_space<vmem>> -> memref<4096xf32, #tpu.memory_space<vmem>>
    tpu.wait_dma2 semaphore(%arg14 : memref<!tpu.dma_semaphore, #tpu.memory_space<semaphore_mem>>) src(%dma_wait3A_274 : memref<4096xf32, #tpu.memory_space<vmem>>) dst(%dma_wait3A_271 : memref<4096xf32, #tpu.memory_space<hbm>>)
    %scan3A_275 = arith.constant 0 : i32
    %scan3A_276 = arith.constant 128 : i32
    %scan3A_277 = arith.addi %scan3A_275, %scan3A_276 : i32
    %scan3A_278 = arith.constant 1 : i32
    %scan3A_279 = scf.for %scan3A_992 = %scan3A_275 to %scan3A_277 step %scan3A_278 iter_args(%scan3A_993 = %scan3A_217) -> (vector<16xf32>)  : i32 {
      %mul3A_994 = arith.constant 32 : i32
      %mul3A_995 = arith.muli %scan3A_992, %mul3A_994 : i32
      %add3A_996 = arith.constant 16384 : i32
      %add3A_997 = arith.addi %add3A_996, %mul3A_995 : i32
      %get3A = arith.index_cast %add3A_997 : i32 to index
      %get3A_998 = tpu.vector_load %arg8[%get3A] {strides = array<i32>} : memref<65536xi32, #tpu.memory_space<vmem>>, vector<16xi32>,
      %add3A_999 = arith.constant 16384 : i32
      %add3A_1000 = arith.addi %add3A_999, %mul3A_995 : i32
      %add3A_1001 = arith.constant 16 : i32
      %add3A_1002 = arith.addi %add3A_1000, %add3A_1001 : i32
      %get3A_1003 = arith.index_cast %add3A_1002 : i32 to index
      %get3A_1004 = tpu.vector_load %arg8[%get3A_1003] {strides = array<i32>} : memref<65536xi32, #tpu.memory_space<vmem>>, vector<16xi32>,
      %gather3A = tpu.vector_load_idx %arg7[%get3A_998] : memref<8192xf32, #tpu.memory_space<vmem>>[vector<16xi32>], vector<16xf32>,
      %gather3A_1005 = tpu.vector_load_idx %arg7[%get3A_1004] : memref<8192xf32, #tpu.memory_space<vmem>>[vector<16xi32>], vector<16xf32>,
      %get3A_1006 = arith.constant 0 : i32
      %get3A_1007 = arith.index_cast %get3A_1006 : i32 to index
      %get3A_1008 = arith.index_cast %mul3A_995 : i32 to index
      %get3A_1009 = tpu.vector_load %arg9[%get3A_1007, %get3A_1008] {strides = array<i32>} : memref<2x4096xf32, #tpu.memory_space<vmem>>, vector<16xf32>,
      %add3A_1010 = arith.constant 16 : i32
      %add3A_1011 = arith.addi %mul3A_995, %add3A_1010 : i32
      %get3A_1012 = arith.constant 0 : i32
      %get3A_1013 = arith.index_cast %get3A_1012 : i32 to index
      %get3A_1014 = arith.index_cast %add3A_1011 : i32 to index
      %get3A_1015 = tpu.vector_load %arg9[%get3A_1013, %get3A_1014] {strides = array<i32>} : memref<2x4096xf32, #tpu.memory_space<vmem>>, vector<16xf32>,
      %sub3A = arith.subf %gather3A, %get3A_1009 : vector<16xf32>
      %sub3A_1016 = arith.subf %gather3A_1005, %get3A_1015 : vector<16xf32>
      %add3A_1017 = arith.addf %get3A_1009, %sub3A : vector<16xf32>
      %swap3A_1018 = arith.constant 0 : i32
      %swap3A_1019 = arith.index_cast %swap3A_1018 : i32 to index
      %swap3A_1020 = arith.index_cast %mul3A_995 : i32 to index
      %swap3A_1021 = tpu.vector_load %arg10[%swap3A_1019, %swap3A_1020] {strides = array<i32>} : memref<2x4096xf32, #tpu.memory_space<vmem>>, vector<16xf32>,
      tpu.vector_store %arg10[%swap3A_1019, %swap3A_1020], %add3A_1017 {strides = array<i32>} : memref<2x4096xf32, #tpu.memory_space<vmem>>, vector<16xf32>,
      %add3A_1022 = arith.addf %get3A_1015, %sub3A_1016 : vector<16xf32>
      %add3A_1023 = arith.constant 16 : i32
      %add3A_1024 = arith.addi %mul3A_995, %add3A_1023 : i32
      %swap3A_1025 = arith.constant 0 : i32
      %swap3A_1026 = arith.index_cast %swap3A_1025 : i32 to index
      %swap3A_1027 = arith.index_cast %add3A_1024 : i32 to index
      %swap3A_1028 = tpu.vector_load %arg10[%swap3A_1026, %swap3A_1027] {strides = array<i32>} : memref<2x4096xf32, #tpu.memory_space<vmem>>, vector<16xf32>,
      tpu.vector_store %arg10[%swap3A_1026, %swap3A_1027], %add3A_1022 {strides = array<i32>} : memref<2x4096xf32, #tpu.memory_space<vmem>>, vector<16xf32>,
      %mul3A_1029 = arith.mulf %sub3A, %sub3A : vector<16xf32>
      %mul3A_1030 = arith.mulf %sub3A_1016, %sub3A_1016 : vector<16xf32>
      %add3A_1031 = arith.addf %mul3A_1029, %mul3A_1030 : vector<16xf32>
      %add3A_1032 = arith.addf %scan3A_993, %add3A_1031 : vector<16xf32>
      scf.yield %add3A_1032 : vector<16xf32>
    }
    %scan3A_280 = arith.constant 128 : i32
    %dma_start3A_281 = arith.constant 0 : i32
    %dma_start3A_282 = arith.constant 4 : i32
    %dma_start3A_283 = arith.constant 0 : i32
    %dma_start3A_284 = tpu.memref_slice %arg10[%dma_start3A_281, %dma_start3A_283] : memref<2x4096xf32, #tpu.memory_space<vmem>> -> memref<1x4096xf32, #tpu.memory_space<vmem>>
    %dma_start3A_285 = tpu.memref_squeeze %dma_start3A_284 : memref<1x4096xf32, #tpu.memory_space<vmem>> -> memref<4096xf32, #tpu.memory_space<vmem>>
    %dma_start3A_286 = arith.constant 0 : i32
    %dma_start3A_287 = tpu.memref_slice %arg5[%dma_start3A_282, %add3A, %dma_start3A_286] : memref<16x32x4096xf32, #tpu.memory_space<hbm>> -> memref<1x1x4096xf32, #tpu.memory_space<hbm>>
    %dma_start3A_288 = tpu.memref_squeeze %dma_start3A_287 : memref<1x1x4096xf32, #tpu.memory_space<hbm>> -> memref<4096xf32, #tpu.memory_space<hbm>>
    %dma_start3A_289 = arith.constant 0 : i32
    %dma_start3A_290 = tpu.memref_slice %arg5[%dma_start3A_282, %add3A, %dma_start3A_289] : memref<16x32x4096xf32, #tpu.memory_space<hbm>> -> memref<1x1x4096xf32, #tpu.memory_space<hbm>>
    %dma_start3A_291 = tpu.memref_squeeze %dma_start3A_290 : memref<1x1x4096xf32, #tpu.memory_space<hbm>> -> memref<4096xf32, #tpu.memory_space<hbm>>
    %dma_start3A_292 = arith.constant 0 : i32
    %dma_start3A_293 = tpu.memref_slice %arg10[%dma_start3A_281, %dma_start3A_292] : memref<2x4096xf32, #tpu.memory_space<vmem>> -> memref<1x4096xf32, #tpu.memory_space<vmem>>
    %dma_start3A_294 = tpu.memref_squeeze %dma_start3A_293 : memref<1x4096xf32, #tpu.memory_space<vmem>> -> memref<4096xf32, #tpu.memory_space<vmem>>
    tpu.enqueue_dma source(%dma_start3A_294 : memref<4096xf32, #tpu.memory_space<vmem>>) target(%dma_start3A_291 : memref<4096xf32, #tpu.memory_space<hbm>>) target_semaphore(%arg14 : memref<!tpu.dma_semaphore, #tpu.memory_space<semaphore_mem>>)
    %dma_wait3A_295 = arith.constant 5 : i32
    %dma_wait3A_296 = arith.constant 1 : i32
    %dma_wait3A_297 = arith.constant 0 : i32
    %dma_wait3A_298 = tpu.memref_slice %arg9[%dma_wait3A_296, %dma_wait3A_297] : memref<2x4096xf32, #tpu.memory_space<vmem>> -> memref<1x4096xf32, #tpu.memory_space<vmem>>
    %dma_wait3A_299 = tpu.memref_squeeze %dma_wait3A_298 : memref<1x4096xf32, #tpu.memory_space<vmem>> -> memref<4096xf32, #tpu.memory_space<vmem>>
    %dma_wait3A_300 = arith.constant 0 : i32
    %dma_wait3A_301 = tpu.memref_slice %arg4[%dma_wait3A_295, %add3A, %dma_wait3A_300] : memref<16x32x4096xf32, #tpu.memory_space<hbm>> -> memref<1x1x4096xf32, #tpu.memory_space<hbm>>
    %dma_wait3A_302 = tpu.memref_squeeze %dma_wait3A_301 : memref<1x1x4096xf32, #tpu.memory_space<hbm>> -> memref<4096xf32, #tpu.memory_space<hbm>>
    %dma_wait3A_303 = arith.constant 0 : i32
    %dma_wait3A_304 = tpu.memref_slice %arg9[%dma_wait3A_296, %dma_wait3A_303] : memref<2x4096xf32, #tpu.memory_space<vmem>> -> memref<1x4096xf32, #tpu.memory_space<vmem>>
    %dma_wait3A_305 = tpu.memref_squeeze %dma_wait3A_304 : memref<1x4096xf32, #tpu.memory_space<vmem>> -> memref<4096xf32, #tpu.memory_space<vmem>>
    %dma_wait3A_306 = arith.constant 0 : i32
    %dma_wait3A_307 = tpu.memref_slice %arg4[%dma_wait3A_295, %add3A, %dma_wait3A_306] : memref<16x32x4096xf32, #tpu.memory_space<hbm>> -> memref<1x1x4096xf32, #tpu.memory_space<hbm>>
    %dma_wait3A_308 = tpu.memref_squeeze %dma_wait3A_307 : memref<1x1x4096xf32, #tpu.memory_space<hbm>> -> memref<4096xf32, #tpu.memory_space<hbm>>
    tpu.wait_dma2 semaphore(%arg13 : memref<!tpu.dma_semaphore, #tpu.memory_space<semaphore_mem>>) src(%dma_wait3A_308 : memref<4096xf32, #tpu.memory_space<hbm>>) dst(%dma_wait3A_305 : memref<4096xf32, #tpu.memory_space<vmem>>)
    %dma_start3A_309 = arith.constant 6 : i32
    %dma_start3A_310 = arith.constant 0 : i32
    %dma_start3A_311 = arith.constant 0 : i32
    %dma_start3A_312 = tpu.memref_slice %arg9[%dma_start3A_310, %dma_start3A_311] : memref<2x4096xf32, #tpu.memory_space<vmem>> -> memref<1x4096xf32, #tpu.memory_space<vmem>>
    %dma_start3A_313 = tpu.memref_squeeze %dma_start3A_312 : memref<1x4096xf32, #tpu.memory_space<vmem>> -> memref<4096xf32, #tpu.memory_space<vmem>>
    %dma_start3A_314 = arith.constant 0 : i32
    %dma_start3A_315 = tpu.memref_slice %arg4[%dma_start3A_309, %add3A, %dma_start3A_314] : memref<16x32x4096xf32, #tpu.memory_space<hbm>> -> memref<1x1x4096xf32, #tpu.memory_space<hbm>>
    %dma_start3A_316 = tpu.memref_squeeze %dma_start3A_315 : memref<1x1x4096xf32, #tpu.memory_space<hbm>> -> memref<4096xf32, #tpu.memory_space<hbm>>
    %dma_start3A_317 = arith.constant 0 : i32
    %dma_start3A_318 = tpu.memref_slice %arg9[%dma_start3A_310, %dma_start3A_317] : memref<2x4096xf32, #tpu.memory_space<vmem>> -> memref<1x4096xf32, #tpu.memory_space<vmem>>
    %dma_start3A_319 = tpu.memref_squeeze %dma_start3A_318 : memref<1x4096xf32, #tpu.memory_space<vmem>> -> memref<4096xf32, #tpu.memory_space<vmem>>
    %dma_start3A_320 = arith.constant 0 : i32
    %dma_start3A_321 = tpu.memref_slice %arg4[%dma_start3A_309, %add3A, %dma_start3A_320] : memref<16x32x4096xf32, #tpu.memory_space<hbm>> -> memref<1x1x4096xf32, #tpu.memory_space<hbm>>
    %dma_start3A_322 = tpu.memref_squeeze %dma_start3A_321 : memref<1x1x4096xf32, #tpu.memory_space<hbm>> -> memref<4096xf32, #tpu.memory_space<hbm>>
    tpu.enqueue_dma source(%dma_start3A_322 : memref<4096xf32, #tpu.memory_space<hbm>>) target(%dma_start3A_319 : memref<4096xf32, #tpu.memory_space<vmem>>) target_semaphore(%arg12 : memref<!tpu.dma_semaphore, #tpu.memory_space<semaphore_mem>>)
    %dma_wait3A_323 = arith.constant 1 : i32
    %dma_wait3A_324 = arith.constant 3 : i32
    %dma_wait3A_325 = arith.constant 0 : i32
    %dma_wait3A_326 = tpu.memref_slice %arg10[%dma_wait3A_323, %dma_wait3A_325] : memref<2x4096xf32, #tpu.memory_space<vmem>> -> memref<1x4096xf32, #tpu.memory_space<vmem>>
    %dma_wait3A_327 = tpu.memref_squeeze %dma_wait3A_326 : memref<1x4096xf32, #tpu.memory_space<vmem>> -> memref<4096xf32, #tpu.memory_space<vmem>>
    %dma_wait3A_328 = arith.constant 0 : i32
    %dma_wait3A_329 = tpu.memref_slice %arg5[%dma_wait3A_324, %add3A, %dma_wait3A_328] : memref<16x32x4096xf32, #tpu.memory_space<hbm>> -> memref<1x1x4096xf32, #tpu.memory_space<hbm>>
    %dma_wait3A_330 = tpu.memref_squeeze %dma_wait3A_329 : memref<1x1x4096xf32, #tpu.memory_space<hbm>> -> memref<4096xf32, #tpu.memory_space<hbm>>
    %dma_wait3A_331 = arith.constant 0 : i32
    %dma_wait3A_332 = tpu.memref_slice %arg5[%dma_wait3A_324, %add3A, %dma_wait3A_331] : memref<16x32x4096xf32, #tpu.memory_space<hbm>> -> memref<1x1x4096xf32, #tpu.memory_space<hbm>>
    %dma_wait3A_333 = tpu.memref_squeeze %dma_wait3A_332 : memref<1x1x4096xf32, #tpu.memory_space<hbm>> -> memref<4096xf32, #tpu.memory_space<hbm>>
    %dma_wait3A_334 = arith.constant 0 : i32
    %dma_wait3A_335 = tpu.memref_slice %arg10[%dma_wait3A_323, %dma_wait3A_334] : memref<2x4096xf32, #tpu.memory_space<vmem>> -> memref<1x4096xf32, #tpu.memory_space<vmem>>
    %dma_wait3A_336 = tpu.memref_squeeze %dma_wait3A_335 : memref<1x4096xf32, #tpu.memory_space<vmem>> -> memref<4096xf32, #tpu.memory_space<vmem>>
    tpu.wait_dma2 semaphore(%arg15 : memref<!tpu.dma_semaphore, #tpu.memory_space<semaphore_mem>>) src(%dma_wait3A_336 : memref<4096xf32, #tpu.memory_space<vmem>>) dst(%dma_wait3A_333 : memref<4096xf32, #tpu.memory_space<hbm>>)
    %scan3A_337 = arith.constant 0 : i32
    %scan3A_338 = arith.constant 128 : i32
    %scan3A_339 = arith.addi %scan3A_337, %scan3A_338 : i32
    %scan3A_340 = arith.constant 1 : i32
    %scan3A_341 = scf.for %scan3A_992 = %scan3A_337 to %scan3A_339 step %scan3A_340 iter_args(%scan3A_993 = %scan3A_279) -> (vector<16xf32>)  : i32 {
      %mul3A_994 = arith.constant 32 : i32
      %mul3A_995 = arith.muli %scan3A_992, %mul3A_994 : i32
      %add3A_996 = arith.constant 20480 : i32
      %add3A_997 = arith.addi %add3A_996, %mul3A_995 : i32
      %get3A = arith.index_cast %add3A_997 : i32 to index
      %get3A_998 = tpu.vector_load %arg8[%get3A] {strides = array<i32>} : memref<65536xi32, #tpu.memory_space<vmem>>, vector<16xi32>,
      %add3A_999 = arith.constant 20480 : i32
      %add3A_1000 = arith.addi %add3A_999, %mul3A_995 : i32
      %add3A_1001 = arith.constant 16 : i32
      %add3A_1002 = arith.addi %add3A_1000, %add3A_1001 : i32
      %get3A_1003 = arith.index_cast %add3A_1002 : i32 to index
      %get3A_1004 = tpu.vector_load %arg8[%get3A_1003] {strides = array<i32>} : memref<65536xi32, #tpu.memory_space<vmem>>, vector<16xi32>,
      %gather3A = tpu.vector_load_idx %arg7[%get3A_998] : memref<8192xf32, #tpu.memory_space<vmem>>[vector<16xi32>], vector<16xf32>,
      %gather3A_1005 = tpu.vector_load_idx %arg7[%get3A_1004] : memref<8192xf32, #tpu.memory_space<vmem>>[vector<16xi32>], vector<16xf32>,
      %get3A_1006 = arith.constant 1 : i32
      %get3A_1007 = arith.index_cast %get3A_1006 : i32 to index
      %get3A_1008 = arith.index_cast %mul3A_995 : i32 to index
      %get3A_1009 = tpu.vector_load %arg9[%get3A_1007, %get3A_1008] {strides = array<i32>} : memref<2x4096xf32, #tpu.memory_space<vmem>>, vector<16xf32>,
      %add3A_1010 = arith.constant 16 : i32
      %add3A_1011 = arith.addi %mul3A_995, %add3A_1010 : i32
      %get3A_1012 = arith.constant 1 : i32
      %get3A_1013 = arith.index_cast %get3A_1012 : i32 to index
      %get3A_1014 = arith.index_cast %add3A_1011 : i32 to index
      %get3A_1015 = tpu.vector_load %arg9[%get3A_1013, %get3A_1014] {strides = array<i32>} : memref<2x4096xf32, #tpu.memory_space<vmem>>, vector<16xf32>,
      %sub3A = arith.subf %gather3A, %get3A_1009 : vector<16xf32>
      %sub3A_1016 = arith.subf %gather3A_1005, %get3A_1015 : vector<16xf32>
      %add3A_1017 = arith.addf %get3A_1009, %sub3A : vector<16xf32>
      %swap3A_1018 = arith.constant 1 : i32
      %swap3A_1019 = arith.index_cast %swap3A_1018 : i32 to index
      %swap3A_1020 = arith.index_cast %mul3A_995 : i32 to index
      %swap3A_1021 = tpu.vector_load %arg10[%swap3A_1019, %swap3A_1020] {strides = array<i32>} : memref<2x4096xf32, #tpu.memory_space<vmem>>, vector<16xf32>,
      tpu.vector_store %arg10[%swap3A_1019, %swap3A_1020], %add3A_1017 {strides = array<i32>} : memref<2x4096xf32, #tpu.memory_space<vmem>>, vector<16xf32>,
      %add3A_1022 = arith.addf %get3A_1015, %sub3A_1016 : vector<16xf32>
      %add3A_1023 = arith.constant 16 : i32
      %add3A_1024 = arith.addi %mul3A_995, %add3A_1023 : i32
      %swap3A_1025 = arith.constant 1 : i32
      %swap3A_1026 = arith.index_cast %swap3A_1025 : i32 to index
      %swap3A_1027 = arith.index_cast %add3A_1024 : i32 to index
      %swap3A_1028 = tpu.vector_load %arg10[%swap3A_1026, %swap3A_1027] {strides = array<i32>} : memref<2x4096xf32, #tpu.memory_space<vmem>>, vector<16xf32>,
      tpu.vector_store %arg10[%swap3A_1026, %swap3A_1027], %add3A_1022 {strides = array<i32>} : memref<2x4096xf32, #tpu.memory_space<vmem>>, vector<16xf32>,
      %mul3A_1029 = arith.mulf %sub3A, %sub3A : vector<16xf32>
      %mul3A_1030 = arith.mulf %sub3A_1016, %sub3A_1016 : vector<16xf32>
      %add3A_1031 = arith.addf %mul3A_1029, %mul3A_1030 : vector<16xf32>
      %add3A_1032 = arith.addf %scan3A_993, %add3A_1031 : vector<16xf32>
      scf.yield %add3A_1032 : vector<16xf32>
    }
    %scan3A_342 = arith.constant 128 : i32
    %dma_start3A_343 = arith.constant 1 : i32
    %dma_start3A_344 = arith.constant 5 : i32
    %dma_start3A_345 = arith.constant 0 : i32
    %dma_start3A_346 = tpu.memref_slice %arg10[%dma_start3A_343, %dma_start3A_345] : memref<2x4096xf32, #tpu.memory_space<vmem>> -> memref<1x4096xf32, #tpu.memory_space<vmem>>
    %dma_start3A_347 = tpu.memref_squeeze %dma_start3A_346 : memref<1x4096xf32, #tpu.memory_space<vmem>> -> memref<4096xf32, #tpu.memory_space<vmem>>
    %dma_start3A_348 = arith.constant 0 : i32
    %dma_start3A_349 = tpu.memref_slice %arg5[%dma_start3A_344, %add3A, %dma_start3A_348] : memref<16x32x4096xf32, #tpu.memory_space<hbm>> -> memref<1x1x4096xf32, #tpu.memory_space<hbm>>
    %dma_start3A_350 = tpu.memref_squeeze %dma_start3A_349 : memref<1x1x4096xf32, #tpu.memory_space<hbm>> -> memref<4096xf32, #tpu.memory_space<hbm>>
    %dma_start3A_351 = arith.constant 0 : i32
    %dma_start3A_352 = tpu.memref_slice %arg5[%dma_start3A_344, %add3A, %dma_start3A_351] : memref<16x32x4096xf32, #tpu.memory_space<hbm>> -> memref<1x1x4096xf32, #tpu.memory_space<hbm>>
    %dma_start3A_353 = tpu.memref_squeeze %dma_start3A_352 : memref<1x1x4096xf32, #tpu.memory_space<hbm>> -> memref<4096xf32, #tpu.memory_space<hbm>>
    %dma_start3A_354 = arith.constant 0 : i32
    %dma_start3A_355 = tpu.memref_slice %arg10[%dma_start3A_343, %dma_start3A_354] : memref<2x4096xf32, #tpu.memory_space<vmem>> -> memref<1x4096xf32, #tpu.memory_space<vmem>>
    %dma_start3A_356 = tpu.memref_squeeze %dma_start3A_355 : memref<1x4096xf32, #tpu.memory_space<vmem>> -> memref<4096xf32, #tpu.memory_space<vmem>>
    tpu.enqueue_dma source(%dma_start3A_356 : memref<4096xf32, #tpu.memory_space<vmem>>) target(%dma_start3A_353 : memref<4096xf32, #tpu.memory_space<hbm>>) target_semaphore(%arg15 : memref<!tpu.dma_semaphore, #tpu.memory_space<semaphore_mem>>)
    %dma_wait3A_357 = arith.constant 6 : i32
    %dma_wait3A_358 = arith.constant 0 : i32
    %dma_wait3A_359 = arith.constant 0 : i32
    %dma_wait3A_360 = tpu.memref_slice %arg9[%dma_wait3A_358, %dma_wait3A_359] : memref<2x4096xf32, #tpu.memory_space<vmem>> -> memref<1x4096xf32, #tpu.memory_space<vmem>>
    %dma_wait3A_361 = tpu.memref_squeeze %dma_wait3A_360 : memref<1x4096xf32, #tpu.memory_space<vmem>> -> memref<4096xf32, #tpu.memory_space<vmem>>
    %dma_wait3A_362 = arith.constant 0 : i32
    %dma_wait3A_363 = tpu.memref_slice %arg4[%dma_wait3A_357, %add3A, %dma_wait3A_362] : memref<16x32x4096xf32, #tpu.memory_space<hbm>> -> memref<1x1x4096xf32, #tpu.memory_space<hbm>>
    %dma_wait3A_364 = tpu.memref_squeeze %dma_wait3A_363 : memref<1x1x4096xf32, #tpu.memory_space<hbm>> -> memref<4096xf32, #tpu.memory_space<hbm>>
    %dma_wait3A_365 = arith.constant 0 : i32
    %dma_wait3A_366 = tpu.memref_slice %arg9[%dma_wait3A_358, %dma_wait3A_365] : memref<2x4096xf32, #tpu.memory_space<vmem>> -> memref<1x4096xf32, #tpu.memory_space<vmem>>
    %dma_wait3A_367 = tpu.memref_squeeze %dma_wait3A_366 : memref<1x4096xf32, #tpu.memory_space<vmem>> -> memref<4096xf32, #tpu.memory_space<vmem>>
    %dma_wait3A_368 = arith.constant 0 : i32
    %dma_wait3A_369 = tpu.memref_slice %arg4[%dma_wait3A_357, %add3A, %dma_wait3A_368] : memref<16x32x4096xf32, #tpu.memory_space<hbm>> -> memref<1x1x4096xf32, #tpu.memory_space<hbm>>
    %dma_wait3A_370 = tpu.memref_squeeze %dma_wait3A_369 : memref<1x1x4096xf32, #tpu.memory_space<hbm>> -> memref<4096xf32, #tpu.memory_space<hbm>>
    tpu.wait_dma2 semaphore(%arg12 : memref<!tpu.dma_semaphore, #tpu.memory_space<semaphore_mem>>) src(%dma_wait3A_370 : memref<4096xf32, #tpu.memory_space<hbm>>) dst(%dma_wait3A_367 : memref<4096xf32, #tpu.memory_space<vmem>>)
    %dma_start3A_371 = arith.constant 7 : i32
    %dma_start3A_372 = arith.constant 1 : i32
    %dma_start3A_373 = arith.constant 0 : i32
    %dma_start3A_374 = tpu.memref_slice %arg9[%dma_start3A_372, %dma_start3A_373] : memref<2x4096xf32, #tpu.memory_space<vmem>> -> memref<1x4096xf32, #tpu.memory_space<vmem>>
    %dma_start3A_375 = tpu.memref_squeeze %dma_start3A_374 : memref<1x4096xf32, #tpu.memory_space<vmem>> -> memref<4096xf32, #tpu.memory_space<vmem>>
    %dma_start3A_376 = arith.constant 0 : i32
    %dma_start3A_377 = tpu.memref_slice %arg4[%dma_start3A_371, %add3A, %dma_start3A_376] : memref<16x32x4096xf32, #tpu.memory_space<hbm>> -> memref<1x1x4096xf32, #tpu.memory_space<hbm>>
    %dma_start3A_378 = tpu.memref_squeeze %dma_start3A_377 : memref<1x1x4096xf32, #tpu.memory_space<hbm>> -> memref<4096xf32, #tpu.memory_space<hbm>>
    %dma_start3A_379 = arith.constant 0 : i32
    %dma_start3A_380 = tpu.memref_slice %arg9[%dma_start3A_372, %dma_start3A_379] : memref<2x4096xf32, #tpu.memory_space<vmem>> -> memref<1x4096xf32, #tpu.memory_space<vmem>>
    %dma_start3A_381 = tpu.memref_squeeze %dma_start3A_380 : memref<1x4096xf32, #tpu.memory_space<vmem>> -> memref<4096xf32, #tpu.memory_space<vmem>>
    %dma_start3A_382 = arith.constant 0 : i32
    %dma_start3A_383 = tpu.memref_slice %arg4[%dma_start3A_371, %add3A, %dma_start3A_382] : memref<16x32x4096xf32, #tpu.memory_space<hbm>> -> memref<1x1x4096xf32, #tpu.memory_space<hbm>>
    %dma_start3A_384 = tpu.memref_squeeze %dma_start3A_383 : memref<1x1x4096xf32, #tpu.memory_space<hbm>> -> memref<4096xf32, #tpu.memory_space<hbm>>
    tpu.enqueue_dma source(%dma_start3A_384 : memref<4096xf32, #tpu.memory_space<hbm>>) target(%dma_start3A_381 : memref<4096xf32, #tpu.memory_space<vmem>>) target_semaphore(%arg13 : memref<!tpu.dma_semaphore, #tpu.memory_space<semaphore_mem>>)
    %dma_wait3A_385 = arith.constant 0 : i32
    %dma_wait3A_386 = arith.constant 4 : i32
    %dma_wait3A_387 = arith.constant 0 : i32
    %dma_wait3A_388 = tpu.memref_slice %arg10[%dma_wait3A_385, %dma_wait3A_387] : memref<2x4096xf32, #tpu.memory_space<vmem>> -> memref<1x4096xf32, #tpu.memory_space<vmem>>
    %dma_wait3A_389 = tpu.memref_squeeze %dma_wait3A_388 : memref<1x4096xf32, #tpu.memory_space<vmem>> -> memref<4096xf32, #tpu.memory_space<vmem>>
    %dma_wait3A_390 = arith.constant 0 : i32
    %dma_wait3A_391 = tpu.memref_slice %arg5[%dma_wait3A_386, %add3A, %dma_wait3A_390] : memref<16x32x4096xf32, #tpu.memory_space<hbm>> -> memref<1x1x4096xf32, #tpu.memory_space<hbm>>
    %dma_wait3A_392 = tpu.memref_squeeze %dma_wait3A_391 : memref<1x1x4096xf32, #tpu.memory_space<hbm>> -> memref<4096xf32, #tpu.memory_space<hbm>>
    %dma_wait3A_393 = arith.constant 0 : i32
    %dma_wait3A_394 = tpu.memref_slice %arg5[%dma_wait3A_386, %add3A, %dma_wait3A_393] : memref<16x32x4096xf32, #tpu.memory_space<hbm>> -> memref<1x1x4096xf32, #tpu.memory_space<hbm>>
    %dma_wait3A_395 = tpu.memref_squeeze %dma_wait3A_394 : memref<1x1x4096xf32, #tpu.memory_space<hbm>> -> memref<4096xf32, #tpu.memory_space<hbm>>
    %dma_wait3A_396 = arith.constant 0 : i32
    %dma_wait3A_397 = tpu.memref_slice %arg10[%dma_wait3A_385, %dma_wait3A_396] : memref<2x4096xf32, #tpu.memory_space<vmem>> -> memref<1x4096xf32, #tpu.memory_space<vmem>>
    %dma_wait3A_398 = tpu.memref_squeeze %dma_wait3A_397 : memref<1x4096xf32, #tpu.memory_space<vmem>> -> memref<4096xf32, #tpu.memory_space<vmem>>
    tpu.wait_dma2 semaphore(%arg14 : memref<!tpu.dma_semaphore, #tpu.memory_space<semaphore_mem>>) src(%dma_wait3A_398 : memref<4096xf32, #tpu.memory_space<vmem>>) dst(%dma_wait3A_395 : memref<4096xf32, #tpu.memory_space<hbm>>)
    %scan3A_399 = arith.constant 0 : i32
    %scan3A_400 = arith.constant 128 : i32
    %scan3A_401 = arith.addi %scan3A_399, %scan3A_400 : i32
    %scan3A_402 = arith.constant 1 : i32
    %scan3A_403 = scf.for %scan3A_992 = %scan3A_399 to %scan3A_401 step %scan3A_402 iter_args(%scan3A_993 = %scan3A_341) -> (vector<16xf32>)  : i32 {
      %mul3A_994 = arith.constant 32 : i32
      %mul3A_995 = arith.muli %scan3A_992, %mul3A_994 : i32
      %add3A_996 = arith.constant 24576 : i32
      %add3A_997 = arith.addi %add3A_996, %mul3A_995 : i32
      %get3A = arith.index_cast %add3A_997 : i32 to index
      %get3A_998 = tpu.vector_load %arg8[%get3A] {strides = array<i32>} : memref<65536xi32, #tpu.memory_space<vmem>>, vector<16xi32>,
      %add3A_999 = arith.constant 24576 : i32
      %add3A_1000 = arith.addi %add3A_999, %mul3A_995 : i32
      %add3A_1001 = arith.constant 16 : i32
      %add3A_1002 = arith.addi %add3A_1000, %add3A_1001 : i32
      %get3A_1003 = arith.index_cast %add3A_1002 : i32 to index
      %get3A_1004 = tpu.vector_load %arg8[%get3A_1003] {strides = array<i32>} : memref<65536xi32, #tpu.memory_space<vmem>>, vector<16xi32>,
      %gather3A = tpu.vector_load_idx %arg7[%get3A_998] : memref<8192xf32, #tpu.memory_space<vmem>>[vector<16xi32>], vector<16xf32>,
      %gather3A_1005 = tpu.vector_load_idx %arg7[%get3A_1004] : memref<8192xf32, #tpu.memory_space<vmem>>[vector<16xi32>], vector<16xf32>,
      %get3A_1006 = arith.constant 0 : i32
      %get3A_1007 = arith.index_cast %get3A_1006 : i32 to index
      %get3A_1008 = arith.index_cast %mul3A_995 : i32 to index
      %get3A_1009 = tpu.vector_load %arg9[%get3A_1007, %get3A_1008] {strides = array<i32>} : memref<2x4096xf32, #tpu.memory_space<vmem>>, vector<16xf32>,
      %add3A_1010 = arith.constant 16 : i32
      %add3A_1011 = arith.addi %mul3A_995, %add3A_1010 : i32
      %get3A_1012 = arith.constant 0 : i32
      %get3A_1013 = arith.index_cast %get3A_1012 : i32 to index
      %get3A_1014 = arith.index_cast %add3A_1011 : i32 to index
      %get3A_1015 = tpu.vector_load %arg9[%get3A_1013, %get3A_1014] {strides = array<i32>} : memref<2x4096xf32, #tpu.memory_space<vmem>>, vector<16xf32>,
      %sub3A = arith.subf %gather3A, %get3A_1009 : vector<16xf32>
      %sub3A_1016 = arith.subf %gather3A_1005, %get3A_1015 : vector<16xf32>
      %add3A_1017 = arith.addf %get3A_1009, %sub3A : vector<16xf32>
      %swap3A_1018 = arith.constant 0 : i32
      %swap3A_1019 = arith.index_cast %swap3A_1018 : i32 to index
      %swap3A_1020 = arith.index_cast %mul3A_995 : i32 to index
      %swap3A_1021 = tpu.vector_load %arg10[%swap3A_1019, %swap3A_1020] {strides = array<i32>} : memref<2x4096xf32, #tpu.memory_space<vmem>>, vector<16xf32>,
      tpu.vector_store %arg10[%swap3A_1019, %swap3A_1020], %add3A_1017 {strides = array<i32>} : memref<2x4096xf32, #tpu.memory_space<vmem>>, vector<16xf32>,
      %add3A_1022 = arith.addf %get3A_1015, %sub3A_1016 : vector<16xf32>
      %add3A_1023 = arith.constant 16 : i32
      %add3A_1024 = arith.addi %mul3A_995, %add3A_1023 : i32
      %swap3A_1025 = arith.constant 0 : i32
      %swap3A_1026 = arith.index_cast %swap3A_1025 : i32 to index
      %swap3A_1027 = arith.index_cast %add3A_1024 : i32 to index
      %swap3A_1028 = tpu.vector_load %arg10[%swap3A_1026, %swap3A_1027] {strides = array<i32>} : memref<2x4096xf32, #tpu.memory_space<vmem>>, vector<16xf32>,
      tpu.vector_store %arg10[%swap3A_1026, %swap3A_1027], %add3A_1022 {strides = array<i32>} : memref<2x4096xf32, #tpu.memory_space<vmem>>, vector<16xf32>,
      %mul3A_1029 = arith.mulf %sub3A, %sub3A : vector<16xf32>
      %mul3A_1030 = arith.mulf %sub3A_1016, %sub3A_1016 : vector<16xf32>
      %add3A_1031 = arith.addf %mul3A_1029, %mul3A_1030 : vector<16xf32>
      %add3A_1032 = arith.addf %scan3A_993, %add3A_1031 : vector<16xf32>
      scf.yield %add3A_1032 : vector<16xf32>
    }
    %scan3A_404 = arith.constant 128 : i32
    %dma_start3A_405 = arith.constant 0 : i32
    %dma_start3A_406 = arith.constant 6 : i32
    %dma_start3A_407 = arith.constant 0 : i32
    %dma_start3A_408 = tpu.memref_slice %arg10[%dma_start3A_405, %dma_start3A_407] : memref<2x4096xf32, #tpu.memory_space<vmem>> -> memref<1x4096xf32, #tpu.memory_space<vmem>>
    %dma_start3A_409 = tpu.memref_squeeze %dma_start3A_408 : memref<1x4096xf32, #tpu.memory_space<vmem>> -> memref<4096xf32, #tpu.memory_space<vmem>>
    %dma_start3A_410 = arith.constant 0 : i32
    %dma_start3A_411 = tpu.memref_slice %arg5[%dma_start3A_406, %add3A, %dma_start3A_410] : memref<16x32x4096xf32, #tpu.memory_space<hbm>> -> memref<1x1x4096xf32, #tpu.memory_space<hbm>>
    %dma_start3A_412 = tpu.memref_squeeze %dma_start3A_411 : memref<1x1x4096xf32, #tpu.memory_space<hbm>> -> memref<4096xf32, #tpu.memory_space<hbm>>
    %dma_start3A_413 = arith.constant 0 : i32
    %dma_start3A_414 = tpu.memref_slice %arg5[%dma_start3A_406, %add3A, %dma_start3A_413] : memref<16x32x4096xf32, #tpu.memory_space<hbm>> -> memref<1x1x4096xf32, #tpu.memory_space<hbm>>
    %dma_start3A_415 = tpu.memref_squeeze %dma_start3A_414 : memref<1x1x4096xf32, #tpu.memory_space<hbm>> -> memref<4096xf32, #tpu.memory_space<hbm>>
    %dma_start3A_416 = arith.constant 0 : i32
    %dma_start3A_417 = tpu.memref_slice %arg10[%dma_start3A_405, %dma_start3A_416] : memref<2x4096xf32, #tpu.memory_space<vmem>> -> memref<1x4096xf32, #tpu.memory_space<vmem>>
    %dma_start3A_418 = tpu.memref_squeeze %dma_start3A_417 : memref<1x4096xf32, #tpu.memory_space<vmem>> -> memref<4096xf32, #tpu.memory_space<vmem>>
    tpu.enqueue_dma source(%dma_start3A_418 : memref<4096xf32, #tpu.memory_space<vmem>>) target(%dma_start3A_415 : memref<4096xf32, #tpu.memory_space<hbm>>) target_semaphore(%arg14 : memref<!tpu.dma_semaphore, #tpu.memory_space<semaphore_mem>>)
    %dma_wait3A_419 = arith.constant 7 : i32
    %dma_wait3A_420 = arith.constant 1 : i32
    %dma_wait3A_421 = arith.constant 0 : i32
    %dma_wait3A_422 = tpu.memref_slice %arg9[%dma_wait3A_420, %dma_wait3A_421] : memref<2x4096xf32, #tpu.memory_space<vmem>> -> memref<1x4096xf32, #tpu.memory_space<vmem>>
    %dma_wait3A_423 = tpu.memref_squeeze %dma_wait3A_422 : memref<1x4096xf32, #tpu.memory_space<vmem>> -> memref<4096xf32, #tpu.memory_space<vmem>>
    %dma_wait3A_424 = arith.constant 0 : i32
    %dma_wait3A_425 = tpu.memref_slice %arg4[%dma_wait3A_419, %add3A, %dma_wait3A_424] : memref<16x32x4096xf32, #tpu.memory_space<hbm>> -> memref<1x1x4096xf32, #tpu.memory_space<hbm>>
    %dma_wait3A_426 = tpu.memref_squeeze %dma_wait3A_425 : memref<1x1x4096xf32, #tpu.memory_space<hbm>> -> memref<4096xf32, #tpu.memory_space<hbm>>
    %dma_wait3A_427 = arith.constant 0 : i32
    %dma_wait3A_428 = tpu.memref_slice %arg9[%dma_wait3A_420, %dma_wait3A_427] : memref<2x4096xf32, #tpu.memory_space<vmem>> -> memref<1x4096xf32, #tpu.memory_space<vmem>>
    %dma_wait3A_429 = tpu.memref_squeeze %dma_wait3A_428 : memref<1x4096xf32, #tpu.memory_space<vmem>> -> memref<4096xf32, #tpu.memory_space<vmem>>
    %dma_wait3A_430 = arith.constant 0 : i32
    %dma_wait3A_431 = tpu.memref_slice %arg4[%dma_wait3A_419, %add3A, %dma_wait3A_430] : memref<16x32x4096xf32, #tpu.memory_space<hbm>> -> memref<1x1x4096xf32, #tpu.memory_space<hbm>>
    %dma_wait3A_432 = tpu.memref_squeeze %dma_wait3A_431 : memref<1x1x4096xf32, #tpu.memory_space<hbm>> -> memref<4096xf32, #tpu.memory_space<hbm>>
    tpu.wait_dma2 semaphore(%arg13 : memref<!tpu.dma_semaphore, #tpu.memory_space<semaphore_mem>>) src(%dma_wait3A_432 : memref<4096xf32, #tpu.memory_space<hbm>>) dst(%dma_wait3A_429 : memref<4096xf32, #tpu.memory_space<vmem>>)
    %dma_start3A_433 = arith.constant 8 : i32
    %dma_start3A_434 = arith.constant 0 : i32
    %dma_start3A_435 = arith.constant 0 : i32
    %dma_start3A_436 = tpu.memref_slice %arg9[%dma_start3A_434, %dma_start3A_435] : memref<2x4096xf32, #tpu.memory_space<vmem>> -> memref<1x4096xf32, #tpu.memory_space<vmem>>
    %dma_start3A_437 = tpu.memref_squeeze %dma_start3A_436 : memref<1x4096xf32, #tpu.memory_space<vmem>> -> memref<4096xf32, #tpu.memory_space<vmem>>
    %dma_start3A_438 = arith.constant 0 : i32
    %dma_start3A_439 = tpu.memref_slice %arg4[%dma_start3A_433, %add3A, %dma_start3A_438] : memref<16x32x4096xf32, #tpu.memory_space<hbm>> -> memref<1x1x4096xf32, #tpu.memory_space<hbm>>
    %dma_start3A_440 = tpu.memref_squeeze %dma_start3A_439 : memref<1x1x4096xf32, #tpu.memory_space<hbm>> -> memref<4096xf32, #tpu.memory_space<hbm>>
    %dma_start3A_441 = arith.constant 0 : i32
    %dma_start3A_442 = tpu.memref_slice %arg9[%dma_start3A_434, %dma_start3A_441] : memref<2x4096xf32, #tpu.memory_space<vmem>> -> memref<1x4096xf32, #tpu.memory_space<vmem>>
    %dma_start3A_443 = tpu.memref_squeeze %dma_start3A_442 : memref<1x4096xf32, #tpu.memory_space<vmem>> -> memref<4096xf32, #tpu.memory_space<vmem>>
    %dma_start3A_444 = arith.constant 0 : i32
    %dma_start3A_445 = tpu.memref_slice %arg4[%dma_start3A_433, %add3A, %dma_start3A_444] : memref<16x32x4096xf32, #tpu.memory_space<hbm>> -> memref<1x1x4096xf32, #tpu.memory_space<hbm>>
    %dma_start3A_446 = tpu.memref_squeeze %dma_start3A_445 : memref<1x1x4096xf32, #tpu.memory_space<hbm>> -> memref<4096xf32, #tpu.memory_space<hbm>>
    tpu.enqueue_dma source(%dma_start3A_446 : memref<4096xf32, #tpu.memory_space<hbm>>) target(%dma_start3A_443 : memref<4096xf32, #tpu.memory_space<vmem>>) target_semaphore(%arg12 : memref<!tpu.dma_semaphore, #tpu.memory_space<semaphore_mem>>)
    %dma_wait3A_447 = arith.constant 1 : i32
    %dma_wait3A_448 = arith.constant 5 : i32
    %dma_wait3A_449 = arith.constant 0 : i32
    %dma_wait3A_450 = tpu.memref_slice %arg10[%dma_wait3A_447, %dma_wait3A_449] : memref<2x4096xf32, #tpu.memory_space<vmem>> -> memref<1x4096xf32, #tpu.memory_space<vmem>>
    %dma_wait3A_451 = tpu.memref_squeeze %dma_wait3A_450 : memref<1x4096xf32, #tpu.memory_space<vmem>> -> memref<4096xf32, #tpu.memory_space<vmem>>
    %dma_wait3A_452 = arith.constant 0 : i32
    %dma_wait3A_453 = tpu.memref_slice %arg5[%dma_wait3A_448, %add3A, %dma_wait3A_452] : memref<16x32x4096xf32, #tpu.memory_space<hbm>> -> memref<1x1x4096xf32, #tpu.memory_space<hbm>>
    %dma_wait3A_454 = tpu.memref_squeeze %dma_wait3A_453 : memref<1x1x4096xf32, #tpu.memory_space<hbm>> -> memref<4096xf32, #tpu.memory_space<hbm>>
    %dma_wait3A_455 = arith.constant 0 : i32
    %dma_wait3A_456 = tpu.memref_slice %arg5[%dma_wait3A_448, %add3A, %dma_wait3A_455] : memref<16x32x4096xf32, #tpu.memory_space<hbm>> -> memref<1x1x4096xf32, #tpu.memory_space<hbm>>
    %dma_wait3A_457 = tpu.memref_squeeze %dma_wait3A_456 : memref<1x1x4096xf32, #tpu.memory_space<hbm>> -> memref<4096xf32, #tpu.memory_space<hbm>>
    %dma_wait3A_458 = arith.constant 0 : i32
    %dma_wait3A_459 = tpu.memref_slice %arg10[%dma_wait3A_447, %dma_wait3A_458] : memref<2x4096xf32, #tpu.memory_space<vmem>> -> memref<1x4096xf32, #tpu.memory_space<vmem>>
    %dma_wait3A_460 = tpu.memref_squeeze %dma_wait3A_459 : memref<1x4096xf32, #tpu.memory_space<vmem>> -> memref<4096xf32, #tpu.memory_space<vmem>>
    tpu.wait_dma2 semaphore(%arg15 : memref<!tpu.dma_semaphore, #tpu.memory_space<semaphore_mem>>) src(%dma_wait3A_460 : memref<4096xf32, #tpu.memory_space<vmem>>) dst(%dma_wait3A_457 : memref<4096xf32, #tpu.memory_space<hbm>>)
    %scan3A_461 = arith.constant 0 : i32
    %scan3A_462 = arith.constant 128 : i32
    %scan3A_463 = arith.addi %scan3A_461, %scan3A_462 : i32
    %scan3A_464 = arith.constant 1 : i32
    %scan3A_465 = scf.for %scan3A_992 = %scan3A_461 to %scan3A_463 step %scan3A_464 iter_args(%scan3A_993 = %scan3A_403) -> (vector<16xf32>)  : i32 {
      %mul3A_994 = arith.constant 32 : i32
      %mul3A_995 = arith.muli %scan3A_992, %mul3A_994 : i32
      %add3A_996 = arith.constant 28672 : i32
      %add3A_997 = arith.addi %add3A_996, %mul3A_995 : i32
      %get3A = arith.index_cast %add3A_997 : i32 to index
      %get3A_998 = tpu.vector_load %arg8[%get3A] {strides = array<i32>} : memref<65536xi32, #tpu.memory_space<vmem>>, vector<16xi32>,
      %add3A_999 = arith.constant 28672 : i32
      %add3A_1000 = arith.addi %add3A_999, %mul3A_995 : i32
      %add3A_1001 = arith.constant 16 : i32
      %add3A_1002 = arith.addi %add3A_1000, %add3A_1001 : i32
      %get3A_1003 = arith.index_cast %add3A_1002 : i32 to index
      %get3A_1004 = tpu.vector_load %arg8[%get3A_1003] {strides = array<i32>} : memref<65536xi32, #tpu.memory_space<vmem>>, vector<16xi32>,
      %gather3A = tpu.vector_load_idx %arg7[%get3A_998] : memref<8192xf32, #tpu.memory_space<vmem>>[vector<16xi32>], vector<16xf32>,
      %gather3A_1005 = tpu.vector_load_idx %arg7[%get3A_1004] : memref<8192xf32, #tpu.memory_space<vmem>>[vector<16xi32>], vector<16xf32>,
      %get3A_1006 = arith.constant 1 : i32
      %get3A_1007 = arith.index_cast %get3A_1006 : i32 to index
      %get3A_1008 = arith.index_cast %mul3A_995 : i32 to index
      %get3A_1009 = tpu.vector_load %arg9[%get3A_1007, %get3A_1008] {strides = array<i32>} : memref<2x4096xf32, #tpu.memory_space<vmem>>, vector<16xf32>,
      %add3A_1010 = arith.constant 16 : i32
      %add3A_1011 = arith.addi %mul3A_995, %add3A_1010 : i32
      %get3A_1012 = arith.constant 1 : i32
      %get3A_1013 = arith.index_cast %get3A_1012 : i32 to index
      %get3A_1014 = arith.index_cast %add3A_1011 : i32 to index
      %get3A_1015 = tpu.vector_load %arg9[%get3A_1013, %get3A_1014] {strides = array<i32>} : memref<2x4096xf32, #tpu.memory_space<vmem>>, vector<16xf32>,
      %sub3A = arith.subf %gather3A, %get3A_1009 : vector<16xf32>
      %sub3A_1016 = arith.subf %gather3A_1005, %get3A_1015 : vector<16xf32>
      %add3A_1017 = arith.addf %get3A_1009, %sub3A : vector<16xf32>
      %swap3A_1018 = arith.constant 1 : i32
      %swap3A_1019 = arith.index_cast %swap3A_1018 : i32 to index
      %swap3A_1020 = arith.index_cast %mul3A_995 : i32 to index
      %swap3A_1021 = tpu.vector_load %arg10[%swap3A_1019, %swap3A_1020] {strides = array<i32>} : memref<2x4096xf32, #tpu.memory_space<vmem>>, vector<16xf32>,
      tpu.vector_store %arg10[%swap3A_1019, %swap3A_1020], %add3A_1017 {strides = array<i32>} : memref<2x4096xf32, #tpu.memory_space<vmem>>, vector<16xf32>,
      %add3A_1022 = arith.addf %get3A_1015, %sub3A_1016 : vector<16xf32>
      %add3A_1023 = arith.constant 16 : i32
      %add3A_1024 = arith.addi %mul3A_995, %add3A_1023 : i32
      %swap3A_1025 = arith.constant 1 : i32
      %swap3A_1026 = arith.index_cast %swap3A_1025 : i32 to index
      %swap3A_1027 = arith.index_cast %add3A_1024 : i32 to index
      %swap3A_1028 = tpu.vector_load %arg10[%swap3A_1026, %swap3A_1027] {strides = array<i32>} : memref<2x4096xf32, #tpu.memory_space<vmem>>, vector<16xf32>,
      tpu.vector_store %arg10[%swap3A_1026, %swap3A_1027], %add3A_1022 {strides = array<i32>} : memref<2x4096xf32, #tpu.memory_space<vmem>>, vector<16xf32>,
      %mul3A_1029 = arith.mulf %sub3A, %sub3A : vector<16xf32>
      %mul3A_1030 = arith.mulf %sub3A_1016, %sub3A_1016 : vector<16xf32>
      %add3A_1031 = arith.addf %mul3A_1029, %mul3A_1030 : vector<16xf32>
      %add3A_1032 = arith.addf %scan3A_993, %add3A_1031 : vector<16xf32>
      scf.yield %add3A_1032 : vector<16xf32>
    }
    %scan3A_466 = arith.constant 128 : i32
    %dma_start3A_467 = arith.constant 1 : i32
    %dma_start3A_468 = arith.constant 7 : i32
    %dma_start3A_469 = arith.constant 0 : i32
    %dma_start3A_470 = tpu.memref_slice %arg10[%dma_start3A_467, %dma_start3A_469] : memref<2x4096xf32, #tpu.memory_space<vmem>> -> memref<1x4096xf32, #tpu.memory_space<vmem>>
    %dma_start3A_471 = tpu.memref_squeeze %dma_start3A_470 : memref<1x4096xf32, #tpu.memory_space<vmem>> -> memref<4096xf32, #tpu.memory_space<vmem>>
    %dma_start3A_472 = arith.constant 0 : i32
    %dma_start3A_473 = tpu.memref_slice %arg5[%dma_start3A_468, %add3A, %dma_start3A_472] : memref<16x32x4096xf32, #tpu.memory_space<hbm>> -> memref<1x1x4096xf32, #tpu.memory_space<hbm>>
    %dma_start3A_474 = tpu.memref_squeeze %dma_start3A_473 : memref<1x1x4096xf32, #tpu.memory_space<hbm>> -> memref<4096xf32, #tpu.memory_space<hbm>>
    %dma_start3A_475 = arith.constant 0 : i32
    %dma_start3A_476 = tpu.memref_slice %arg5[%dma_start3A_468, %add3A, %dma_start3A_475] : memref<16x32x4096xf32, #tpu.memory_space<hbm>> -> memref<1x1x4096xf32, #tpu.memory_space<hbm>>
    %dma_start3A_477 = tpu.memref_squeeze %dma_start3A_476 : memref<1x1x4096xf32, #tpu.memory_space<hbm>> -> memref<4096xf32, #tpu.memory_space<hbm>>
    %dma_start3A_478 = arith.constant 0 : i32
    %dma_start3A_479 = tpu.memref_slice %arg10[%dma_start3A_467, %dma_start3A_478] : memref<2x4096xf32, #tpu.memory_space<vmem>> -> memref<1x4096xf32, #tpu.memory_space<vmem>>
    %dma_start3A_480 = tpu.memref_squeeze %dma_start3A_479 : memref<1x4096xf32, #tpu.memory_space<vmem>> -> memref<4096xf32, #tpu.memory_space<vmem>>
    tpu.enqueue_dma source(%dma_start3A_480 : memref<4096xf32, #tpu.memory_space<vmem>>) target(%dma_start3A_477 : memref<4096xf32, #tpu.memory_space<hbm>>) target_semaphore(%arg15 : memref<!tpu.dma_semaphore, #tpu.memory_space<semaphore_mem>>)
    %dma_wait3A_481 = arith.constant 8 : i32
    %dma_wait3A_482 = arith.constant 0 : i32
    %dma_wait3A_483 = arith.constant 0 : i32
    %dma_wait3A_484 = tpu.memref_slice %arg9[%dma_wait3A_482, %dma_wait3A_483] : memref<2x4096xf32, #tpu.memory_space<vmem>> -> memref<1x4096xf32, #tpu.memory_space<vmem>>
    %dma_wait3A_485 = tpu.memref_squeeze %dma_wait3A_484 : memref<1x4096xf32, #tpu.memory_space<vmem>> -> memref<4096xf32, #tpu.memory_space<vmem>>
    %dma_wait3A_486 = arith.constant 0 : i32
    %dma_wait3A_487 = tpu.memref_slice %arg4[%dma_wait3A_481, %add3A, %dma_wait3A_486] : memref<16x32x4096xf32, #tpu.memory_space<hbm>> -> memref<1x1x4096xf32, #tpu.memory_space<hbm>>
    %dma_wait3A_488 = tpu.memref_squeeze %dma_wait3A_487 : memref<1x1x4096xf32, #tpu.memory_space<hbm>> -> memref<4096xf32, #tpu.memory_space<hbm>>
    %dma_wait3A_489 = arith.constant 0 : i32
    %dma_wait3A_490 = tpu.memref_slice %arg9[%dma_wait3A_482, %dma_wait3A_489] : memref<2x4096xf32, #tpu.memory_space<vmem>> -> memref<1x4096xf32, #tpu.memory_space<vmem>>
    %dma_wait3A_491 = tpu.memref_squeeze %dma_wait3A_490 : memref<1x4096xf32, #tpu.memory_space<vmem>> -> memref<4096xf32, #tpu.memory_space<vmem>>
    %dma_wait3A_492 = arith.constant 0 : i32
    %dma_wait3A_493 = tpu.memref_slice %arg4[%dma_wait3A_481, %add3A, %dma_wait3A_492] : memref<16x32x4096xf32, #tpu.memory_space<hbm>> -> memref<1x1x4096xf32, #tpu.memory_space<hbm>>
    %dma_wait3A_494 = tpu.memref_squeeze %dma_wait3A_493 : memref<1x1x4096xf32, #tpu.memory_space<hbm>> -> memref<4096xf32, #tpu.memory_space<hbm>>
    tpu.wait_dma2 semaphore(%arg12 : memref<!tpu.dma_semaphore, #tpu.memory_space<semaphore_mem>>) src(%dma_wait3A_494 : memref<4096xf32, #tpu.memory_space<hbm>>) dst(%dma_wait3A_491 : memref<4096xf32, #tpu.memory_space<vmem>>)
    %dma_start3A_495 = arith.constant 9 : i32
    %dma_start3A_496 = arith.constant 1 : i32
    %dma_start3A_497 = arith.constant 0 : i32
    %dma_start3A_498 = tpu.memref_slice %arg9[%dma_start3A_496, %dma_start3A_497] : memref<2x4096xf32, #tpu.memory_space<vmem>> -> memref<1x4096xf32, #tpu.memory_space<vmem>>
    %dma_start3A_499 = tpu.memref_squeeze %dma_start3A_498 : memref<1x4096xf32, #tpu.memory_space<vmem>> -> memref<4096xf32, #tpu.memory_space<vmem>>
    %dma_start3A_500 = arith.constant 0 : i32
    %dma_start3A_501 = tpu.memref_slice %arg4[%dma_start3A_495, %add3A, %dma_start3A_500] : memref<16x32x4096xf32, #tpu.memory_space<hbm>> -> memref<1x1x4096xf32, #tpu.memory_space<hbm>>
    %dma_start3A_502 = tpu.memref_squeeze %dma_start3A_501 : memref<1x1x4096xf32, #tpu.memory_space<hbm>> -> memref<4096xf32, #tpu.memory_space<hbm>>
    %dma_start3A_503 = arith.constant 0 : i32
    %dma_start3A_504 = tpu.memref_slice %arg9[%dma_start3A_496, %dma_start3A_503] : memref<2x4096xf32, #tpu.memory_space<vmem>> -> memref<1x4096xf32, #tpu.memory_space<vmem>>
    %dma_start3A_505 = tpu.memref_squeeze %dma_start3A_504 : memref<1x4096xf32, #tpu.memory_space<vmem>> -> memref<4096xf32, #tpu.memory_space<vmem>>
    %dma_start3A_506 = arith.constant 0 : i32
    %dma_start3A_507 = tpu.memref_slice %arg4[%dma_start3A_495, %add3A, %dma_start3A_506] : memref<16x32x4096xf32, #tpu.memory_space<hbm>> -> memref<1x1x4096xf32, #tpu.memory_space<hbm>>
    %dma_start3A_508 = tpu.memref_squeeze %dma_start3A_507 : memref<1x1x4096xf32, #tpu.memory_space<hbm>> -> memref<4096xf32, #tpu.memory_space<hbm>>
    tpu.enqueue_dma source(%dma_start3A_508 : memref<4096xf32, #tpu.memory_space<hbm>>) target(%dma_start3A_505 : memref<4096xf32, #tpu.memory_space<vmem>>) target_semaphore(%arg13 : memref<!tpu.dma_semaphore, #tpu.memory_space<semaphore_mem>>)
    %dma_wait3A_509 = arith.constant 0 : i32
    %dma_wait3A_510 = arith.constant 6 : i32
    %dma_wait3A_511 = arith.constant 0 : i32
    %dma_wait3A_512 = tpu.memref_slice %arg10[%dma_wait3A_509, %dma_wait3A_511] : memref<2x4096xf32, #tpu.memory_space<vmem>> -> memref<1x4096xf32, #tpu.memory_space<vmem>>
    %dma_wait3A_513 = tpu.memref_squeeze %dma_wait3A_512 : memref<1x4096xf32, #tpu.memory_space<vmem>> -> memref<4096xf32, #tpu.memory_space<vmem>>
    %dma_wait3A_514 = arith.constant 0 : i32
    %dma_wait3A_515 = tpu.memref_slice %arg5[%dma_wait3A_510, %add3A, %dma_wait3A_514] : memref<16x32x4096xf32, #tpu.memory_space<hbm>> -> memref<1x1x4096xf32, #tpu.memory_space<hbm>>
    %dma_wait3A_516 = tpu.memref_squeeze %dma_wait3A_515 : memref<1x1x4096xf32, #tpu.memory_space<hbm>> -> memref<4096xf32, #tpu.memory_space<hbm>>
    %dma_wait3A_517 = arith.constant 0 : i32
    %dma_wait3A_518 = tpu.memref_slice %arg5[%dma_wait3A_510, %add3A, %dma_wait3A_517] : memref<16x32x4096xf32, #tpu.memory_space<hbm>> -> memref<1x1x4096xf32, #tpu.memory_space<hbm>>
    %dma_wait3A_519 = tpu.memref_squeeze %dma_wait3A_518 : memref<1x1x4096xf32, #tpu.memory_space<hbm>> -> memref<4096xf32, #tpu.memory_space<hbm>>
    %dma_wait3A_520 = arith.constant 0 : i32
    %dma_wait3A_521 = tpu.memref_slice %arg10[%dma_wait3A_509, %dma_wait3A_520] : memref<2x4096xf32, #tpu.memory_space<vmem>> -> memref<1x4096xf32, #tpu.memory_space<vmem>>
    %dma_wait3A_522 = tpu.memref_squeeze %dma_wait3A_521 : memref<1x4096xf32, #tpu.memory_space<vmem>> -> memref<4096xf32, #tpu.memory_space<vmem>>
    tpu.wait_dma2 semaphore(%arg14 : memref<!tpu.dma_semaphore, #tpu.memory_space<semaphore_mem>>) src(%dma_wait3A_522 : memref<4096xf32, #tpu.memory_space<vmem>>) dst(%dma_wait3A_519 : memref<4096xf32, #tpu.memory_space<hbm>>)
    %scan3A_523 = arith.constant 0 : i32
    %scan3A_524 = arith.constant 128 : i32
    %scan3A_525 = arith.addi %scan3A_523, %scan3A_524 : i32
    %scan3A_526 = arith.constant 1 : i32
    %scan3A_527 = scf.for %scan3A_992 = %scan3A_523 to %scan3A_525 step %scan3A_526 iter_args(%scan3A_993 = %scan3A_465) -> (vector<16xf32>)  : i32 {
      %mul3A_994 = arith.constant 32 : i32
      %mul3A_995 = arith.muli %scan3A_992, %mul3A_994 : i32
      %add3A_996 = arith.constant 32768 : i32
      %add3A_997 = arith.addi %add3A_996, %mul3A_995 : i32
      %get3A = arith.index_cast %add3A_997 : i32 to index
      %get3A_998 = tpu.vector_load %arg8[%get3A] {strides = array<i32>} : memref<65536xi32, #tpu.memory_space<vmem>>, vector<16xi32>,
      %add3A_999 = arith.constant 32768 : i32
      %add3A_1000 = arith.addi %add3A_999, %mul3A_995 : i32
      %add3A_1001 = arith.constant 16 : i32
      %add3A_1002 = arith.addi %add3A_1000, %add3A_1001 : i32
      %get3A_1003 = arith.index_cast %add3A_1002 : i32 to index
      %get3A_1004 = tpu.vector_load %arg8[%get3A_1003] {strides = array<i32>} : memref<65536xi32, #tpu.memory_space<vmem>>, vector<16xi32>,
      %gather3A = tpu.vector_load_idx %arg7[%get3A_998] : memref<8192xf32, #tpu.memory_space<vmem>>[vector<16xi32>], vector<16xf32>,
      %gather3A_1005 = tpu.vector_load_idx %arg7[%get3A_1004] : memref<8192xf32, #tpu.memory_space<vmem>>[vector<16xi32>], vector<16xf32>,
      %get3A_1006 = arith.constant 0 : i32
      %get3A_1007 = arith.index_cast %get3A_1006 : i32 to index
      %get3A_1008 = arith.index_cast %mul3A_995 : i32 to index
      %get3A_1009 = tpu.vector_load %arg9[%get3A_1007, %get3A_1008] {strides = array<i32>} : memref<2x4096xf32, #tpu.memory_space<vmem>>, vector<16xf32>,
      %add3A_1010 = arith.constant 16 : i32
      %add3A_1011 = arith.addi %mul3A_995, %add3A_1010 : i32
      %get3A_1012 = arith.constant 0 : i32
      %get3A_1013 = arith.index_cast %get3A_1012 : i32 to index
      %get3A_1014 = arith.index_cast %add3A_1011 : i32 to index
      %get3A_1015 = tpu.vector_load %arg9[%get3A_1013, %get3A_1014] {strides = array<i32>} : memref<2x4096xf32, #tpu.memory_space<vmem>>, vector<16xf32>,
      %sub3A = arith.subf %gather3A, %get3A_1009 : vector<16xf32>
      %sub3A_1016 = arith.subf %gather3A_1005, %get3A_1015 : vector<16xf32>
      %add3A_1017 = arith.addf %get3A_1009, %sub3A : vector<16xf32>
      %swap3A_1018 = arith.constant 0 : i32
      %swap3A_1019 = arith.index_cast %swap3A_1018 : i32 to index
      %swap3A_1020 = arith.index_cast %mul3A_995 : i32 to index
      %swap3A_1021 = tpu.vector_load %arg10[%swap3A_1019, %swap3A_1020] {strides = array<i32>} : memref<2x4096xf32, #tpu.memory_space<vmem>>, vector<16xf32>,
      tpu.vector_store %arg10[%swap3A_1019, %swap3A_1020], %add3A_1017 {strides = array<i32>} : memref<2x4096xf32, #tpu.memory_space<vmem>>, vector<16xf32>,
      %add3A_1022 = arith.addf %get3A_1015, %sub3A_1016 : vector<16xf32>
      %add3A_1023 = arith.constant 16 : i32
      %add3A_1024 = arith.addi %mul3A_995, %add3A_1023 : i32
      %swap3A_1025 = arith.constant 0 : i32
      %swap3A_1026 = arith.index_cast %swap3A_1025 : i32 to index
      %swap3A_1027 = arith.index_cast %add3A_1024 : i32 to index
      %swap3A_1028 = tpu.vector_load %arg10[%swap3A_1026, %swap3A_1027] {strides = array<i32>} : memref<2x4096xf32, #tpu.memory_space<vmem>>, vector<16xf32>,
      tpu.vector_store %arg10[%swap3A_1026, %swap3A_1027], %add3A_1022 {strides = array<i32>} : memref<2x4096xf32, #tpu.memory_space<vmem>>, vector<16xf32>,
      %mul3A_1029 = arith.mulf %sub3A, %sub3A : vector<16xf32>
      %mul3A_1030 = arith.mulf %sub3A_1016, %sub3A_1016 : vector<16xf32>
      %add3A_1031 = arith.addf %mul3A_1029, %mul3A_1030 : vector<16xf32>
      %add3A_1032 = arith.addf %scan3A_993, %add3A_1031 : vector<16xf32>
      scf.yield %add3A_1032 : vector<16xf32>
    }
    %scan3A_528 = arith.constant 128 : i32
    %dma_start3A_529 = arith.constant 0 : i32
    %dma_start3A_530 = arith.constant 8 : i32
    %dma_start3A_531 = arith.constant 0 : i32
    %dma_start3A_532 = tpu.memref_slice %arg10[%dma_start3A_529, %dma_start3A_531] : memref<2x4096xf32, #tpu.memory_space<vmem>> -> memref<1x4096xf32, #tpu.memory_space<vmem>>
    %dma_start3A_533 = tpu.memref_squeeze %dma_start3A_532 : memref<1x4096xf32, #tpu.memory_space<vmem>> -> memref<4096xf32, #tpu.memory_space<vmem>>
    %dma_start3A_534 = arith.constant 0 : i32
    %dma_start3A_535 = tpu.memref_slice %arg5[%dma_start3A_530, %add3A, %dma_start3A_534] : memref<16x32x4096xf32, #tpu.memory_space<hbm>> -> memref<1x1x4096xf32, #tpu.memory_space<hbm>>
    %dma_start3A_536 = tpu.memref_squeeze %dma_start3A_535 : memref<1x1x4096xf32, #tpu.memory_space<hbm>> -> memref<4096xf32, #tpu.memory_space<hbm>>
    %dma_start3A_537 = arith.constant 0 : i32
    %dma_start3A_538 = tpu.memref_slice %arg5[%dma_start3A_530, %add3A, %dma_start3A_537] : memref<16x32x4096xf32, #tpu.memory_space<hbm>> -> memref<1x1x4096xf32, #tpu.memory_space<hbm>>
    %dma_start3A_539 = tpu.memref_squeeze %dma_start3A_538 : memref<1x1x4096xf32, #tpu.memory_space<hbm>> -> memref<4096xf32, #tpu.memory_space<hbm>>
    %dma_start3A_540 = arith.constant 0 : i32
    %dma_start3A_541 = tpu.memref_slice %arg10[%dma_start3A_529, %dma_start3A_540] : memref<2x4096xf32, #tpu.memory_space<vmem>> -> memref<1x4096xf32, #tpu.memory_space<vmem>>
    %dma_start3A_542 = tpu.memref_squeeze %dma_start3A_541 : memref<1x4096xf32, #tpu.memory_space<vmem>> -> memref<4096xf32, #tpu.memory_space<vmem>>
    tpu.enqueue_dma source(%dma_start3A_542 : memref<4096xf32, #tpu.memory_space<vmem>>) target(%dma_start3A_539 : memref<4096xf32, #tpu.memory_space<hbm>>) target_semaphore(%arg14 : memref<!tpu.dma_semaphore, #tpu.memory_space<semaphore_mem>>)
    %dma_wait3A_543 = arith.constant 9 : i32
    %dma_wait3A_544 = arith.constant 1 : i32
    %dma_wait3A_545 = arith.constant 0 : i32
    %dma_wait3A_546 = tpu.memref_slice %arg9[%dma_wait3A_544, %dma_wait3A_545] : memref<2x4096xf32, #tpu.memory_space<vmem>> -> memref<1x4096xf32, #tpu.memory_space<vmem>>
    %dma_wait3A_547 = tpu.memref_squeeze %dma_wait3A_546 : memref<1x4096xf32, #tpu.memory_space<vmem>> -> memref<4096xf32, #tpu.memory_space<vmem>>
    %dma_wait3A_548 = arith.constant 0 : i32
    %dma_wait3A_549 = tpu.memref_slice %arg4[%dma_wait3A_543, %add3A, %dma_wait3A_548] : memref<16x32x4096xf32, #tpu.memory_space<hbm>> -> memref<1x1x4096xf32, #tpu.memory_space<hbm>>
    %dma_wait3A_550 = tpu.memref_squeeze %dma_wait3A_549 : memref<1x1x4096xf32, #tpu.memory_space<hbm>> -> memref<4096xf32, #tpu.memory_space<hbm>>
    %dma_wait3A_551 = arith.constant 0 : i32
    %dma_wait3A_552 = tpu.memref_slice %arg9[%dma_wait3A_544, %dma_wait3A_551] : memref<2x4096xf32, #tpu.memory_space<vmem>> -> memref<1x4096xf32, #tpu.memory_space<vmem>>
    %dma_wait3A_553 = tpu.memref_squeeze %dma_wait3A_552 : memref<1x4096xf32, #tpu.memory_space<vmem>> -> memref<4096xf32, #tpu.memory_space<vmem>>
    %dma_wait3A_554 = arith.constant 0 : i32
    %dma_wait3A_555 = tpu.memref_slice %arg4[%dma_wait3A_543, %add3A, %dma_wait3A_554] : memref<16x32x4096xf32, #tpu.memory_space<hbm>> -> memref<1x1x4096xf32, #tpu.memory_space<hbm>>
    %dma_wait3A_556 = tpu.memref_squeeze %dma_wait3A_555 : memref<1x1x4096xf32, #tpu.memory_space<hbm>> -> memref<4096xf32, #tpu.memory_space<hbm>>
    tpu.wait_dma2 semaphore(%arg13 : memref<!tpu.dma_semaphore, #tpu.memory_space<semaphore_mem>>) src(%dma_wait3A_556 : memref<4096xf32, #tpu.memory_space<hbm>>) dst(%dma_wait3A_553 : memref<4096xf32, #tpu.memory_space<vmem>>)
    %dma_start3A_557 = arith.constant 10 : i32
    %dma_start3A_558 = arith.constant 0 : i32
    %dma_start3A_559 = arith.constant 0 : i32
    %dma_start3A_560 = tpu.memref_slice %arg9[%dma_start3A_558, %dma_start3A_559] : memref<2x4096xf32, #tpu.memory_space<vmem>> -> memref<1x4096xf32, #tpu.memory_space<vmem>>
    %dma_start3A_561 = tpu.memref_squeeze %dma_start3A_560 : memref<1x4096xf32, #tpu.memory_space<vmem>> -> memref<4096xf32, #tpu.memory_space<vmem>>
    %dma_start3A_562 = arith.constant 0 : i32
    %dma_start3A_563 = tpu.memref_slice %arg4[%dma_start3A_557, %add3A, %dma_start3A_562] : memref<16x32x4096xf32, #tpu.memory_space<hbm>> -> memref<1x1x4096xf32, #tpu.memory_space<hbm>>
    %dma_start3A_564 = tpu.memref_squeeze %dma_start3A_563 : memref<1x1x4096xf32, #tpu.memory_space<hbm>> -> memref<4096xf32, #tpu.memory_space<hbm>>
    %dma_start3A_565 = arith.constant 0 : i32
    %dma_start3A_566 = tpu.memref_slice %arg9[%dma_start3A_558, %dma_start3A_565] : memref<2x4096xf32, #tpu.memory_space<vmem>> -> memref<1x4096xf32, #tpu.memory_space<vmem>>
    %dma_start3A_567 = tpu.memref_squeeze %dma_start3A_566 : memref<1x4096xf32, #tpu.memory_space<vmem>> -> memref<4096xf32, #tpu.memory_space<vmem>>
    %dma_start3A_568 = arith.constant 0 : i32
    %dma_start3A_569 = tpu.memref_slice %arg4[%dma_start3A_557, %add3A, %dma_start3A_568] : memref<16x32x4096xf32, #tpu.memory_space<hbm>> -> memref<1x1x4096xf32, #tpu.memory_space<hbm>>
    %dma_start3A_570 = tpu.memref_squeeze %dma_start3A_569 : memref<1x1x4096xf32, #tpu.memory_space<hbm>> -> memref<4096xf32, #tpu.memory_space<hbm>>
    tpu.enqueue_dma source(%dma_start3A_570 : memref<4096xf32, #tpu.memory_space<hbm>>) target(%dma_start3A_567 : memref<4096xf32, #tpu.memory_space<vmem>>) target_semaphore(%arg12 : memref<!tpu.dma_semaphore, #tpu.memory_space<semaphore_mem>>)
    %dma_wait3A_571 = arith.constant 1 : i32
    %dma_wait3A_572 = arith.constant 7 : i32
    %dma_wait3A_573 = arith.constant 0 : i32
    %dma_wait3A_574 = tpu.memref_slice %arg10[%dma_wait3A_571, %dma_wait3A_573] : memref<2x4096xf32, #tpu.memory_space<vmem>> -> memref<1x4096xf32, #tpu.memory_space<vmem>>
    %dma_wait3A_575 = tpu.memref_squeeze %dma_wait3A_574 : memref<1x4096xf32, #tpu.memory_space<vmem>> -> memref<4096xf32, #tpu.memory_space<vmem>>
    %dma_wait3A_576 = arith.constant 0 : i32
    %dma_wait3A_577 = tpu.memref_slice %arg5[%dma_wait3A_572, %add3A, %dma_wait3A_576] : memref<16x32x4096xf32, #tpu.memory_space<hbm>> -> memref<1x1x4096xf32, #tpu.memory_space<hbm>>
    %dma_wait3A_578 = tpu.memref_squeeze %dma_wait3A_577 : memref<1x1x4096xf32, #tpu.memory_space<hbm>> -> memref<4096xf32, #tpu.memory_space<hbm>>
    %dma_wait3A_579 = arith.constant 0 : i32
    %dma_wait3A_580 = tpu.memref_slice %arg5[%dma_wait3A_572, %add3A, %dma_wait3A_579] : memref<16x32x4096xf32, #tpu.memory_space<hbm>> -> memref<1x1x4096xf32, #tpu.memory_space<hbm>>
    %dma_wait3A_581 = tpu.memref_squeeze %dma_wait3A_580 : memref<1x1x4096xf32, #tpu.memory_space<hbm>> -> memref<4096xf32, #tpu.memory_space<hbm>>
    %dma_wait3A_582 = arith.constant 0 : i32
    %dma_wait3A_583 = tpu.memref_slice %arg10[%dma_wait3A_571, %dma_wait3A_582] : memref<2x4096xf32, #tpu.memory_space<vmem>> -> memref<1x4096xf32, #tpu.memory_space<vmem>>
    %dma_wait3A_584 = tpu.memref_squeeze %dma_wait3A_583 : memref<1x4096xf32, #tpu.memory_space<vmem>> -> memref<4096xf32, #tpu.memory_space<vmem>>
    tpu.wait_dma2 semaphore(%arg15 : memref<!tpu.dma_semaphore, #tpu.memory_space<semaphore_mem>>) src(%dma_wait3A_584 : memref<4096xf32, #tpu.memory_space<vmem>>) dst(%dma_wait3A_581 : memref<4096xf32, #tpu.memory_space<hbm>>)
    %scan3A_585 = arith.constant 0 : i32
    %scan3A_586 = arith.constant 128 : i32
    %scan3A_587 = arith.addi %scan3A_585, %scan3A_586 : i32
    %scan3A_588 = arith.constant 1 : i32
    %scan3A_589 = scf.for %scan3A_992 = %scan3A_585 to %scan3A_587 step %scan3A_588 iter_args(%scan3A_993 = %scan3A_527) -> (vector<16xf32>)  : i32 {
      %mul3A_994 = arith.constant 32 : i32
      %mul3A_995 = arith.muli %scan3A_992, %mul3A_994 : i32
      %add3A_996 = arith.constant 36864 : i32
      %add3A_997 = arith.addi %add3A_996, %mul3A_995 : i32
      %get3A = arith.index_cast %add3A_997 : i32 to index
      %get3A_998 = tpu.vector_load %arg8[%get3A] {strides = array<i32>} : memref<65536xi32, #tpu.memory_space<vmem>>, vector<16xi32>,
      %add3A_999 = arith.constant 36864 : i32
      %add3A_1000 = arith.addi %add3A_999, %mul3A_995 : i32
      %add3A_1001 = arith.constant 16 : i32
      %add3A_1002 = arith.addi %add3A_1000, %add3A_1001 : i32
      %get3A_1003 = arith.index_cast %add3A_1002 : i32 to index
      %get3A_1004 = tpu.vector_load %arg8[%get3A_1003] {strides = array<i32>} : memref<65536xi32, #tpu.memory_space<vmem>>, vector<16xi32>,
      %gather3A = tpu.vector_load_idx %arg7[%get3A_998] : memref<8192xf32, #tpu.memory_space<vmem>>[vector<16xi32>], vector<16xf32>,
      %gather3A_1005 = tpu.vector_load_idx %arg7[%get3A_1004] : memref<8192xf32, #tpu.memory_space<vmem>>[vector<16xi32>], vector<16xf32>,
      %get3A_1006 = arith.constant 1 : i32
      %get3A_1007 = arith.index_cast %get3A_1006 : i32 to index
      %get3A_1008 = arith.index_cast %mul3A_995 : i32 to index
      %get3A_1009 = tpu.vector_load %arg9[%get3A_1007, %get3A_1008] {strides = array<i32>} : memref<2x4096xf32, #tpu.memory_space<vmem>>, vector<16xf32>,
      %add3A_1010 = arith.constant 16 : i32
      %add3A_1011 = arith.addi %mul3A_995, %add3A_1010 : i32
      %get3A_1012 = arith.constant 1 : i32
      %get3A_1013 = arith.index_cast %get3A_1012 : i32 to index
      %get3A_1014 = arith.index_cast %add3A_1011 : i32 to index
      %get3A_1015 = tpu.vector_load %arg9[%get3A_1013, %get3A_1014] {strides = array<i32>} : memref<2x4096xf32, #tpu.memory_space<vmem>>, vector<16xf32>,
      %sub3A = arith.subf %gather3A, %get3A_1009 : vector<16xf32>
      %sub3A_1016 = arith.subf %gather3A_1005, %get3A_1015 : vector<16xf32>
      %add3A_1017 = arith.addf %get3A_1009, %sub3A : vector<16xf32>
      %swap3A_1018 = arith.constant 1 : i32
      %swap3A_1019 = arith.index_cast %swap3A_1018 : i32 to index
      %swap3A_1020 = arith.index_cast %mul3A_995 : i32 to index
      %swap3A_1021 = tpu.vector_load %arg10[%swap3A_1019, %swap3A_1020] {strides = array<i32>} : memref<2x4096xf32, #tpu.memory_space<vmem>>, vector<16xf32>,
      tpu.vector_store %arg10[%swap3A_1019, %swap3A_1020], %add3A_1017 {strides = array<i32>} : memref<2x4096xf32, #tpu.memory_space<vmem>>, vector<16xf32>,
      %add3A_1022 = arith.addf %get3A_1015, %sub3A_1016 : vector<16xf32>
      %add3A_1023 = arith.constant 16 : i32
      %add3A_1024 = arith.addi %mul3A_995, %add3A_1023 : i32
      %swap3A_1025 = arith.constant 1 : i32
      %swap3A_1026 = arith.index_cast %swap3A_1025 : i32 to index
      %swap3A_1027 = arith.index_cast %add3A_1024 : i32 to index
      %swap3A_1028 = tpu.vector_load %arg10[%swap3A_1026, %swap3A_1027] {strides = array<i32>} : memref<2x4096xf32, #tpu.memory_space<vmem>>, vector<16xf32>,
      tpu.vector_store %arg10[%swap3A_1026, %swap3A_1027], %add3A_1022 {strides = array<i32>} : memref<2x4096xf32, #tpu.memory_space<vmem>>, vector<16xf32>,
      %mul3A_1029 = arith.mulf %sub3A, %sub3A : vector<16xf32>
      %mul3A_1030 = arith.mulf %sub3A_1016, %sub3A_1016 : vector<16xf32>
      %add3A_1031 = arith.addf %mul3A_1029, %mul3A_1030 : vector<16xf32>
      %add3A_1032 = arith.addf %scan3A_993, %add3A_1031 : vector<16xf32>
      scf.yield %add3A_1032 : vector<16xf32>
    }
    %scan3A_590 = arith.constant 128 : i32
    %dma_start3A_591 = arith.constant 1 : i32
    %dma_start3A_592 = arith.constant 9 : i32
    %dma_start3A_593 = arith.constant 0 : i32
    %dma_start3A_594 = tpu.memref_slice %arg10[%dma_start3A_591, %dma_start3A_593] : memref<2x4096xf32, #tpu.memory_space<vmem>> -> memref<1x4096xf32, #tpu.memory_space<vmem>>
    %dma_start3A_595 = tpu.memref_squeeze %dma_start3A_594 : memref<1x4096xf32, #tpu.memory_space<vmem>> -> memref<4096xf32, #tpu.memory_space<vmem>>
    %dma_start3A_596 = arith.constant 0 : i32
    %dma_start3A_597 = tpu.memref_slice %arg5[%dma_start3A_592, %add3A, %dma_start3A_596] : memref<16x32x4096xf32, #tpu.memory_space<hbm>> -> memref<1x1x4096xf32, #tpu.memory_space<hbm>>
    %dma_start3A_598 = tpu.memref_squeeze %dma_start3A_597 : memref<1x1x4096xf32, #tpu.memory_space<hbm>> -> memref<4096xf32, #tpu.memory_space<hbm>>
    %dma_start3A_599 = arith.constant 0 : i32
    %dma_start3A_600 = tpu.memref_slice %arg5[%dma_start3A_592, %add3A, %dma_start3A_599] : memref<16x32x4096xf32, #tpu.memory_space<hbm>> -> memref<1x1x4096xf32, #tpu.memory_space<hbm>>
    %dma_start3A_601 = tpu.memref_squeeze %dma_start3A_600 : memref<1x1x4096xf32, #tpu.memory_space<hbm>> -> memref<4096xf32, #tpu.memory_space<hbm>>
    %dma_start3A_602 = arith.constant 0 : i32
    %dma_start3A_603 = tpu.memref_slice %arg10[%dma_start3A_591, %dma_start3A_602] : memref<2x4096xf32, #tpu.memory_space<vmem>> -> memref<1x4096xf32, #tpu.memory_space<vmem>>
    %dma_start3A_604 = tpu.memref_squeeze %dma_start3A_603 : memref<1x4096xf32, #tpu.memory_space<vmem>> -> memref<4096xf32, #tpu.memory_space<vmem>>
    tpu.enqueue_dma source(%dma_start3A_604 : memref<4096xf32, #tpu.memory_space<vmem>>) target(%dma_start3A_601 : memref<4096xf32, #tpu.memory_space<hbm>>) target_semaphore(%arg15 : memref<!tpu.dma_semaphore, #tpu.memory_space<semaphore_mem>>)
    %dma_wait3A_605 = arith.constant 10 : i32
    %dma_wait3A_606 = arith.constant 0 : i32
    %dma_wait3A_607 = arith.constant 0 : i32
    %dma_wait3A_608 = tpu.memref_slice %arg9[%dma_wait3A_606, %dma_wait3A_607] : memref<2x4096xf32, #tpu.memory_space<vmem>> -> memref<1x4096xf32, #tpu.memory_space<vmem>>
    %dma_wait3A_609 = tpu.memref_squeeze %dma_wait3A_608 : memref<1x4096xf32, #tpu.memory_space<vmem>> -> memref<4096xf32, #tpu.memory_space<vmem>>
    %dma_wait3A_610 = arith.constant 0 : i32
    %dma_wait3A_611 = tpu.memref_slice %arg4[%dma_wait3A_605, %add3A, %dma_wait3A_610] : memref<16x32x4096xf32, #tpu.memory_space<hbm>> -> memref<1x1x4096xf32, #tpu.memory_space<hbm>>
    %dma_wait3A_612 = tpu.memref_squeeze %dma_wait3A_611 : memref<1x1x4096xf32, #tpu.memory_space<hbm>> -> memref<4096xf32, #tpu.memory_space<hbm>>
    %dma_wait3A_613 = arith.constant 0 : i32
    %dma_wait3A_614 = tpu.memref_slice %arg9[%dma_wait3A_606, %dma_wait3A_613] : memref<2x4096xf32, #tpu.memory_space<vmem>> -> memref<1x4096xf32, #tpu.memory_space<vmem>>
    %dma_wait3A_615 = tpu.memref_squeeze %dma_wait3A_614 : memref<1x4096xf32, #tpu.memory_space<vmem>> -> memref<4096xf32, #tpu.memory_space<vmem>>
    %dma_wait3A_616 = arith.constant 0 : i32
    %dma_wait3A_617 = tpu.memref_slice %arg4[%dma_wait3A_605, %add3A, %dma_wait3A_616] : memref<16x32x4096xf32, #tpu.memory_space<hbm>> -> memref<1x1x4096xf32, #tpu.memory_space<hbm>>
    %dma_wait3A_618 = tpu.memref_squeeze %dma_wait3A_617 : memref<1x1x4096xf32, #tpu.memory_space<hbm>> -> memref<4096xf32, #tpu.memory_space<hbm>>
    tpu.wait_dma2 semaphore(%arg12 : memref<!tpu.dma_semaphore, #tpu.memory_space<semaphore_mem>>) src(%dma_wait3A_618 : memref<4096xf32, #tpu.memory_space<hbm>>) dst(%dma_wait3A_615 : memref<4096xf32, #tpu.memory_space<vmem>>)
    %dma_start3A_619 = arith.constant 11 : i32
    %dma_start3A_620 = arith.constant 1 : i32
    %dma_start3A_621 = arith.constant 0 : i32
    %dma_start3A_622 = tpu.memref_slice %arg9[%dma_start3A_620, %dma_start3A_621] : memref<2x4096xf32, #tpu.memory_space<vmem>> -> memref<1x4096xf32, #tpu.memory_space<vmem>>
    %dma_start3A_623 = tpu.memref_squeeze %dma_start3A_622 : memref<1x4096xf32, #tpu.memory_space<vmem>> -> memref<4096xf32, #tpu.memory_space<vmem>>
    %dma_start3A_624 = arith.constant 0 : i32
    %dma_start3A_625 = tpu.memref_slice %arg4[%dma_start3A_619, %add3A, %dma_start3A_624] : memref<16x32x4096xf32, #tpu.memory_space<hbm>> -> memref<1x1x4096xf32, #tpu.memory_space<hbm>>
    %dma_start3A_626 = tpu.memref_squeeze %dma_start3A_625 : memref<1x1x4096xf32, #tpu.memory_space<hbm>> -> memref<4096xf32, #tpu.memory_space<hbm>>
    %dma_start3A_627 = arith.constant 0 : i32
    %dma_start3A_628 = tpu.memref_slice %arg9[%dma_start3A_620, %dma_start3A_627] : memref<2x4096xf32, #tpu.memory_space<vmem>> -> memref<1x4096xf32, #tpu.memory_space<vmem>>
    %dma_start3A_629 = tpu.memref_squeeze %dma_start3A_628 : memref<1x4096xf32, #tpu.memory_space<vmem>> -> memref<4096xf32, #tpu.memory_space<vmem>>
    %dma_start3A_630 = arith.constant 0 : i32
    %dma_start3A_631 = tpu.memref_slice %arg4[%dma_start3A_619, %add3A, %dma_start3A_630] : memref<16x32x4096xf32, #tpu.memory_space<hbm>> -> memref<1x1x4096xf32, #tpu.memory_space<hbm>>
    %dma_start3A_632 = tpu.memref_squeeze %dma_start3A_631 : memref<1x1x4096xf32, #tpu.memory_space<hbm>> -> memref<4096xf32, #tpu.memory_space<hbm>>
    tpu.enqueue_dma source(%dma_start3A_632 : memref<4096xf32, #tpu.memory_space<hbm>>) target(%dma_start3A_629 : memref<4096xf32, #tpu.memory_space<vmem>>) target_semaphore(%arg13 : memref<!tpu.dma_semaphore, #tpu.memory_space<semaphore_mem>>)
    %dma_wait3A_633 = arith.constant 0 : i32
    %dma_wait3A_634 = arith.constant 8 : i32
    %dma_wait3A_635 = arith.constant 0 : i32
    %dma_wait3A_636 = tpu.memref_slice %arg10[%dma_wait3A_633, %dma_wait3A_635] : memref<2x4096xf32, #tpu.memory_space<vmem>> -> memref<1x4096xf32, #tpu.memory_space<vmem>>
    %dma_wait3A_637 = tpu.memref_squeeze %dma_wait3A_636 : memref<1x4096xf32, #tpu.memory_space<vmem>> -> memref<4096xf32, #tpu.memory_space<vmem>>
    %dma_wait3A_638 = arith.constant 0 : i32
    %dma_wait3A_639 = tpu.memref_slice %arg5[%dma_wait3A_634, %add3A, %dma_wait3A_638] : memref<16x32x4096xf32, #tpu.memory_space<hbm>> -> memref<1x1x4096xf32, #tpu.memory_space<hbm>>
    %dma_wait3A_640 = tpu.memref_squeeze %dma_wait3A_639 : memref<1x1x4096xf32, #tpu.memory_space<hbm>> -> memref<4096xf32, #tpu.memory_space<hbm>>
    %dma_wait3A_641 = arith.constant 0 : i32
    %dma_wait3A_642 = tpu.memref_slice %arg5[%dma_wait3A_634, %add3A, %dma_wait3A_641] : memref<16x32x4096xf32, #tpu.memory_space<hbm>> -> memref<1x1x4096xf32, #tpu.memory_space<hbm>>
    %dma_wait3A_643 = tpu.memref_squeeze %dma_wait3A_642 : memref<1x1x4096xf32, #tpu.memory_space<hbm>> -> memref<4096xf32, #tpu.memory_space<hbm>>
    %dma_wait3A_644 = arith.constant 0 : i32
    %dma_wait3A_645 = tpu.memref_slice %arg10[%dma_wait3A_633, %dma_wait3A_644] : memref<2x4096xf32, #tpu.memory_space<vmem>> -> memref<1x4096xf32, #tpu.memory_space<vmem>>
    %dma_wait3A_646 = tpu.memref_squeeze %dma_wait3A_645 : memref<1x4096xf32, #tpu.memory_space<vmem>> -> memref<4096xf32, #tpu.memory_space<vmem>>
    tpu.wait_dma2 semaphore(%arg14 : memref<!tpu.dma_semaphore, #tpu.memory_space<semaphore_mem>>) src(%dma_wait3A_646 : memref<4096xf32, #tpu.memory_space<vmem>>) dst(%dma_wait3A_643 : memref<4096xf32, #tpu.memory_space<hbm>>)
    %scan3A_647 = arith.constant 0 : i32
    %scan3A_648 = arith.constant 128 : i32
    %scan3A_649 = arith.addi %scan3A_647, %scan3A_648 : i32
    %scan3A_650 = arith.constant 1 : i32
    %scan3A_651 = scf.for %scan3A_992 = %scan3A_647 to %scan3A_649 step %scan3A_650 iter_args(%scan3A_993 = %scan3A_589) -> (vector<16xf32>)  : i32 {
      %mul3A_994 = arith.constant 32 : i32
      %mul3A_995 = arith.muli %scan3A_992, %mul3A_994 : i32
      %add3A_996 = arith.constant 40960 : i32
      %add3A_997 = arith.addi %add3A_996, %mul3A_995 : i32
      %get3A = arith.index_cast %add3A_997 : i32 to index
      %get3A_998 = tpu.vector_load %arg8[%get3A] {strides = array<i32>} : memref<65536xi32, #tpu.memory_space<vmem>>, vector<16xi32>,
      %add3A_999 = arith.constant 40960 : i32
      %add3A_1000 = arith.addi %add3A_999, %mul3A_995 : i32
      %add3A_1001 = arith.constant 16 : i32
      %add3A_1002 = arith.addi %add3A_1000, %add3A_1001 : i32
      %get3A_1003 = arith.index_cast %add3A_1002 : i32 to index
      %get3A_1004 = tpu.vector_load %arg8[%get3A_1003] {strides = array<i32>} : memref<65536xi32, #tpu.memory_space<vmem>>, vector<16xi32>,
      %gather3A = tpu.vector_load_idx %arg7[%get3A_998] : memref<8192xf32, #tpu.memory_space<vmem>>[vector<16xi32>], vector<16xf32>,
      %gather3A_1005 = tpu.vector_load_idx %arg7[%get3A_1004] : memref<8192xf32, #tpu.memory_space<vmem>>[vector<16xi32>], vector<16xf32>,
      %get3A_1006 = arith.constant 0 : i32
      %get3A_1007 = arith.index_cast %get3A_1006 : i32 to index
      %get3A_1008 = arith.index_cast %mul3A_995 : i32 to index
      %get3A_1009 = tpu.vector_load %arg9[%get3A_1007, %get3A_1008] {strides = array<i32>} : memref<2x4096xf32, #tpu.memory_space<vmem>>, vector<16xf32>,
      %add3A_1010 = arith.constant 16 : i32
      %add3A_1011 = arith.addi %mul3A_995, %add3A_1010 : i32
      %get3A_1012 = arith.constant 0 : i32
      %get3A_1013 = arith.index_cast %get3A_1012 : i32 to index
      %get3A_1014 = arith.index_cast %add3A_1011 : i32 to index
      %get3A_1015 = tpu.vector_load %arg9[%get3A_1013, %get3A_1014] {strides = array<i32>} : memref<2x4096xf32, #tpu.memory_space<vmem>>, vector<16xf32>,
      %sub3A = arith.subf %gather3A, %get3A_1009 : vector<16xf32>
      %sub3A_1016 = arith.subf %gather3A_1005, %get3A_1015 : vector<16xf32>
      %add3A_1017 = arith.addf %get3A_1009, %sub3A : vector<16xf32>
      %swap3A_1018 = arith.constant 0 : i32
      %swap3A_1019 = arith.index_cast %swap3A_1018 : i32 to index
      %swap3A_1020 = arith.index_cast %mul3A_995 : i32 to index
      %swap3A_1021 = tpu.vector_load %arg10[%swap3A_1019, %swap3A_1020] {strides = array<i32>} : memref<2x4096xf32, #tpu.memory_space<vmem>>, vector<16xf32>,
      tpu.vector_store %arg10[%swap3A_1019, %swap3A_1020], %add3A_1017 {strides = array<i32>} : memref<2x4096xf32, #tpu.memory_space<vmem>>, vector<16xf32>,
      %add3A_1022 = arith.addf %get3A_1015, %sub3A_1016 : vector<16xf32>
      %add3A_1023 = arith.constant 16 : i32
      %add3A_1024 = arith.addi %mul3A_995, %add3A_1023 : i32
      %swap3A_1025 = arith.constant 0 : i32
      %swap3A_1026 = arith.index_cast %swap3A_1025 : i32 to index
      %swap3A_1027 = arith.index_cast %add3A_1024 : i32 to index
      %swap3A_1028 = tpu.vector_load %arg10[%swap3A_1026, %swap3A_1027] {strides = array<i32>} : memref<2x4096xf32, #tpu.memory_space<vmem>>, vector<16xf32>,
      tpu.vector_store %arg10[%swap3A_1026, %swap3A_1027], %add3A_1022 {strides = array<i32>} : memref<2x4096xf32, #tpu.memory_space<vmem>>, vector<16xf32>,
      %mul3A_1029 = arith.mulf %sub3A, %sub3A : vector<16xf32>
      %mul3A_1030 = arith.mulf %sub3A_1016, %sub3A_1016 : vector<16xf32>
      %add3A_1031 = arith.addf %mul3A_1029, %mul3A_1030 : vector<16xf32>
      %add3A_1032 = arith.addf %scan3A_993, %add3A_1031 : vector<16xf32>
      scf.yield %add3A_1032 : vector<16xf32>
    }
    %scan3A_652 = arith.constant 128 : i32
    %dma_start3A_653 = arith.constant 0 : i32
    %dma_start3A_654 = arith.constant 10 : i32
    %dma_start3A_655 = arith.constant 0 : i32
    %dma_start3A_656 = tpu.memref_slice %arg10[%dma_start3A_653, %dma_start3A_655] : memref<2x4096xf32, #tpu.memory_space<vmem>> -> memref<1x4096xf32, #tpu.memory_space<vmem>>
    %dma_start3A_657 = tpu.memref_squeeze %dma_start3A_656 : memref<1x4096xf32, #tpu.memory_space<vmem>> -> memref<4096xf32, #tpu.memory_space<vmem>>
    %dma_start3A_658 = arith.constant 0 : i32
    %dma_start3A_659 = tpu.memref_slice %arg5[%dma_start3A_654, %add3A, %dma_start3A_658] : memref<16x32x4096xf32, #tpu.memory_space<hbm>> -> memref<1x1x4096xf32, #tpu.memory_space<hbm>>
    %dma_start3A_660 = tpu.memref_squeeze %dma_start3A_659 : memref<1x1x4096xf32, #tpu.memory_space<hbm>> -> memref<4096xf32, #tpu.memory_space<hbm>>
    %dma_start3A_661 = arith.constant 0 : i32
    %dma_start3A_662 = tpu.memref_slice %arg5[%dma_start3A_654, %add3A, %dma_start3A_661] : memref<16x32x4096xf32, #tpu.memory_space<hbm>> -> memref<1x1x4096xf32, #tpu.memory_space<hbm>>
    %dma_start3A_663 = tpu.memref_squeeze %dma_start3A_662 : memref<1x1x4096xf32, #tpu.memory_space<hbm>> -> memref<4096xf32, #tpu.memory_space<hbm>>
    %dma_start3A_664 = arith.constant 0 : i32
    %dma_start3A_665 = tpu.memref_slice %arg10[%dma_start3A_653, %dma_start3A_664] : memref<2x4096xf32, #tpu.memory_space<vmem>> -> memref<1x4096xf32, #tpu.memory_space<vmem>>
    %dma_start3A_666 = tpu.memref_squeeze %dma_start3A_665 : memref<1x4096xf32, #tpu.memory_space<vmem>> -> memref<4096xf32, #tpu.memory_space<vmem>>
    tpu.enqueue_dma source(%dma_start3A_666 : memref<4096xf32, #tpu.memory_space<vmem>>) target(%dma_start3A_663 : memref<4096xf32, #tpu.memory_space<hbm>>) target_semaphore(%arg14 : memref<!tpu.dma_semaphore, #tpu.memory_space<semaphore_mem>>)
    %dma_wait3A_667 = arith.constant 11 : i32
    %dma_wait3A_668 = arith.constant 1 : i32
    %dma_wait3A_669 = arith.constant 0 : i32
    %dma_wait3A_670 = tpu.memref_slice %arg9[%dma_wait3A_668, %dma_wait3A_669] : memref<2x4096xf32, #tpu.memory_space<vmem>> -> memref<1x4096xf32, #tpu.memory_space<vmem>>
    %dma_wait3A_671 = tpu.memref_squeeze %dma_wait3A_670 : memref<1x4096xf32, #tpu.memory_space<vmem>> -> memref<4096xf32, #tpu.memory_space<vmem>>
    %dma_wait3A_672 = arith.constant 0 : i32
    %dma_wait3A_673 = tpu.memref_slice %arg4[%dma_wait3A_667, %add3A, %dma_wait3A_672] : memref<16x32x4096xf32, #tpu.memory_space<hbm>> -> memref<1x1x4096xf32, #tpu.memory_space<hbm>>
    %dma_wait3A_674 = tpu.memref_squeeze %dma_wait3A_673 : memref<1x1x4096xf32, #tpu.memory_space<hbm>> -> memref<4096xf32, #tpu.memory_space<hbm>>
    %dma_wait3A_675 = arith.constant 0 : i32
    %dma_wait3A_676 = tpu.memref_slice %arg9[%dma_wait3A_668, %dma_wait3A_675] : memref<2x4096xf32, #tpu.memory_space<vmem>> -> memref<1x4096xf32, #tpu.memory_space<vmem>>
    %dma_wait3A_677 = tpu.memref_squeeze %dma_wait3A_676 : memref<1x4096xf32, #tpu.memory_space<vmem>> -> memref<4096xf32, #tpu.memory_space<vmem>>
    %dma_wait3A_678 = arith.constant 0 : i32
    %dma_wait3A_679 = tpu.memref_slice %arg4[%dma_wait3A_667, %add3A, %dma_wait3A_678] : memref<16x32x4096xf32, #tpu.memory_space<hbm>> -> memref<1x1x4096xf32, #tpu.memory_space<hbm>>
    %dma_wait3A_680 = tpu.memref_squeeze %dma_wait3A_679 : memref<1x1x4096xf32, #tpu.memory_space<hbm>> -> memref<4096xf32, #tpu.memory_space<hbm>>
    tpu.wait_dma2 semaphore(%arg13 : memref<!tpu.dma_semaphore, #tpu.memory_space<semaphore_mem>>) src(%dma_wait3A_680 : memref<4096xf32, #tpu.memory_space<hbm>>) dst(%dma_wait3A_677 : memref<4096xf32, #tpu.memory_space<vmem>>)
    %dma_start3A_681 = arith.constant 12 : i32
    %dma_start3A_682 = arith.constant 0 : i32
    %dma_start3A_683 = arith.constant 0 : i32
    %dma_start3A_684 = tpu.memref_slice %arg9[%dma_start3A_682, %dma_start3A_683] : memref<2x4096xf32, #tpu.memory_space<vmem>> -> memref<1x4096xf32, #tpu.memory_space<vmem>>
    %dma_start3A_685 = tpu.memref_squeeze %dma_start3A_684 : memref<1x4096xf32, #tpu.memory_space<vmem>> -> memref<4096xf32, #tpu.memory_space<vmem>>
    %dma_start3A_686 = arith.constant 0 : i32
    %dma_start3A_687 = tpu.memref_slice %arg4[%dma_start3A_681, %add3A, %dma_start3A_686] : memref<16x32x4096xf32, #tpu.memory_space<hbm>> -> memref<1x1x4096xf32, #tpu.memory_space<hbm>>
    %dma_start3A_688 = tpu.memref_squeeze %dma_start3A_687 : memref<1x1x4096xf32, #tpu.memory_space<hbm>> -> memref<4096xf32, #tpu.memory_space<hbm>>
    %dma_start3A_689 = arith.constant 0 : i32
    %dma_start3A_690 = tpu.memref_slice %arg9[%dma_start3A_682, %dma_start3A_689] : memref<2x4096xf32, #tpu.memory_space<vmem>> -> memref<1x4096xf32, #tpu.memory_space<vmem>>
    %dma_start3A_691 = tpu.memref_squeeze %dma_start3A_690 : memref<1x4096xf32, #tpu.memory_space<vmem>> -> memref<4096xf32, #tpu.memory_space<vmem>>
    %dma_start3A_692 = arith.constant 0 : i32
    %dma_start3A_693 = tpu.memref_slice %arg4[%dma_start3A_681, %add3A, %dma_start3A_692] : memref<16x32x4096xf32, #tpu.memory_space<hbm>> -> memref<1x1x4096xf32, #tpu.memory_space<hbm>>
    %dma_start3A_694 = tpu.memref_squeeze %dma_start3A_693 : memref<1x1x4096xf32, #tpu.memory_space<hbm>> -> memref<4096xf32, #tpu.memory_space<hbm>>
    tpu.enqueue_dma source(%dma_start3A_694 : memref<4096xf32, #tpu.memory_space<hbm>>) target(%dma_start3A_691 : memref<4096xf32, #tpu.memory_space<vmem>>) target_semaphore(%arg12 : memref<!tpu.dma_semaphore, #tpu.memory_space<semaphore_mem>>)
    %dma_wait3A_695 = arith.constant 1 : i32
    %dma_wait3A_696 = arith.constant 9 : i32
    %dma_wait3A_697 = arith.constant 0 : i32
    %dma_wait3A_698 = tpu.memref_slice %arg10[%dma_wait3A_695, %dma_wait3A_697] : memref<2x4096xf32, #tpu.memory_space<vmem>> -> memref<1x4096xf32, #tpu.memory_space<vmem>>
    %dma_wait3A_699 = tpu.memref_squeeze %dma_wait3A_698 : memref<1x4096xf32, #tpu.memory_space<vmem>> -> memref<4096xf32, #tpu.memory_space<vmem>>
    %dma_wait3A_700 = arith.constant 0 : i32
    %dma_wait3A_701 = tpu.memref_slice %arg5[%dma_wait3A_696, %add3A, %dma_wait3A_700] : memref<16x32x4096xf32, #tpu.memory_space<hbm>> -> memref<1x1x4096xf32, #tpu.memory_space<hbm>>
    %dma_wait3A_702 = tpu.memref_squeeze %dma_wait3A_701 : memref<1x1x4096xf32, #tpu.memory_space<hbm>> -> memref<4096xf32, #tpu.memory_space<hbm>>
    %dma_wait3A_703 = arith.constant 0 : i32
    %dma_wait3A_704 = tpu.memref_slice %arg5[%dma_wait3A_696, %add3A, %dma_wait3A_703] : memref<16x32x4096xf32, #tpu.memory_space<hbm>> -> memref<1x1x4096xf32, #tpu.memory_space<hbm>>
    %dma_wait3A_705 = tpu.memref_squeeze %dma_wait3A_704 : memref<1x1x4096xf32, #tpu.memory_space<hbm>> -> memref<4096xf32, #tpu.memory_space<hbm>>
    %dma_wait3A_706 = arith.constant 0 : i32
    %dma_wait3A_707 = tpu.memref_slice %arg10[%dma_wait3A_695, %dma_wait3A_706] : memref<2x4096xf32, #tpu.memory_space<vmem>> -> memref<1x4096xf32, #tpu.memory_space<vmem>>
    %dma_wait3A_708 = tpu.memref_squeeze %dma_wait3A_707 : memref<1x4096xf32, #tpu.memory_space<vmem>> -> memref<4096xf32, #tpu.memory_space<vmem>>
    tpu.wait_dma2 semaphore(%arg15 : memref<!tpu.dma_semaphore, #tpu.memory_space<semaphore_mem>>) src(%dma_wait3A_708 : memref<4096xf32, #tpu.memory_space<vmem>>) dst(%dma_wait3A_705 : memref<4096xf32, #tpu.memory_space<hbm>>)
    %scan3A_709 = arith.constant 0 : i32
    %scan3A_710 = arith.constant 128 : i32
    %scan3A_711 = arith.addi %scan3A_709, %scan3A_710 : i32
    %scan3A_712 = arith.constant 1 : i32
    %scan3A_713 = scf.for %scan3A_992 = %scan3A_709 to %scan3A_711 step %scan3A_712 iter_args(%scan3A_993 = %scan3A_651) -> (vector<16xf32>)  : i32 {
      %mul3A_994 = arith.constant 32 : i32
      %mul3A_995 = arith.muli %scan3A_992, %mul3A_994 : i32
      %add3A_996 = arith.constant 45056 : i32
      %add3A_997 = arith.addi %add3A_996, %mul3A_995 : i32
      %get3A = arith.index_cast %add3A_997 : i32 to index
      %get3A_998 = tpu.vector_load %arg8[%get3A] {strides = array<i32>} : memref<65536xi32, #tpu.memory_space<vmem>>, vector<16xi32>,
      %add3A_999 = arith.constant 45056 : i32
      %add3A_1000 = arith.addi %add3A_999, %mul3A_995 : i32
      %add3A_1001 = arith.constant 16 : i32
      %add3A_1002 = arith.addi %add3A_1000, %add3A_1001 : i32
      %get3A_1003 = arith.index_cast %add3A_1002 : i32 to index
      %get3A_1004 = tpu.vector_load %arg8[%get3A_1003] {strides = array<i32>} : memref<65536xi32, #tpu.memory_space<vmem>>, vector<16xi32>,
      %gather3A = tpu.vector_load_idx %arg7[%get3A_998] : memref<8192xf32, #tpu.memory_space<vmem>>[vector<16xi32>], vector<16xf32>,
      %gather3A_1005 = tpu.vector_load_idx %arg7[%get3A_1004] : memref<8192xf32, #tpu.memory_space<vmem>>[vector<16xi32>], vector<16xf32>,
      %get3A_1006 = arith.constant 1 : i32
      %get3A_1007 = arith.index_cast %get3A_1006 : i32 to index
      %get3A_1008 = arith.index_cast %mul3A_995 : i32 to index
      %get3A_1009 = tpu.vector_load %arg9[%get3A_1007, %get3A_1008] {strides = array<i32>} : memref<2x4096xf32, #tpu.memory_space<vmem>>, vector<16xf32>,
      %add3A_1010 = arith.constant 16 : i32
      %add3A_1011 = arith.addi %mul3A_995, %add3A_1010 : i32
      %get3A_1012 = arith.constant 1 : i32
      %get3A_1013 = arith.index_cast %get3A_1012 : i32 to index
      %get3A_1014 = arith.index_cast %add3A_1011 : i32 to index
      %get3A_1015 = tpu.vector_load %arg9[%get3A_1013, %get3A_1014] {strides = array<i32>} : memref<2x4096xf32, #tpu.memory_space<vmem>>, vector<16xf32>,
      %sub3A = arith.subf %gather3A, %get3A_1009 : vector<16xf32>
      %sub3A_1016 = arith.subf %gather3A_1005, %get3A_1015 : vector<16xf32>
      %add3A_1017 = arith.addf %get3A_1009, %sub3A : vector<16xf32>
      %swap3A_1018 = arith.constant 1 : i32
      %swap3A_1019 = arith.index_cast %swap3A_1018 : i32 to index
      %swap3A_1020 = arith.index_cast %mul3A_995 : i32 to index
      %swap3A_1021 = tpu.vector_load %arg10[%swap3A_1019, %swap3A_1020] {strides = array<i32>} : memref<2x4096xf32, #tpu.memory_space<vmem>>, vector<16xf32>,
      tpu.vector_store %arg10[%swap3A_1019, %swap3A_1020], %add3A_1017 {strides = array<i32>} : memref<2x4096xf32, #tpu.memory_space<vmem>>, vector<16xf32>,
      %add3A_1022 = arith.addf %get3A_1015, %sub3A_1016 : vector<16xf32>
      %add3A_1023 = arith.constant 16 : i32
      %add3A_1024 = arith.addi %mul3A_995, %add3A_1023 : i32
      %swap3A_1025 = arith.constant 1 : i32
      %swap3A_1026 = arith.index_cast %swap3A_1025 : i32 to index
      %swap3A_1027 = arith.index_cast %add3A_1024 : i32 to index
      %swap3A_1028 = tpu.vector_load %arg10[%swap3A_1026, %swap3A_1027] {strides = array<i32>} : memref<2x4096xf32, #tpu.memory_space<vmem>>, vector<16xf32>,
      tpu.vector_store %arg10[%swap3A_1026, %swap3A_1027], %add3A_1022 {strides = array<i32>} : memref<2x4096xf32, #tpu.memory_space<vmem>>, vector<16xf32>,
      %mul3A_1029 = arith.mulf %sub3A, %sub3A : vector<16xf32>
      %mul3A_1030 = arith.mulf %sub3A_1016, %sub3A_1016 : vector<16xf32>
      %add3A_1031 = arith.addf %mul3A_1029, %mul3A_1030 : vector<16xf32>
      %add3A_1032 = arith.addf %scan3A_993, %add3A_1031 : vector<16xf32>
      scf.yield %add3A_1032 : vector<16xf32>
    }
    %scan3A_714 = arith.constant 128 : i32
    %dma_start3A_715 = arith.constant 1 : i32
    %dma_start3A_716 = arith.constant 11 : i32
    %dma_start3A_717 = arith.constant 0 : i32
    %dma_start3A_718 = tpu.memref_slice %arg10[%dma_start3A_715, %dma_start3A_717] : memref<2x4096xf32, #tpu.memory_space<vmem>> -> memref<1x4096xf32, #tpu.memory_space<vmem>>
    %dma_start3A_719 = tpu.memref_squeeze %dma_start3A_718 : memref<1x4096xf32, #tpu.memory_space<vmem>> -> memref<4096xf32, #tpu.memory_space<vmem>>
    %dma_start3A_720 = arith.constant 0 : i32
    %dma_start3A_721 = tpu.memref_slice %arg5[%dma_start3A_716, %add3A, %dma_start3A_720] : memref<16x32x4096xf32, #tpu.memory_space<hbm>> -> memref<1x1x4096xf32, #tpu.memory_space<hbm>>
    %dma_start3A_722 = tpu.memref_squeeze %dma_start3A_721 : memref<1x1x4096xf32, #tpu.memory_space<hbm>> -> memref<4096xf32, #tpu.memory_space<hbm>>
    %dma_start3A_723 = arith.constant 0 : i32
    %dma_start3A_724 = tpu.memref_slice %arg5[%dma_start3A_716, %add3A, %dma_start3A_723] : memref<16x32x4096xf32, #tpu.memory_space<hbm>> -> memref<1x1x4096xf32, #tpu.memory_space<hbm>>
    %dma_start3A_725 = tpu.memref_squeeze %dma_start3A_724 : memref<1x1x4096xf32, #tpu.memory_space<hbm>> -> memref<4096xf32, #tpu.memory_space<hbm>>
    %dma_start3A_726 = arith.constant 0 : i32
    %dma_start3A_727 = tpu.memref_slice %arg10[%dma_start3A_715, %dma_start3A_726] : memref<2x4096xf32, #tpu.memory_space<vmem>> -> memref<1x4096xf32, #tpu.memory_space<vmem>>
    %dma_start3A_728 = tpu.memref_squeeze %dma_start3A_727 : memref<1x4096xf32, #tpu.memory_space<vmem>> -> memref<4096xf32, #tpu.memory_space<vmem>>
    tpu.enqueue_dma source(%dma_start3A_728 : memref<4096xf32, #tpu.memory_space<vmem>>) target(%dma_start3A_725 : memref<4096xf32, #tpu.memory_space<hbm>>) target_semaphore(%arg15 : memref<!tpu.dma_semaphore, #tpu.memory_space<semaphore_mem>>)
    %dma_wait3A_729 = arith.constant 12 : i32
    %dma_wait3A_730 = arith.constant 0 : i32
    %dma_wait3A_731 = arith.constant 0 : i32
    %dma_wait3A_732 = tpu.memref_slice %arg9[%dma_wait3A_730, %dma_wait3A_731] : memref<2x4096xf32, #tpu.memory_space<vmem>> -> memref<1x4096xf32, #tpu.memory_space<vmem>>
    %dma_wait3A_733 = tpu.memref_squeeze %dma_wait3A_732 : memref<1x4096xf32, #tpu.memory_space<vmem>> -> memref<4096xf32, #tpu.memory_space<vmem>>
    %dma_wait3A_734 = arith.constant 0 : i32
    %dma_wait3A_735 = tpu.memref_slice %arg4[%dma_wait3A_729, %add3A, %dma_wait3A_734] : memref<16x32x4096xf32, #tpu.memory_space<hbm>> -> memref<1x1x4096xf32, #tpu.memory_space<hbm>>
    %dma_wait3A_736 = tpu.memref_squeeze %dma_wait3A_735 : memref<1x1x4096xf32, #tpu.memory_space<hbm>> -> memref<4096xf32, #tpu.memory_space<hbm>>
    %dma_wait3A_737 = arith.constant 0 : i32
    %dma_wait3A_738 = tpu.memref_slice %arg9[%dma_wait3A_730, %dma_wait3A_737] : memref<2x4096xf32, #tpu.memory_space<vmem>> -> memref<1x4096xf32, #tpu.memory_space<vmem>>
    %dma_wait3A_739 = tpu.memref_squeeze %dma_wait3A_738 : memref<1x4096xf32, #tpu.memory_space<vmem>> -> memref<4096xf32, #tpu.memory_space<vmem>>
    %dma_wait3A_740 = arith.constant 0 : i32
    %dma_wait3A_741 = tpu.memref_slice %arg4[%dma_wait3A_729, %add3A, %dma_wait3A_740] : memref<16x32x4096xf32, #tpu.memory_space<hbm>> -> memref<1x1x4096xf32, #tpu.memory_space<hbm>>
    %dma_wait3A_742 = tpu.memref_squeeze %dma_wait3A_741 : memref<1x1x4096xf32, #tpu.memory_space<hbm>> -> memref<4096xf32, #tpu.memory_space<hbm>>
    tpu.wait_dma2 semaphore(%arg12 : memref<!tpu.dma_semaphore, #tpu.memory_space<semaphore_mem>>) src(%dma_wait3A_742 : memref<4096xf32, #tpu.memory_space<hbm>>) dst(%dma_wait3A_739 : memref<4096xf32, #tpu.memory_space<vmem>>)
    %dma_start3A_743 = arith.constant 13 : i32
    %dma_start3A_744 = arith.constant 1 : i32
    %dma_start3A_745 = arith.constant 0 : i32
    %dma_start3A_746 = tpu.memref_slice %arg9[%dma_start3A_744, %dma_start3A_745] : memref<2x4096xf32, #tpu.memory_space<vmem>> -> memref<1x4096xf32, #tpu.memory_space<vmem>>
    %dma_start3A_747 = tpu.memref_squeeze %dma_start3A_746 : memref<1x4096xf32, #tpu.memory_space<vmem>> -> memref<4096xf32, #tpu.memory_space<vmem>>
    %dma_start3A_748 = arith.constant 0 : i32
    %dma_start3A_749 = tpu.memref_slice %arg4[%dma_start3A_743, %add3A, %dma_start3A_748] : memref<16x32x4096xf32, #tpu.memory_space<hbm>> -> memref<1x1x4096xf32, #tpu.memory_space<hbm>>
    %dma_start3A_750 = tpu.memref_squeeze %dma_start3A_749 : memref<1x1x4096xf32, #tpu.memory_space<hbm>> -> memref<4096xf32, #tpu.memory_space<hbm>>
    %dma_start3A_751 = arith.constant 0 : i32
    %dma_start3A_752 = tpu.memref_slice %arg9[%dma_start3A_744, %dma_start3A_751] : memref<2x4096xf32, #tpu.memory_space<vmem>> -> memref<1x4096xf32, #tpu.memory_space<vmem>>
    %dma_start3A_753 = tpu.memref_squeeze %dma_start3A_752 : memref<1x4096xf32, #tpu.memory_space<vmem>> -> memref<4096xf32, #tpu.memory_space<vmem>>
    %dma_start3A_754 = arith.constant 0 : i32
    %dma_start3A_755 = tpu.memref_slice %arg4[%dma_start3A_743, %add3A, %dma_start3A_754] : memref<16x32x4096xf32, #tpu.memory_space<hbm>> -> memref<1x1x4096xf32, #tpu.memory_space<hbm>>
    %dma_start3A_756 = tpu.memref_squeeze %dma_start3A_755 : memref<1x1x4096xf32, #tpu.memory_space<hbm>> -> memref<4096xf32, #tpu.memory_space<hbm>>
    tpu.enqueue_dma source(%dma_start3A_756 : memref<4096xf32, #tpu.memory_space<hbm>>) target(%dma_start3A_753 : memref<4096xf32, #tpu.memory_space<vmem>>) target_semaphore(%arg13 : memref<!tpu.dma_semaphore, #tpu.memory_space<semaphore_mem>>)
    %dma_wait3A_757 = arith.constant 0 : i32
    %dma_wait3A_758 = arith.constant 10 : i32
    %dma_wait3A_759 = arith.constant 0 : i32
    %dma_wait3A_760 = tpu.memref_slice %arg10[%dma_wait3A_757, %dma_wait3A_759] : memref<2x4096xf32, #tpu.memory_space<vmem>> -> memref<1x4096xf32, #tpu.memory_space<vmem>>
    %dma_wait3A_761 = tpu.memref_squeeze %dma_wait3A_760 : memref<1x4096xf32, #tpu.memory_space<vmem>> -> memref<4096xf32, #tpu.memory_space<vmem>>
    %dma_wait3A_762 = arith.constant 0 : i32
    %dma_wait3A_763 = tpu.memref_slice %arg5[%dma_wait3A_758, %add3A, %dma_wait3A_762] : memref<16x32x4096xf32, #tpu.memory_space<hbm>> -> memref<1x1x4096xf32, #tpu.memory_space<hbm>>
    %dma_wait3A_764 = tpu.memref_squeeze %dma_wait3A_763 : memref<1x1x4096xf32, #tpu.memory_space<hbm>> -> memref<4096xf32, #tpu.memory_space<hbm>>
    %dma_wait3A_765 = arith.constant 0 : i32
    %dma_wait3A_766 = tpu.memref_slice %arg5[%dma_wait3A_758, %add3A, %dma_wait3A_765] : memref<16x32x4096xf32, #tpu.memory_space<hbm>> -> memref<1x1x4096xf32, #tpu.memory_space<hbm>>
    %dma_wait3A_767 = tpu.memref_squeeze %dma_wait3A_766 : memref<1x1x4096xf32, #tpu.memory_space<hbm>> -> memref<4096xf32, #tpu.memory_space<hbm>>
    %dma_wait3A_768 = arith.constant 0 : i32
    %dma_wait3A_769 = tpu.memref_slice %arg10[%dma_wait3A_757, %dma_wait3A_768] : memref<2x4096xf32, #tpu.memory_space<vmem>> -> memref<1x4096xf32, #tpu.memory_space<vmem>>
    %dma_wait3A_770 = tpu.memref_squeeze %dma_wait3A_769 : memref<1x4096xf32, #tpu.memory_space<vmem>> -> memref<4096xf32, #tpu.memory_space<vmem>>
    tpu.wait_dma2 semaphore(%arg14 : memref<!tpu.dma_semaphore, #tpu.memory_space<semaphore_mem>>) src(%dma_wait3A_770 : memref<4096xf32, #tpu.memory_space<vmem>>) dst(%dma_wait3A_767 : memref<4096xf32, #tpu.memory_space<hbm>>)
    %scan3A_771 = arith.constant 0 : i32
    %scan3A_772 = arith.constant 128 : i32
    %scan3A_773 = arith.addi %scan3A_771, %scan3A_772 : i32
    %scan3A_774 = arith.constant 1 : i32
    %scan3A_775 = scf.for %scan3A_992 = %scan3A_771 to %scan3A_773 step %scan3A_774 iter_args(%scan3A_993 = %scan3A_713) -> (vector<16xf32>)  : i32 {
      %mul3A_994 = arith.constant 32 : i32
      %mul3A_995 = arith.muli %scan3A_992, %mul3A_994 : i32
      %add3A_996 = arith.constant 49152 : i32
      %add3A_997 = arith.addi %add3A_996, %mul3A_995 : i32
      %get3A = arith.index_cast %add3A_997 : i32 to index
      %get3A_998 = tpu.vector_load %arg8[%get3A] {strides = array<i32>} : memref<65536xi32, #tpu.memory_space<vmem>>, vector<16xi32>,
      %add3A_999 = arith.constant 49152 : i32
      %add3A_1000 = arith.addi %add3A_999, %mul3A_995 : i32
      %add3A_1001 = arith.constant 16 : i32
      %add3A_1002 = arith.addi %add3A_1000, %add3A_1001 : i32
      %get3A_1003 = arith.index_cast %add3A_1002 : i32 to index
      %get3A_1004 = tpu.vector_load %arg8[%get3A_1003] {strides = array<i32>} : memref<65536xi32, #tpu.memory_space<vmem>>, vector<16xi32>,
      %gather3A = tpu.vector_load_idx %arg7[%get3A_998] : memref<8192xf32, #tpu.memory_space<vmem>>[vector<16xi32>], vector<16xf32>,
      %gather3A_1005 = tpu.vector_load_idx %arg7[%get3A_1004] : memref<8192xf32, #tpu.memory_space<vmem>>[vector<16xi32>], vector<16xf32>,
      %get3A_1006 = arith.constant 0 : i32
      %get3A_1007 = arith.index_cast %get3A_1006 : i32 to index
      %get3A_1008 = arith.index_cast %mul3A_995 : i32 to index
      %get3A_1009 = tpu.vector_load %arg9[%get3A_1007, %get3A_1008] {strides = array<i32>} : memref<2x4096xf32, #tpu.memory_space<vmem>>, vector<16xf32>,
      %add3A_1010 = arith.constant 16 : i32
      %add3A_1011 = arith.addi %mul3A_995, %add3A_1010 : i32
      %get3A_1012 = arith.constant 0 : i32
      %get3A_1013 = arith.index_cast %get3A_1012 : i32 to index
      %get3A_1014 = arith.index_cast %add3A_1011 : i32 to index
      %get3A_1015 = tpu.vector_load %arg9[%get3A_1013, %get3A_1014] {strides = array<i32>} : memref<2x4096xf32, #tpu.memory_space<vmem>>, vector<16xf32>,
      %sub3A = arith.subf %gather3A, %get3A_1009 : vector<16xf32>
      %sub3A_1016 = arith.subf %gather3A_1005, %get3A_1015 : vector<16xf32>
      %add3A_1017 = arith.addf %get3A_1009, %sub3A : vector<16xf32>
      %swap3A_1018 = arith.constant 0 : i32
      %swap3A_1019 = arith.index_cast %swap3A_1018 : i32 to index
      %swap3A_1020 = arith.index_cast %mul3A_995 : i32 to index
      %swap3A_1021 = tpu.vector_load %arg10[%swap3A_1019, %swap3A_1020] {strides = array<i32>} : memref<2x4096xf32, #tpu.memory_space<vmem>>, vector<16xf32>,
      tpu.vector_store %arg10[%swap3A_1019, %swap3A_1020], %add3A_1017 {strides = array<i32>} : memref<2x4096xf32, #tpu.memory_space<vmem>>, vector<16xf32>,
      %add3A_1022 = arith.addf %get3A_1015, %sub3A_1016 : vector<16xf32>
      %add3A_1023 = arith.constant 16 : i32
      %add3A_1024 = arith.addi %mul3A_995, %add3A_1023 : i32
      %swap3A_1025 = arith.constant 0 : i32
      %swap3A_1026 = arith.index_cast %swap3A_1025 : i32 to index
      %swap3A_1027 = arith.index_cast %add3A_1024 : i32 to index
      %swap3A_1028 = tpu.vector_load %arg10[%swap3A_1026, %swap3A_1027] {strides = array<i32>} : memref<2x4096xf32, #tpu.memory_space<vmem>>, vector<16xf32>,
      tpu.vector_store %arg10[%swap3A_1026, %swap3A_1027], %add3A_1022 {strides = array<i32>} : memref<2x4096xf32, #tpu.memory_space<vmem>>, vector<16xf32>,
      %mul3A_1029 = arith.mulf %sub3A, %sub3A : vector<16xf32>
      %mul3A_1030 = arith.mulf %sub3A_1016, %sub3A_1016 : vector<16xf32>
      %add3A_1031 = arith.addf %mul3A_1029, %mul3A_1030 : vector<16xf32>
      %add3A_1032 = arith.addf %scan3A_993, %add3A_1031 : vector<16xf32>
      scf.yield %add3A_1032 : vector<16xf32>
    }
    %scan3A_776 = arith.constant 128 : i32
    %dma_start3A_777 = arith.constant 0 : i32
    %dma_start3A_778 = arith.constant 12 : i32
    %dma_start3A_779 = arith.constant 0 : i32
    %dma_start3A_780 = tpu.memref_slice %arg10[%dma_start3A_777, %dma_start3A_779] : memref<2x4096xf32, #tpu.memory_space<vmem>> -> memref<1x4096xf32, #tpu.memory_space<vmem>>
    %dma_start3A_781 = tpu.memref_squeeze %dma_start3A_780 : memref<1x4096xf32, #tpu.memory_space<vmem>> -> memref<4096xf32, #tpu.memory_space<vmem>>
    %dma_start3A_782 = arith.constant 0 : i32
    %dma_start3A_783 = tpu.memref_slice %arg5[%dma_start3A_778, %add3A, %dma_start3A_782] : memref<16x32x4096xf32, #tpu.memory_space<hbm>> -> memref<1x1x4096xf32, #tpu.memory_space<hbm>>
    %dma_start3A_784 = tpu.memref_squeeze %dma_start3A_783 : memref<1x1x4096xf32, #tpu.memory_space<hbm>> -> memref<4096xf32, #tpu.memory_space<hbm>>
    %dma_start3A_785 = arith.constant 0 : i32
    %dma_start3A_786 = tpu.memref_slice %arg5[%dma_start3A_778, %add3A, %dma_start3A_785] : memref<16x32x4096xf32, #tpu.memory_space<hbm>> -> memref<1x1x4096xf32, #tpu.memory_space<hbm>>
    %dma_start3A_787 = tpu.memref_squeeze %dma_start3A_786 : memref<1x1x4096xf32, #tpu.memory_space<hbm>> -> memref<4096xf32, #tpu.memory_space<hbm>>
    %dma_start3A_788 = arith.constant 0 : i32
    %dma_start3A_789 = tpu.memref_slice %arg10[%dma_start3A_777, %dma_start3A_788] : memref<2x4096xf32, #tpu.memory_space<vmem>> -> memref<1x4096xf32, #tpu.memory_space<vmem>>
    %dma_start3A_790 = tpu.memref_squeeze %dma_start3A_789 : memref<1x4096xf32, #tpu.memory_space<vmem>> -> memref<4096xf32, #tpu.memory_space<vmem>>
    tpu.enqueue_dma source(%dma_start3A_790 : memref<4096xf32, #tpu.memory_space<vmem>>) target(%dma_start3A_787 : memref<4096xf32, #tpu.memory_space<hbm>>) target_semaphore(%arg14 : memref<!tpu.dma_semaphore, #tpu.memory_space<semaphore_mem>>)
    %dma_wait3A_791 = arith.constant 13 : i32
    %dma_wait3A_792 = arith.constant 1 : i32
    %dma_wait3A_793 = arith.constant 0 : i32
    %dma_wait3A_794 = tpu.memref_slice %arg9[%dma_wait3A_792, %dma_wait3A_793] : memref<2x4096xf32, #tpu.memory_space<vmem>> -> memref<1x4096xf32, #tpu.memory_space<vmem>>
    %dma_wait3A_795 = tpu.memref_squeeze %dma_wait3A_794 : memref<1x4096xf32, #tpu.memory_space<vmem>> -> memref<4096xf32, #tpu.memory_space<vmem>>
    %dma_wait3A_796 = arith.constant 0 : i32
    %dma_wait3A_797 = tpu.memref_slice %arg4[%dma_wait3A_791, %add3A, %dma_wait3A_796] : memref<16x32x4096xf32, #tpu.memory_space<hbm>> -> memref<1x1x4096xf32, #tpu.memory_space<hbm>>
    %dma_wait3A_798 = tpu.memref_squeeze %dma_wait3A_797 : memref<1x1x4096xf32, #tpu.memory_space<hbm>> -> memref<4096xf32, #tpu.memory_space<hbm>>
    %dma_wait3A_799 = arith.constant 0 : i32
    %dma_wait3A_800 = tpu.memref_slice %arg9[%dma_wait3A_792, %dma_wait3A_799] : memref<2x4096xf32, #tpu.memory_space<vmem>> -> memref<1x4096xf32, #tpu.memory_space<vmem>>
    %dma_wait3A_801 = tpu.memref_squeeze %dma_wait3A_800 : memref<1x4096xf32, #tpu.memory_space<vmem>> -> memref<4096xf32, #tpu.memory_space<vmem>>
    %dma_wait3A_802 = arith.constant 0 : i32
    %dma_wait3A_803 = tpu.memref_slice %arg4[%dma_wait3A_791, %add3A, %dma_wait3A_802] : memref<16x32x4096xf32, #tpu.memory_space<hbm>> -> memref<1x1x4096xf32, #tpu.memory_space<hbm>>
    %dma_wait3A_804 = tpu.memref_squeeze %dma_wait3A_803 : memref<1x1x4096xf32, #tpu.memory_space<hbm>> -> memref<4096xf32, #tpu.memory_space<hbm>>
    tpu.wait_dma2 semaphore(%arg13 : memref<!tpu.dma_semaphore, #tpu.memory_space<semaphore_mem>>) src(%dma_wait3A_804 : memref<4096xf32, #tpu.memory_space<hbm>>) dst(%dma_wait3A_801 : memref<4096xf32, #tpu.memory_space<vmem>>)
    %dma_start3A_805 = arith.constant 14 : i32
    %dma_start3A_806 = arith.constant 0 : i32
    %dma_start3A_807 = arith.constant 0 : i32
    %dma_start3A_808 = tpu.memref_slice %arg9[%dma_start3A_806, %dma_start3A_807] : memref<2x4096xf32, #tpu.memory_space<vmem>> -> memref<1x4096xf32, #tpu.memory_space<vmem>>
    %dma_start3A_809 = tpu.memref_squeeze %dma_start3A_808 : memref<1x4096xf32, #tpu.memory_space<vmem>> -> memref<4096xf32, #tpu.memory_space<vmem>>
    %dma_start3A_810 = arith.constant 0 : i32
    %dma_start3A_811 = tpu.memref_slice %arg4[%dma_start3A_805, %add3A, %dma_start3A_810] : memref<16x32x4096xf32, #tpu.memory_space<hbm>> -> memref<1x1x4096xf32, #tpu.memory_space<hbm>>
    %dma_start3A_812 = tpu.memref_squeeze %dma_start3A_811 : memref<1x1x4096xf32, #tpu.memory_space<hbm>> -> memref<4096xf32, #tpu.memory_space<hbm>>
    %dma_start3A_813 = arith.constant 0 : i32
    %dma_start3A_814 = tpu.memref_slice %arg9[%dma_start3A_806, %dma_start3A_813] : memref<2x4096xf32, #tpu.memory_space<vmem>> -> memref<1x4096xf32, #tpu.memory_space<vmem>>
    %dma_start3A_815 = tpu.memref_squeeze %dma_start3A_814 : memref<1x4096xf32, #tpu.memory_space<vmem>> -> memref<4096xf32, #tpu.memory_space<vmem>>
    %dma_start3A_816 = arith.constant 0 : i32
    %dma_start3A_817 = tpu.memref_slice %arg4[%dma_start3A_805, %add3A, %dma_start3A_816] : memref<16x32x4096xf32, #tpu.memory_space<hbm>> -> memref<1x1x4096xf32, #tpu.memory_space<hbm>>
    %dma_start3A_818 = tpu.memref_squeeze %dma_start3A_817 : memref<1x1x4096xf32, #tpu.memory_space<hbm>> -> memref<4096xf32, #tpu.memory_space<hbm>>
    tpu.enqueue_dma source(%dma_start3A_818 : memref<4096xf32, #tpu.memory_space<hbm>>) target(%dma_start3A_815 : memref<4096xf32, #tpu.memory_space<vmem>>) target_semaphore(%arg12 : memref<!tpu.dma_semaphore, #tpu.memory_space<semaphore_mem>>)
    %dma_wait3A_819 = arith.constant 1 : i32
    %dma_wait3A_820 = arith.constant 11 : i32
    %dma_wait3A_821 = arith.constant 0 : i32
    %dma_wait3A_822 = tpu.memref_slice %arg10[%dma_wait3A_819, %dma_wait3A_821] : memref<2x4096xf32, #tpu.memory_space<vmem>> -> memref<1x4096xf32, #tpu.memory_space<vmem>>
    %dma_wait3A_823 = tpu.memref_squeeze %dma_wait3A_822 : memref<1x4096xf32, #tpu.memory_space<vmem>> -> memref<4096xf32, #tpu.memory_space<vmem>>
    %dma_wait3A_824 = arith.constant 0 : i32
    %dma_wait3A_825 = tpu.memref_slice %arg5[%dma_wait3A_820, %add3A, %dma_wait3A_824] : memref<16x32x4096xf32, #tpu.memory_space<hbm>> -> memref<1x1x4096xf32, #tpu.memory_space<hbm>>
    %dma_wait3A_826 = tpu.memref_squeeze %dma_wait3A_825 : memref<1x1x4096xf32, #tpu.memory_space<hbm>> -> memref<4096xf32, #tpu.memory_space<hbm>>
    %dma_wait3A_827 = arith.constant 0 : i32
    %dma_wait3A_828 = tpu.memref_slice %arg5[%dma_wait3A_820, %add3A, %dma_wait3A_827] : memref<16x32x4096xf32, #tpu.memory_space<hbm>> -> memref<1x1x4096xf32, #tpu.memory_space<hbm>>
    %dma_wait3A_829 = tpu.memref_squeeze %dma_wait3A_828 : memref<1x1x4096xf32, #tpu.memory_space<hbm>> -> memref<4096xf32, #tpu.memory_space<hbm>>
    %dma_wait3A_830 = arith.constant 0 : i32
    %dma_wait3A_831 = tpu.memref_slice %arg10[%dma_wait3A_819, %dma_wait3A_830] : memref<2x4096xf32, #tpu.memory_space<vmem>> -> memref<1x4096xf32, #tpu.memory_space<vmem>>
    %dma_wait3A_832 = tpu.memref_squeeze %dma_wait3A_831 : memref<1x4096xf32, #tpu.memory_space<vmem>> -> memref<4096xf32, #tpu.memory_space<vmem>>
    tpu.wait_dma2 semaphore(%arg15 : memref<!tpu.dma_semaphore, #tpu.memory_space<semaphore_mem>>) src(%dma_wait3A_832 : memref<4096xf32, #tpu.memory_space<vmem>>) dst(%dma_wait3A_829 : memref<4096xf32, #tpu.memory_space<hbm>>)
    %scan3A_833 = arith.constant 0 : i32
    %scan3A_834 = arith.constant 128 : i32
    %scan3A_835 = arith.addi %scan3A_833, %scan3A_834 : i32
    %scan3A_836 = arith.constant 1 : i32
    %scan3A_837 = scf.for %scan3A_992 = %scan3A_833 to %scan3A_835 step %scan3A_836 iter_args(%scan3A_993 = %scan3A_775) -> (vector<16xf32>)  : i32 {
      %mul3A_994 = arith.constant 32 : i32
      %mul3A_995 = arith.muli %scan3A_992, %mul3A_994 : i32
      %add3A_996 = arith.constant 53248 : i32
      %add3A_997 = arith.addi %add3A_996, %mul3A_995 : i32
      %get3A = arith.index_cast %add3A_997 : i32 to index
      %get3A_998 = tpu.vector_load %arg8[%get3A] {strides = array<i32>} : memref<65536xi32, #tpu.memory_space<vmem>>, vector<16xi32>,
      %add3A_999 = arith.constant 53248 : i32
      %add3A_1000 = arith.addi %add3A_999, %mul3A_995 : i32
      %add3A_1001 = arith.constant 16 : i32
      %add3A_1002 = arith.addi %add3A_1000, %add3A_1001 : i32
      %get3A_1003 = arith.index_cast %add3A_1002 : i32 to index
      %get3A_1004 = tpu.vector_load %arg8[%get3A_1003] {strides = array<i32>} : memref<65536xi32, #tpu.memory_space<vmem>>, vector<16xi32>,
      %gather3A = tpu.vector_load_idx %arg7[%get3A_998] : memref<8192xf32, #tpu.memory_space<vmem>>[vector<16xi32>], vector<16xf32>,
      %gather3A_1005 = tpu.vector_load_idx %arg7[%get3A_1004] : memref<8192xf32, #tpu.memory_space<vmem>>[vector<16xi32>], vector<16xf32>,
      %get3A_1006 = arith.constant 1 : i32
      %get3A_1007 = arith.index_cast %get3A_1006 : i32 to index
      %get3A_1008 = arith.index_cast %mul3A_995 : i32 to index
      %get3A_1009 = tpu.vector_load %arg9[%get3A_1007, %get3A_1008] {strides = array<i32>} : memref<2x4096xf32, #tpu.memory_space<vmem>>, vector<16xf32>,
      %add3A_1010 = arith.constant 16 : i32
      %add3A_1011 = arith.addi %mul3A_995, %add3A_1010 : i32
      %get3A_1012 = arith.constant 1 : i32
      %get3A_1013 = arith.index_cast %get3A_1012 : i32 to index
      %get3A_1014 = arith.index_cast %add3A_1011 : i32 to index
      %get3A_1015 = tpu.vector_load %arg9[%get3A_1013, %get3A_1014] {strides = array<i32>} : memref<2x4096xf32, #tpu.memory_space<vmem>>, vector<16xf32>,
      %sub3A = arith.subf %gather3A, %get3A_1009 : vector<16xf32>
      %sub3A_1016 = arith.subf %gather3A_1005, %get3A_1015 : vector<16xf32>
      %add3A_1017 = arith.addf %get3A_1009, %sub3A : vector<16xf32>
      %swap3A_1018 = arith.constant 1 : i32
      %swap3A_1019 = arith.index_cast %swap3A_1018 : i32 to index
      %swap3A_1020 = arith.index_cast %mul3A_995 : i32 to index
      %swap3A_1021 = tpu.vector_load %arg10[%swap3A_1019, %swap3A_1020] {strides = array<i32>} : memref<2x4096xf32, #tpu.memory_space<vmem>>, vector<16xf32>,
      tpu.vector_store %arg10[%swap3A_1019, %swap3A_1020], %add3A_1017 {strides = array<i32>} : memref<2x4096xf32, #tpu.memory_space<vmem>>, vector<16xf32>,
      %add3A_1022 = arith.addf %get3A_1015, %sub3A_1016 : vector<16xf32>
      %add3A_1023 = arith.constant 16 : i32
      %add3A_1024 = arith.addi %mul3A_995, %add3A_1023 : i32
      %swap3A_1025 = arith.constant 1 : i32
      %swap3A_1026 = arith.index_cast %swap3A_1025 : i32 to index
      %swap3A_1027 = arith.index_cast %add3A_1024 : i32 to index
      %swap3A_1028 = tpu.vector_load %arg10[%swap3A_1026, %swap3A_1027] {strides = array<i32>} : memref<2x4096xf32, #tpu.memory_space<vmem>>, vector<16xf32>,
      tpu.vector_store %arg10[%swap3A_1026, %swap3A_1027], %add3A_1022 {strides = array<i32>} : memref<2x4096xf32, #tpu.memory_space<vmem>>, vector<16xf32>,
      %mul3A_1029 = arith.mulf %sub3A, %sub3A : vector<16xf32>
      %mul3A_1030 = arith.mulf %sub3A_1016, %sub3A_1016 : vector<16xf32>
      %add3A_1031 = arith.addf %mul3A_1029, %mul3A_1030 : vector<16xf32>
      %add3A_1032 = arith.addf %scan3A_993, %add3A_1031 : vector<16xf32>
      scf.yield %add3A_1032 : vector<16xf32>
    }
    %scan3A_838 = arith.constant 128 : i32
    %dma_start3A_839 = arith.constant 1 : i32
    %dma_start3A_840 = arith.constant 13 : i32
    %dma_start3A_841 = arith.constant 0 : i32
    %dma_start3A_842 = tpu.memref_slice %arg10[%dma_start3A_839, %dma_start3A_841] : memref<2x4096xf32, #tpu.memory_space<vmem>> -> memref<1x4096xf32, #tpu.memory_space<vmem>>
    %dma_start3A_843 = tpu.memref_squeeze %dma_start3A_842 : memref<1x4096xf32, #tpu.memory_space<vmem>> -> memref<4096xf32, #tpu.memory_space<vmem>>
    %dma_start3A_844 = arith.constant 0 : i32
    %dma_start3A_845 = tpu.memref_slice %arg5[%dma_start3A_840, %add3A, %dma_start3A_844] : memref<16x32x4096xf32, #tpu.memory_space<hbm>> -> memref<1x1x4096xf32, #tpu.memory_space<hbm>>
    %dma_start3A_846 = tpu.memref_squeeze %dma_start3A_845 : memref<1x1x4096xf32, #tpu.memory_space<hbm>> -> memref<4096xf32, #tpu.memory_space<hbm>>
    %dma_start3A_847 = arith.constant 0 : i32
    %dma_start3A_848 = tpu.memref_slice %arg5[%dma_start3A_840, %add3A, %dma_start3A_847] : memref<16x32x4096xf32, #tpu.memory_space<hbm>> -> memref<1x1x4096xf32, #tpu.memory_space<hbm>>
    %dma_start3A_849 = tpu.memref_squeeze %dma_start3A_848 : memref<1x1x4096xf32, #tpu.memory_space<hbm>> -> memref<4096xf32, #tpu.memory_space<hbm>>
    %dma_start3A_850 = arith.constant 0 : i32
    %dma_start3A_851 = tpu.memref_slice %arg10[%dma_start3A_839, %dma_start3A_850] : memref<2x4096xf32, #tpu.memory_space<vmem>> -> memref<1x4096xf32, #tpu.memory_space<vmem>>
    %dma_start3A_852 = tpu.memref_squeeze %dma_start3A_851 : memref<1x4096xf32, #tpu.memory_space<vmem>> -> memref<4096xf32, #tpu.memory_space<vmem>>
    tpu.enqueue_dma source(%dma_start3A_852 : memref<4096xf32, #tpu.memory_space<vmem>>) target(%dma_start3A_849 : memref<4096xf32, #tpu.memory_space<hbm>>) target_semaphore(%arg15 : memref<!tpu.dma_semaphore, #tpu.memory_space<semaphore_mem>>)
    %dma_wait3A_853 = arith.constant 14 : i32
    %dma_wait3A_854 = arith.constant 0 : i32
    %dma_wait3A_855 = arith.constant 0 : i32
    %dma_wait3A_856 = tpu.memref_slice %arg9[%dma_wait3A_854, %dma_wait3A_855] : memref<2x4096xf32, #tpu.memory_space<vmem>> -> memref<1x4096xf32, #tpu.memory_space<vmem>>
    %dma_wait3A_857 = tpu.memref_squeeze %dma_wait3A_856 : memref<1x4096xf32, #tpu.memory_space<vmem>> -> memref<4096xf32, #tpu.memory_space<vmem>>
    %dma_wait3A_858 = arith.constant 0 : i32
    %dma_wait3A_859 = tpu.memref_slice %arg4[%dma_wait3A_853, %add3A, %dma_wait3A_858] : memref<16x32x4096xf32, #tpu.memory_space<hbm>> -> memref<1x1x4096xf32, #tpu.memory_space<hbm>>
    %dma_wait3A_860 = tpu.memref_squeeze %dma_wait3A_859 : memref<1x1x4096xf32, #tpu.memory_space<hbm>> -> memref<4096xf32, #tpu.memory_space<hbm>>
    %dma_wait3A_861 = arith.constant 0 : i32
    %dma_wait3A_862 = tpu.memref_slice %arg9[%dma_wait3A_854, %dma_wait3A_861] : memref<2x4096xf32, #tpu.memory_space<vmem>> -> memref<1x4096xf32, #tpu.memory_space<vmem>>
    %dma_wait3A_863 = tpu.memref_squeeze %dma_wait3A_862 : memref<1x4096xf32, #tpu.memory_space<vmem>> -> memref<4096xf32, #tpu.memory_space<vmem>>
    %dma_wait3A_864 = arith.constant 0 : i32
    %dma_wait3A_865 = tpu.memref_slice %arg4[%dma_wait3A_853, %add3A, %dma_wait3A_864] : memref<16x32x4096xf32, #tpu.memory_space<hbm>> -> memref<1x1x4096xf32, #tpu.memory_space<hbm>>
    %dma_wait3A_866 = tpu.memref_squeeze %dma_wait3A_865 : memref<1x1x4096xf32, #tpu.memory_space<hbm>> -> memref<4096xf32, #tpu.memory_space<hbm>>
    tpu.wait_dma2 semaphore(%arg12 : memref<!tpu.dma_semaphore, #tpu.memory_space<semaphore_mem>>) src(%dma_wait3A_866 : memref<4096xf32, #tpu.memory_space<hbm>>) dst(%dma_wait3A_863 : memref<4096xf32, #tpu.memory_space<vmem>>)
    %dma_start3A_867 = arith.constant 15 : i32
    %dma_start3A_868 = arith.constant 1 : i32
    %dma_start3A_869 = arith.constant 0 : i32
    %dma_start3A_870 = tpu.memref_slice %arg9[%dma_start3A_868, %dma_start3A_869] : memref<2x4096xf32, #tpu.memory_space<vmem>> -> memref<1x4096xf32, #tpu.memory_space<vmem>>
    %dma_start3A_871 = tpu.memref_squeeze %dma_start3A_870 : memref<1x4096xf32, #tpu.memory_space<vmem>> -> memref<4096xf32, #tpu.memory_space<vmem>>
    %dma_start3A_872 = arith.constant 0 : i32
    %dma_start3A_873 = tpu.memref_slice %arg4[%dma_start3A_867, %add3A, %dma_start3A_872] : memref<16x32x4096xf32, #tpu.memory_space<hbm>> -> memref<1x1x4096xf32, #tpu.memory_space<hbm>>
    %dma_start3A_874 = tpu.memref_squeeze %dma_start3A_873 : memref<1x1x4096xf32, #tpu.memory_space<hbm>> -> memref<4096xf32, #tpu.memory_space<hbm>>
    %dma_start3A_875 = arith.constant 0 : i32
    %dma_start3A_876 = tpu.memref_slice %arg9[%dma_start3A_868, %dma_start3A_875] : memref<2x4096xf32, #tpu.memory_space<vmem>> -> memref<1x4096xf32, #tpu.memory_space<vmem>>
    %dma_start3A_877 = tpu.memref_squeeze %dma_start3A_876 : memref<1x4096xf32, #tpu.memory_space<vmem>> -> memref<4096xf32, #tpu.memory_space<vmem>>
    %dma_start3A_878 = arith.constant 0 : i32
    %dma_start3A_879 = tpu.memref_slice %arg4[%dma_start3A_867, %add3A, %dma_start3A_878] : memref<16x32x4096xf32, #tpu.memory_space<hbm>> -> memref<1x1x4096xf32, #tpu.memory_space<hbm>>
    %dma_start3A_880 = tpu.memref_squeeze %dma_start3A_879 : memref<1x1x4096xf32, #tpu.memory_space<hbm>> -> memref<4096xf32, #tpu.memory_space<hbm>>
    tpu.enqueue_dma source(%dma_start3A_880 : memref<4096xf32, #tpu.memory_space<hbm>>) target(%dma_start3A_877 : memref<4096xf32, #tpu.memory_space<vmem>>) target_semaphore(%arg13 : memref<!tpu.dma_semaphore, #tpu.memory_space<semaphore_mem>>)
    %dma_wait3A_881 = arith.constant 0 : i32
    %dma_wait3A_882 = arith.constant 12 : i32
    %dma_wait3A_883 = arith.constant 0 : i32
    %dma_wait3A_884 = tpu.memref_slice %arg10[%dma_wait3A_881, %dma_wait3A_883] : memref<2x4096xf32, #tpu.memory_space<vmem>> -> memref<1x4096xf32, #tpu.memory_space<vmem>>
    %dma_wait3A_885 = tpu.memref_squeeze %dma_wait3A_884 : memref<1x4096xf32, #tpu.memory_space<vmem>> -> memref<4096xf32, #tpu.memory_space<vmem>>
    %dma_wait3A_886 = arith.constant 0 : i32
    %dma_wait3A_887 = tpu.memref_slice %arg5[%dma_wait3A_882, %add3A, %dma_wait3A_886] : memref<16x32x4096xf32, #tpu.memory_space<hbm>> -> memref<1x1x4096xf32, #tpu.memory_space<hbm>>
    %dma_wait3A_888 = tpu.memref_squeeze %dma_wait3A_887 : memref<1x1x4096xf32, #tpu.memory_space<hbm>> -> memref<4096xf32, #tpu.memory_space<hbm>>
    %dma_wait3A_889 = arith.constant 0 : i32
    %dma_wait3A_890 = tpu.memref_slice %arg5[%dma_wait3A_882, %add3A, %dma_wait3A_889] : memref<16x32x4096xf32, #tpu.memory_space<hbm>> -> memref<1x1x4096xf32, #tpu.memory_space<hbm>>
    %dma_wait3A_891 = tpu.memref_squeeze %dma_wait3A_890 : memref<1x1x4096xf32, #tpu.memory_space<hbm>> -> memref<4096xf32, #tpu.memory_space<hbm>>
    %dma_wait3A_892 = arith.constant 0 : i32
    %dma_wait3A_893 = tpu.memref_slice %arg10[%dma_wait3A_881, %dma_wait3A_892] : memref<2x4096xf32, #tpu.memory_space<vmem>> -> memref<1x4096xf32, #tpu.memory_space<vmem>>
    %dma_wait3A_894 = tpu.memref_squeeze %dma_wait3A_893 : memref<1x4096xf32, #tpu.memory_space<vmem>> -> memref<4096xf32, #tpu.memory_space<vmem>>
    tpu.wait_dma2 semaphore(%arg14 : memref<!tpu.dma_semaphore, #tpu.memory_space<semaphore_mem>>) src(%dma_wait3A_894 : memref<4096xf32, #tpu.memory_space<vmem>>) dst(%dma_wait3A_891 : memref<4096xf32, #tpu.memory_space<hbm>>)
    %scan3A_895 = arith.constant 0 : i32
    %scan3A_896 = arith.constant 128 : i32
    %scan3A_897 = arith.addi %scan3A_895, %scan3A_896 : i32
    %scan3A_898 = arith.constant 1 : i32
    %scan3A_899 = scf.for %scan3A_992 = %scan3A_895 to %scan3A_897 step %scan3A_898 iter_args(%scan3A_993 = %scan3A_837) -> (vector<16xf32>)  : i32 {
      %mul3A_994 = arith.constant 32 : i32
      %mul3A_995 = arith.muli %scan3A_992, %mul3A_994 : i32
      %add3A_996 = arith.constant 57344 : i32
      %add3A_997 = arith.addi %add3A_996, %mul3A_995 : i32
      %get3A = arith.index_cast %add3A_997 : i32 to index
      %get3A_998 = tpu.vector_load %arg8[%get3A] {strides = array<i32>} : memref<65536xi32, #tpu.memory_space<vmem>>, vector<16xi32>,
      %add3A_999 = arith.constant 57344 : i32
      %add3A_1000 = arith.addi %add3A_999, %mul3A_995 : i32
      %add3A_1001 = arith.constant 16 : i32
      %add3A_1002 = arith.addi %add3A_1000, %add3A_1001 : i32
      %get3A_1003 = arith.index_cast %add3A_1002 : i32 to index
      %get3A_1004 = tpu.vector_load %arg8[%get3A_1003] {strides = array<i32>} : memref<65536xi32, #tpu.memory_space<vmem>>, vector<16xi32>,
      %gather3A = tpu.vector_load_idx %arg7[%get3A_998] : memref<8192xf32, #tpu.memory_space<vmem>>[vector<16xi32>], vector<16xf32>,
      %gather3A_1005 = tpu.vector_load_idx %arg7[%get3A_1004] : memref<8192xf32, #tpu.memory_space<vmem>>[vector<16xi32>], vector<16xf32>,
      %get3A_1006 = arith.constant 0 : i32
      %get3A_1007 = arith.index_cast %get3A_1006 : i32 to index
      %get3A_1008 = arith.index_cast %mul3A_995 : i32 to index
      %get3A_1009 = tpu.vector_load %arg9[%get3A_1007, %get3A_1008] {strides = array<i32>} : memref<2x4096xf32, #tpu.memory_space<vmem>>, vector<16xf32>,
      %add3A_1010 = arith.constant 16 : i32
      %add3A_1011 = arith.addi %mul3A_995, %add3A_1010 : i32
      %get3A_1012 = arith.constant 0 : i32
      %get3A_1013 = arith.index_cast %get3A_1012 : i32 to index
      %get3A_1014 = arith.index_cast %add3A_1011 : i32 to index
      %get3A_1015 = tpu.vector_load %arg9[%get3A_1013, %get3A_1014] {strides = array<i32>} : memref<2x4096xf32, #tpu.memory_space<vmem>>, vector<16xf32>,
      %sub3A = arith.subf %gather3A, %get3A_1009 : vector<16xf32>
      %sub3A_1016 = arith.subf %gather3A_1005, %get3A_1015 : vector<16xf32>
      %add3A_1017 = arith.addf %get3A_1009, %sub3A : vector<16xf32>
      %swap3A_1018 = arith.constant 0 : i32
      %swap3A_1019 = arith.index_cast %swap3A_1018 : i32 to index
      %swap3A_1020 = arith.index_cast %mul3A_995 : i32 to index
      %swap3A_1021 = tpu.vector_load %arg10[%swap3A_1019, %swap3A_1020] {strides = array<i32>} : memref<2x4096xf32, #tpu.memory_space<vmem>>, vector<16xf32>,
      tpu.vector_store %arg10[%swap3A_1019, %swap3A_1020], %add3A_1017 {strides = array<i32>} : memref<2x4096xf32, #tpu.memory_space<vmem>>, vector<16xf32>,
      %add3A_1022 = arith.addf %get3A_1015, %sub3A_1016 : vector<16xf32>
      %add3A_1023 = arith.constant 16 : i32
      %add3A_1024 = arith.addi %mul3A_995, %add3A_1023 : i32
      %swap3A_1025 = arith.constant 0 : i32
      %swap3A_1026 = arith.index_cast %swap3A_1025 : i32 to index
      %swap3A_1027 = arith.index_cast %add3A_1024 : i32 to index
      %swap3A_1028 = tpu.vector_load %arg10[%swap3A_1026, %swap3A_1027] {strides = array<i32>} : memref<2x4096xf32, #tpu.memory_space<vmem>>, vector<16xf32>,
      tpu.vector_store %arg10[%swap3A_1026, %swap3A_1027], %add3A_1022 {strides = array<i32>} : memref<2x4096xf32, #tpu.memory_space<vmem>>, vector<16xf32>,
      %mul3A_1029 = arith.mulf %sub3A, %sub3A : vector<16xf32>
      %mul3A_1030 = arith.mulf %sub3A_1016, %sub3A_1016 : vector<16xf32>
      %add3A_1031 = arith.addf %mul3A_1029, %mul3A_1030 : vector<16xf32>
      %add3A_1032 = arith.addf %scan3A_993, %add3A_1031 : vector<16xf32>
      scf.yield %add3A_1032 : vector<16xf32>
    }
    %scan3A_900 = arith.constant 128 : i32
    %dma_start3A_901 = arith.constant 0 : i32
    %dma_start3A_902 = arith.constant 14 : i32
    %dma_start3A_903 = arith.constant 0 : i32
    %dma_start3A_904 = tpu.memref_slice %arg10[%dma_start3A_901, %dma_start3A_903] : memref<2x4096xf32, #tpu.memory_space<vmem>> -> memref<1x4096xf32, #tpu.memory_space<vmem>>
    %dma_start3A_905 = tpu.memref_squeeze %dma_start3A_904 : memref<1x4096xf32, #tpu.memory_space<vmem>> -> memref<4096xf32, #tpu.memory_space<vmem>>
    %dma_start3A_906 = arith.constant 0 : i32
    %dma_start3A_907 = tpu.memref_slice %arg5[%dma_start3A_902, %add3A, %dma_start3A_906] : memref<16x32x4096xf32, #tpu.memory_space<hbm>> -> memref<1x1x4096xf32, #tpu.memory_space<hbm>>
    %dma_start3A_908 = tpu.memref_squeeze %dma_start3A_907 : memref<1x1x4096xf32, #tpu.memory_space<hbm>> -> memref<4096xf32, #tpu.memory_space<hbm>>
    %dma_start3A_909 = arith.constant 0 : i32
    %dma_start3A_910 = tpu.memref_slice %arg5[%dma_start3A_902, %add3A, %dma_start3A_909] : memref<16x32x4096xf32, #tpu.memory_space<hbm>> -> memref<1x1x4096xf32, #tpu.memory_space<hbm>>
    %dma_start3A_911 = tpu.memref_squeeze %dma_start3A_910 : memref<1x1x4096xf32, #tpu.memory_space<hbm>> -> memref<4096xf32, #tpu.memory_space<hbm>>
    %dma_start3A_912 = arith.constant 0 : i32
    %dma_start3A_913 = tpu.memref_slice %arg10[%dma_start3A_901, %dma_start3A_912] : memref<2x4096xf32, #tpu.memory_space<vmem>> -> memref<1x4096xf32, #tpu.memory_space<vmem>>
    %dma_start3A_914 = tpu.memref_squeeze %dma_start3A_913 : memref<1x4096xf32, #tpu.memory_space<vmem>> -> memref<4096xf32, #tpu.memory_space<vmem>>
    tpu.enqueue_dma source(%dma_start3A_914 : memref<4096xf32, #tpu.memory_space<vmem>>) target(%dma_start3A_911 : memref<4096xf32, #tpu.memory_space<hbm>>) target_semaphore(%arg14 : memref<!tpu.dma_semaphore, #tpu.memory_space<semaphore_mem>>)
    %dma_wait3A_915 = arith.constant 15 : i32
    %dma_wait3A_916 = arith.constant 1 : i32
    %dma_wait3A_917 = arith.constant 0 : i32
    %dma_wait3A_918 = tpu.memref_slice %arg9[%dma_wait3A_916, %dma_wait3A_917] : memref<2x4096xf32, #tpu.memory_space<vmem>> -> memref<1x4096xf32, #tpu.memory_space<vmem>>
    %dma_wait3A_919 = tpu.memref_squeeze %dma_wait3A_918 : memref<1x4096xf32, #tpu.memory_space<vmem>> -> memref<4096xf32, #tpu.memory_space<vmem>>
    %dma_wait3A_920 = arith.constant 0 : i32
    %dma_wait3A_921 = tpu.memref_slice %arg4[%dma_wait3A_915, %add3A, %dma_wait3A_920] : memref<16x32x4096xf32, #tpu.memory_space<hbm>> -> memref<1x1x4096xf32, #tpu.memory_space<hbm>>
    %dma_wait3A_922 = tpu.memref_squeeze %dma_wait3A_921 : memref<1x1x4096xf32, #tpu.memory_space<hbm>> -> memref<4096xf32, #tpu.memory_space<hbm>>
    %dma_wait3A_923 = arith.constant 0 : i32
    %dma_wait3A_924 = tpu.memref_slice %arg9[%dma_wait3A_916, %dma_wait3A_923] : memref<2x4096xf32, #tpu.memory_space<vmem>> -> memref<1x4096xf32, #tpu.memory_space<vmem>>
    %dma_wait3A_925 = tpu.memref_squeeze %dma_wait3A_924 : memref<1x4096xf32, #tpu.memory_space<vmem>> -> memref<4096xf32, #tpu.memory_space<vmem>>
    %dma_wait3A_926 = arith.constant 0 : i32
    %dma_wait3A_927 = tpu.memref_slice %arg4[%dma_wait3A_915, %add3A, %dma_wait3A_926] : memref<16x32x4096xf32, #tpu.memory_space<hbm>> -> memref<1x1x4096xf32, #tpu.memory_space<hbm>>
    %dma_wait3A_928 = tpu.memref_squeeze %dma_wait3A_927 : memref<1x1x4096xf32, #tpu.memory_space<hbm>> -> memref<4096xf32, #tpu.memory_space<hbm>>
    tpu.wait_dma2 semaphore(%arg13 : memref<!tpu.dma_semaphore, #tpu.memory_space<semaphore_mem>>) src(%dma_wait3A_928 : memref<4096xf32, #tpu.memory_space<hbm>>) dst(%dma_wait3A_925 : memref<4096xf32, #tpu.memory_space<vmem>>)
    %dma_wait3A_929 = arith.constant 1 : i32
    %dma_wait3A_930 = arith.constant 13 : i32
    %dma_wait3A_931 = arith.constant 0 : i32
    %dma_wait3A_932 = tpu.memref_slice %arg10[%dma_wait3A_929, %dma_wait3A_931] : memref<2x4096xf32, #tpu.memory_space<vmem>> -> memref<1x4096xf32, #tpu.memory_space<vmem>>
    %dma_wait3A_933 = tpu.memref_squeeze %dma_wait3A_932 : memref<1x4096xf32, #tpu.memory_space<vmem>> -> memref<4096xf32, #tpu.memory_space<vmem>>
    %dma_wait3A_934 = arith.constant 0 : i32
    %dma_wait3A_935 = tpu.memref_slice %arg5[%dma_wait3A_930, %add3A, %dma_wait3A_934] : memref<16x32x4096xf32, #tpu.memory_space<hbm>> -> memref<1x1x4096xf32, #tpu.memory_space<hbm>>
    %dma_wait3A_936 = tpu.memref_squeeze %dma_wait3A_935 : memref<1x1x4096xf32, #tpu.memory_space<hbm>> -> memref<4096xf32, #tpu.memory_space<hbm>>
    %dma_wait3A_937 = arith.constant 0 : i32
    %dma_wait3A_938 = tpu.memref_slice %arg5[%dma_wait3A_930, %add3A, %dma_wait3A_937] : memref<16x32x4096xf32, #tpu.memory_space<hbm>> -> memref<1x1x4096xf32, #tpu.memory_space<hbm>>
    %dma_wait3A_939 = tpu.memref_squeeze %dma_wait3A_938 : memref<1x1x4096xf32, #tpu.memory_space<hbm>> -> memref<4096xf32, #tpu.memory_space<hbm>>
    %dma_wait3A_940 = arith.constant 0 : i32
    %dma_wait3A_941 = tpu.memref_slice %arg10[%dma_wait3A_929, %dma_wait3A_940] : memref<2x4096xf32, #tpu.memory_space<vmem>> -> memref<1x4096xf32, #tpu.memory_space<vmem>>
    %dma_wait3A_942 = tpu.memref_squeeze %dma_wait3A_941 : memref<1x4096xf32, #tpu.memory_space<vmem>> -> memref<4096xf32, #tpu.memory_space<vmem>>
    tpu.wait_dma2 semaphore(%arg15 : memref<!tpu.dma_semaphore, #tpu.memory_space<semaphore_mem>>) src(%dma_wait3A_942 : memref<4096xf32, #tpu.memory_space<vmem>>) dst(%dma_wait3A_939 : memref<4096xf32, #tpu.memory_space<hbm>>)
    %scan3A_943 = arith.constant 0 : i32
    %scan3A_944 = arith.constant 128 : i32
    %scan3A_945 = arith.addi %scan3A_943, %scan3A_944 : i32
    %scan3A_946 = arith.constant 1 : i32
    %scan3A_947 = scf.for %scan3A_992 = %scan3A_943 to %scan3A_945 step %scan3A_946 iter_args(%scan3A_993 = %scan3A_899) -> (vector<16xf32>)  : i32 {
      %mul3A_994 = arith.constant 32 : i32
      %mul3A_995 = arith.muli %scan3A_992, %mul3A_994 : i32
      %add3A_996 = arith.constant 61440 : i32
      %add3A_997 = arith.addi %add3A_996, %mul3A_995 : i32
      %get3A = arith.index_cast %add3A_997 : i32 to index
      %get3A_998 = tpu.vector_load %arg8[%get3A] {strides = array<i32>} : memref<65536xi32, #tpu.memory_space<vmem>>, vector<16xi32>,
      %add3A_999 = arith.constant 61440 : i32
      %add3A_1000 = arith.addi %add3A_999, %mul3A_995 : i32
      %add3A_1001 = arith.constant 16 : i32
      %add3A_1002 = arith.addi %add3A_1000, %add3A_1001 : i32
      %get3A_1003 = arith.index_cast %add3A_1002 : i32 to index
      %get3A_1004 = tpu.vector_load %arg8[%get3A_1003] {strides = array<i32>} : memref<65536xi32, #tpu.memory_space<vmem>>, vector<16xi32>,
      %gather3A = tpu.vector_load_idx %arg7[%get3A_998] : memref<8192xf32, #tpu.memory_space<vmem>>[vector<16xi32>], vector<16xf32>,
      %gather3A_1005 = tpu.vector_load_idx %arg7[%get3A_1004] : memref<8192xf32, #tpu.memory_space<vmem>>[vector<16xi32>], vector<16xf32>,
      %get3A_1006 = arith.constant 1 : i32
      %get3A_1007 = arith.index_cast %get3A_1006 : i32 to index
      %get3A_1008 = arith.index_cast %mul3A_995 : i32 to index
      %get3A_1009 = tpu.vector_load %arg9[%get3A_1007, %get3A_1008] {strides = array<i32>} : memref<2x4096xf32, #tpu.memory_space<vmem>>, vector<16xf32>,
      %add3A_1010 = arith.constant 16 : i32
      %add3A_1011 = arith.addi %mul3A_995, %add3A_1010 : i32
      %get3A_1012 = arith.constant 1 : i32
      %get3A_1013 = arith.index_cast %get3A_1012 : i32 to index
      %get3A_1014 = arith.index_cast %add3A_1011 : i32 to index
      %get3A_1015 = tpu.vector_load %arg9[%get3A_1013, %get3A_1014] {strides = array<i32>} : memref<2x4096xf32, #tpu.memory_space<vmem>>, vector<16xf32>,
      %sub3A = arith.subf %gather3A, %get3A_1009 : vector<16xf32>
      %sub3A_1016 = arith.subf %gather3A_1005, %get3A_1015 : vector<16xf32>
      %add3A_1017 = arith.addf %get3A_1009, %sub3A : vector<16xf32>
      %swap3A_1018 = arith.constant 1 : i32
      %swap3A_1019 = arith.index_cast %swap3A_1018 : i32 to index
      %swap3A_1020 = arith.index_cast %mul3A_995 : i32 to index
      %swap3A_1021 = tpu.vector_load %arg10[%swap3A_1019, %swap3A_1020] {strides = array<i32>} : memref<2x4096xf32, #tpu.memory_space<vmem>>, vector<16xf32>,
      tpu.vector_store %arg10[%swap3A_1019, %swap3A_1020], %add3A_1017 {strides = array<i32>} : memref<2x4096xf32, #tpu.memory_space<vmem>>, vector<16xf32>,
      %add3A_1022 = arith.addf %get3A_1015, %sub3A_1016 : vector<16xf32>
      %add3A_1023 = arith.constant 16 : i32
      %add3A_1024 = arith.addi %mul3A_995, %add3A_1023 : i32
      %swap3A_1025 = arith.constant 1 : i32
      %swap3A_1026 = arith.index_cast %swap3A_1025 : i32 to index
      %swap3A_1027 = arith.index_cast %add3A_1024 : i32 to index
      %swap3A_1028 = tpu.vector_load %arg10[%swap3A_1026, %swap3A_1027] {strides = array<i32>} : memref<2x4096xf32, #tpu.memory_space<vmem>>, vector<16xf32>,
      tpu.vector_store %arg10[%swap3A_1026, %swap3A_1027], %add3A_1022 {strides = array<i32>} : memref<2x4096xf32, #tpu.memory_space<vmem>>, vector<16xf32>,
      %mul3A_1029 = arith.mulf %sub3A, %sub3A : vector<16xf32>
      %mul3A_1030 = arith.mulf %sub3A_1016, %sub3A_1016 : vector<16xf32>
      %add3A_1031 = arith.addf %mul3A_1029, %mul3A_1030 : vector<16xf32>
      %add3A_1032 = arith.addf %scan3A_993, %add3A_1031 : vector<16xf32>
      scf.yield %add3A_1032 : vector<16xf32>
    }
    %scan3A_948 = arith.constant 128 : i32
    %dma_start3A_949 = arith.constant 1 : i32
    %dma_start3A_950 = arith.constant 15 : i32
    %dma_start3A_951 = arith.constant 0 : i32
    %dma_start3A_952 = tpu.memref_slice %arg10[%dma_start3A_949, %dma_start3A_951] : memref<2x4096xf32, #tpu.memory_space<vmem>> -> memref<1x4096xf32, #tpu.memory_space<vmem>>
    %dma_start3A_953 = tpu.memref_squeeze %dma_start3A_952 : memref<1x4096xf32, #tpu.memory_space<vmem>> -> memref<4096xf32, #tpu.memory_space<vmem>>
    %dma_start3A_954 = arith.constant 0 : i32
    %dma_start3A_955 = tpu.memref_slice %arg5[%dma_start3A_950, %add3A, %dma_start3A_954] : memref<16x32x4096xf32, #tpu.memory_space<hbm>> -> memref<1x1x4096xf32, #tpu.memory_space<hbm>>
    %dma_start3A_956 = tpu.memref_squeeze %dma_start3A_955 : memref<1x1x4096xf32, #tpu.memory_space<hbm>> -> memref<4096xf32, #tpu.memory_space<hbm>>
    %dma_start3A_957 = arith.constant 0 : i32
    %dma_start3A_958 = tpu.memref_slice %arg5[%dma_start3A_950, %add3A, %dma_start3A_957] : memref<16x32x4096xf32, #tpu.memory_space<hbm>> -> memref<1x1x4096xf32, #tpu.memory_space<hbm>>
    %dma_start3A_959 = tpu.memref_squeeze %dma_start3A_958 : memref<1x1x4096xf32, #tpu.memory_space<hbm>> -> memref<4096xf32, #tpu.memory_space<hbm>>
    %dma_start3A_960 = arith.constant 0 : i32
    %dma_start3A_961 = tpu.memref_slice %arg10[%dma_start3A_949, %dma_start3A_960] : memref<2x4096xf32, #tpu.memory_space<vmem>> -> memref<1x4096xf32, #tpu.memory_space<vmem>>
    %dma_start3A_962 = tpu.memref_squeeze %dma_start3A_961 : memref<1x4096xf32, #tpu.memory_space<vmem>> -> memref<4096xf32, #tpu.memory_space<vmem>>
    tpu.enqueue_dma source(%dma_start3A_962 : memref<4096xf32, #tpu.memory_space<vmem>>) target(%dma_start3A_959 : memref<4096xf32, #tpu.memory_space<hbm>>) target_semaphore(%arg15 : memref<!tpu.dma_semaphore, #tpu.memory_space<semaphore_mem>>)
    %dma_wait3A_963 = arith.constant 0 : i32
    %dma_wait3A_964 = arith.constant 14 : i32
    %dma_wait3A_965 = arith.constant 0 : i32
    %dma_wait3A_966 = tpu.memref_slice %arg10[%dma_wait3A_963, %dma_wait3A_965] : memref<2x4096xf32, #tpu.memory_space<vmem>> -> memref<1x4096xf32, #tpu.memory_space<vmem>>
    %dma_wait3A_967 = tpu.memref_squeeze %dma_wait3A_966 : memref<1x4096xf32, #tpu.memory_space<vmem>> -> memref<4096xf32, #tpu.memory_space<vmem>>
    %dma_wait3A_968 = arith.constant 0 : i32
    %dma_wait3A_969 = tpu.memref_slice %arg5[%dma_wait3A_964, %add3A, %dma_wait3A_968] : memref<16x32x4096xf32, #tpu.memory_space<hbm>> -> memref<1x1x4096xf32, #tpu.memory_space<hbm>>
    %dma_wait3A_970 = tpu.memref_squeeze %dma_wait3A_969 : memref<1x1x4096xf32, #tpu.memory_space<hbm>> -> memref<4096xf32, #tpu.memory_space<hbm>>
    %dma_wait3A_971 = arith.constant 0 : i32
    %dma_wait3A_972 = tpu.memref_slice %arg5[%dma_wait3A_964, %add3A, %dma_wait3A_971] : memref<16x32x4096xf32, #tpu.memory_space<hbm>> -> memref<1x1x4096xf32, #tpu.memory_space<hbm>>
    %dma_wait3A_973 = tpu.memref_squeeze %dma_wait3A_972 : memref<1x1x4096xf32, #tpu.memory_space<hbm>> -> memref<4096xf32, #tpu.memory_space<hbm>>
    %dma_wait3A_974 = arith.constant 0 : i32
    %dma_wait3A_975 = tpu.memref_slice %arg10[%dma_wait3A_963, %dma_wait3A_974] : memref<2x4096xf32, #tpu.memory_space<vmem>> -> memref<1x4096xf32, #tpu.memory_space<vmem>>
    %dma_wait3A_976 = tpu.memref_squeeze %dma_wait3A_975 : memref<1x4096xf32, #tpu.memory_space<vmem>> -> memref<4096xf32, #tpu.memory_space<vmem>>
    tpu.wait_dma2 semaphore(%arg14 : memref<!tpu.dma_semaphore, #tpu.memory_space<semaphore_mem>>) src(%dma_wait3A_976 : memref<4096xf32, #tpu.memory_space<vmem>>) dst(%dma_wait3A_973 : memref<4096xf32, #tpu.memory_space<hbm>>)
    %dma_wait3A_977 = arith.constant 1 : i32
    %dma_wait3A_978 = arith.constant 15 : i32
    %dma_wait3A_979 = arith.constant 0 : i32
    %dma_wait3A_980 = tpu.memref_slice %arg10[%dma_wait3A_977, %dma_wait3A_979] : memref<2x4096xf32, #tpu.memory_space<vmem>> -> memref<1x4096xf32, #tpu.memory_space<vmem>>
    %dma_wait3A_981 = tpu.memref_squeeze %dma_wait3A_980 : memref<1x4096xf32, #tpu.memory_space<vmem>> -> memref<4096xf32, #tpu.memory_space<vmem>>
    %dma_wait3A_982 = arith.constant 0 : i32
    %dma_wait3A_983 = tpu.memref_slice %arg5[%dma_wait3A_978, %add3A, %dma_wait3A_982] : memref<16x32x4096xf32, #tpu.memory_space<hbm>> -> memref<1x1x4096xf32, #tpu.memory_space<hbm>>
    %dma_wait3A_984 = tpu.memref_squeeze %dma_wait3A_983 : memref<1x1x4096xf32, #tpu.memory_space<hbm>> -> memref<4096xf32, #tpu.memory_space<hbm>>
    %dma_wait3A_985 = arith.constant 0 : i32
    %dma_wait3A_986 = tpu.memref_slice %arg5[%dma_wait3A_978, %add3A, %dma_wait3A_985] : memref<16x32x4096xf32, #tpu.memory_space<hbm>> -> memref<1x1x4096xf32, #tpu.memory_space<hbm>>
    %dma_wait3A_987 = tpu.memref_squeeze %dma_wait3A_986 : memref<1x1x4096xf32, #tpu.memory_space<hbm>> -> memref<4096xf32, #tpu.memory_space<hbm>>
    %dma_wait3A_988 = arith.constant 0 : i32
    %dma_wait3A_989 = tpu.memref_slice %arg10[%dma_wait3A_977, %dma_wait3A_988] : memref<2x4096xf32, #tpu.memory_space<vmem>> -> memref<1x4096xf32, #tpu.memory_space<vmem>>
    %dma_wait3A_990 = tpu.memref_squeeze %dma_wait3A_989 : memref<1x4096xf32, #tpu.memory_space<vmem>> -> memref<4096xf32, #tpu.memory_space<vmem>>
    tpu.wait_dma2 semaphore(%arg15 : memref<!tpu.dma_semaphore, #tpu.memory_space<semaphore_mem>>) src(%dma_wait3A_990 : memref<4096xf32, #tpu.memory_space<vmem>>) dst(%dma_wait3A_987 : memref<4096xf32, #tpu.memory_space<hbm>>)
    %swap3A = arith.constant 0 : index
    %swap3A_991 = tpu.vector_load %arg11[%swap3A] {strides = array<i32>} : memref<16xf32, #tpu.memory_space<vmem>>, vector<16xf32>,
    tpu.vector_store %arg11[%swap3A], %scan3A_947 {strides = array<i32>} : memref<16xf32, #tpu.memory_space<vmem>>, vector<16xf32>,
    "tpu.region"() ({
      %run_scoped3A = tpu.sem_alloc : memref<!tpu.dma_semaphore, #tpu.memory_space<semaphore_mem>>
      %dma_start3A_992 = arith.constant 0 : i32
      %dma_start3A_993 = tpu.memref_slice %arg6[%add3A, %dma_start3A_992] : memref<32x16xf32, #tpu.memory_space<hbm>> -> memref<1x16xf32, #tpu.memory_space<hbm>>
      %dma_start3A_994 = tpu.memref_squeeze %dma_start3A_993 : memref<1x16xf32, #tpu.memory_space<hbm>> -> memref<16xf32, #tpu.memory_space<hbm>>
      %dma_start3A_995 = arith.constant 0 : i32
      %dma_start3A_996 = tpu.memref_slice %arg6[%add3A, %dma_start3A_995] : memref<32x16xf32, #tpu.memory_space<hbm>> -> memref<1x16xf32, #tpu.memory_space<hbm>>
      %dma_start3A_997 = tpu.memref_squeeze %dma_start3A_996 : memref<1x16xf32, #tpu.memory_space<hbm>> -> memref<16xf32, #tpu.memory_space<hbm>>
      tpu.enqueue_dma source(%arg11 : memref<16xf32, #tpu.memory_space<vmem>>) target(%dma_start3A_997 : memref<16xf32, #tpu.memory_space<hbm>>) target_semaphore(%run_scoped3A : memref<!tpu.dma_semaphore, #tpu.memory_space<semaphore_mem>>)
      %dma_wait3A_998 = arith.constant 0 : i32
      %dma_wait3A_999 = tpu.memref_slice %arg6[%add3A, %dma_wait3A_998] : memref<32x16xf32, #tpu.memory_space<hbm>> -> memref<1x16xf32, #tpu.memory_space<hbm>>
      %dma_wait3A_1000 = tpu.memref_squeeze %dma_wait3A_999 : memref<1x16xf32, #tpu.memory_space<hbm>> -> memref<16xf32, #tpu.memory_space<hbm>>
      %dma_wait3A_1001 = arith.constant 0 : i32
      %dma_wait3A_1002 = tpu.memref_slice %arg6[%add3A, %dma_wait3A_1001] : memref<32x16xf32, #tpu.memory_space<hbm>> -> memref<1x16xf32, #tpu.memory_space<hbm>>
      %dma_wait3A_1003 = tpu.memref_squeeze %dma_wait3A_1002 : memref<1x16xf32, #tpu.memory_space<hbm>> -> memref<16xf32, #tpu.memory_space<hbm>>
      tpu.wait_dma2 semaphore(%run_scoped3A : memref<!tpu.dma_semaphore, #tpu.memory_space<semaphore_mem>>) src(%arg11 : memref<16xf32, #tpu.memory_space<vmem>>) dst(%dma_wait3A_1003 : memref<16xf32, #tpu.memory_space<hbm>>)
      tpu.yield
    }) : () -> ()
    return
  }
}

</mosaic_0001>

<sc_bundles>
// kernel: kernel.3.cloned.1.call-start
scs
__scs_entry_jumppad:
0x0: {  	(pc) =	sbr.rel $0x88, $3  }
0x1: {  	(tag) =	ssettag $0x0;
	lr =	simm.s32 $0x1  }
0x2: {  	[smem:$0x3F9F] =	sst lr;
	_ =	strace $0xD0000000  }
0x3: {  	_ = 	snop  }
0x4: {  	_ = 	snop  }
0x5: {  	_ = 	snop  }
0x6: {  	_ = 	snop  }
0x7: {  	_ = 	snop  }
__scs_overlays_trampoline_lowered:
0x8: {  	[smem:$0x3FAE] =	sst s0  }
0x9: {  	[smem:$0x3FAF] =	sst s1  }
0xa: {  	[smem:$0x3FB0] =	sst s2  }
0xb: {  	[smem:$0x3FB1] =	sst s3  }
0xc: {  	[smem:$0x3FB2] =	sst s4  }
0xd: {  	[smem:$0x3FB3] =	sst s5  }
0xe: {  	[smem:$0x3FB4] =	sst s6  }
0xf: {  	[smem:$0x3FB5] =	sst s7  }
0x10: {  	[smem:$0x3FB6] =	sst s8  }
0x11: {  	[smem:$0x3FB7] =	sst s9;
	s0 =	simm.s32 @!p0 $0x0  }
0x12: {  	s1 =	sld [smem:$0x3F9D];
	s0 =	simm.s32 @p0 $0x1  }
0x13: {  	[smem:$0x3FB8] =	sst s0;
	s0 =	simm.s32 @!p1 $0x0  }
0x14: {  	s2 =	sld [smem:$0x3F9C];
	s0 =	simm.s32 @p1 $0x1  }
0x15: {  	[smem:$0x3FB9] =	sst s0;
	s0 =	simm.s32 @!p2 $0x0  }
0x16: {  	s3 =	sld [smem:$0x3FDB];
	s0 =	simm.s32 @p2 $0x1  }
0x17: {  	s4 =	simm.s32 $0x1BF5;
	[smem:$0x3FBB] =	sst s0  }
0x18: {  	s0 =	sld [smem:$0x3F9E];
	_ =	swait.ge [sflag:s4], $0x0  }
0x19: {  	s7 =	sld [smem:$0x3F9F]  }
0x1a: {  	s8 =	sadd.s32 $0xFFFFE003, lr  }
0x1b: {  	s9 =	sadd.s32 $0xFFFFFEF7, lr;
	s5 =	simm.s32 $0xFFFFFFFF;
	p2 =	slt.u32 s8, $0xFFFFF086  }
0x1c: {  	p1 =	slt.u32 s9, $0xF7A;
	s5 =	simm.s32 @!p2 $0x0  }
0x1d: {  	s5 =	simm.s32 @p1 $0x1;
	p0 =	seq.s32 s7, s2  }
0x1e: {  	s7 =	smul.u32 @!p0 $0xF7A, s2;
	p2 =	seq.s32 @!p0 s5, $0x0  }
0x1f: {  	s9 =	smul.u32 $0xF7A, s1;
	s8 =	simm.s32 @!p0 $0x1BF5;
	p2 =	por !p2, p0  }
0x20: {  	[sflag:s8] =	ssyncset.s32 @!p0 $0xFFFFF086;
	s6 =	sadd.s32 @!p0 s3, s7;
	s7 =	simm.s32 @!p0 $0x108  }
0x21: {  	s3 =	sadd.s32 s3, s9;
	s6 =	sadd.s32 @!p0 $0x88, s6;
	s7 =	simm.s32 @p2 $0x1082  }
0x22: {  	[simem:s7], [sflag:s8] =	dma.local @!p0 [hbm:s6], $0xF7A  }
0x23: {  	s9 =	sor.u32 $0xD0000000, s2;
	s6 =	simm.s32 $0x108;
	_ =	swait.ge @!p0 [sflag:s8], $0x0  }
0x24: {  	s3 =	sadd.s32 $0x88, s3;
	s6 =	simm.s32 @!p1 $0x1082;
	[sflag:s4] =	ssyncset.s32 $0xFFFFF086  }
0x25: {  	[simem:s6], [sflag:s4] =	dma.local [hbm:s3], $0xF7A  }
0x26: {  	[smem:$0x3F9F] =	sst s1;
	(tag) =	ssettag s2;
	_ =	strace s9  }
0x27: {  	s1 =	sld [smem:$0x3FAF]  }
0x28: {  	s2 =	sld [smem:$0x3FB0]  }
0x29: {  	s4 =	sld [smem:$0x3FB2]  }
0x2a: {  	p0 =	seq.s32 s5, $0x0;
	s5 =	sld [smem:$0x3FB3]  }
0x2b: {  	s6 =	sld [smem:$0x3FB4]  }
0x2c: {  	s7 =	sld [smem:$0x3FB5]  }
0x2d: {  	s3 =	simm.s32 $0x108;
	s8 =	sld [smem:$0x3FB6]  }
0x2e: {  	s3 =	simm.s32 @!p0 $0x1082;
	s9 =	sld [smem:$0x3FB7]  }
0x2f: {  	lr =	sadd.s32 s0, s3;
	s0 =	sld [smem:$0x3FAE]  }
0x30: {  	s3 =	sld [smem:$0x3FB1]  }
0x31: {  	[smem:$0x3FBA] =	sst s10  }
0x32: {  	s10 =	sld [smem:$0x3FB8];
	_ =	sdelay $0x3  }
0x33: {  	p0 =	seq.s32 s10, $0x1;
	s10 =	sld [smem:$0x3FBA];
	_ =	sdelay $0x3  }
0x34: {  	[smem:$0x3FBA] =	sst s10  }
0x35: {  	s10 =	sld [smem:$0x3FB9];
	_ =	sdelay $0x3  }
0x36: {  	p1 =	seq.s32 s10, $0x1;
	s10 =	sld [smem:$0x3FBA];
	_ =	sdelay $0x3  }
0x37: {  	[smem:$0x3FBA] =	sst s10  }
0x38: {  	s10 =	sld [smem:$0x3FBB]  }
0x39: {  	_ = 	snop;
	(pc) =	sbr.ind lr, $3  }
0x3a: {  	_ = 	snop  }
0x3b: {  	_ = 	snop  }
0x3c: {  	p2 =	seq.s32 s10, $0x1;
	s10 =	sld [smem:$0x3FBA]  }
0x3d: {  	_ =	shalt  }
0x3e: {  	_ =	shalt  }
0x3f: {  	_ =	shalt  }
0x40: {  	_ =	shalt  }
0x41: {  	_ =	shalt  }
0x42: {  	_ =	shalt  }
0x43: {  	_ =	shalt  }
0x44: {  	_ =	shalt  }
0x45: {  	_ =	shalt  }
0x46: {  	_ =	shalt  }
0x47: {  	_ =	shalt  }
0x48: {  	_ =	shalt  }
0x49: {  	_ =	shalt  }
0x4a: {  	_ =	shalt  }
0x4b: {  	_ =	shalt  }
0x4c: {  	_ =	shalt  }
0x4d: {  	_ =	shalt  }
0x4e: {  	_ =	shalt  }
0x4f: {  	_ =	shalt  }
0x50: {  	_ =	shalt  }
0x51: {  	_ =	shalt  }
0x52: {  	_ =	shalt  }
0x53: {  	_ =	shalt  }
0x54: {  	_ =	shalt  }
0x55: {  	_ =	shalt  }
0x56: {  	_ =	shalt  }
0x57: {  	_ =	shalt  }
0x58: {  	_ =	shalt  }
0x59: {  	_ =	shalt  }
0x5a: {  	_ =	shalt  }
0x5b: {  	_ =	shalt  }
0x5c: {  	_ =	shalt  }
0x5d: {  	_ =	shalt  }
0x5e: {  	_ =	shalt  }
0x5f: {  	_ =	shalt  }
0x60: {  	_ =	shalt  }
0x61: {  	_ =	shalt  }
0x62: {  	_ =	shalt  }
0x63: {  	_ =	shalt  }
0x64: {  	_ =	shalt  }
0x65: {  	_ =	shalt  }
0x66: {  	_ =	shalt  }
0x67: {  	_ =	shalt  }
0x68: {  	_ =	shalt  }
0x69: {  	_ =	shalt  }
0x6a: {  	_ =	shalt  }
0x6b: {  	_ =	shalt  }
0x6c: {  	_ =	shalt  }
0x6d: {  	_ =	shalt  }
0x6e: {  	_ =	shalt  }
0x6f: {  	_ =	shalt  }
0x70: {  	_ =	shalt  }
0x71: {  	_ =	shalt  }
0x72: {  	_ =	shalt  }
0x73: {  	_ =	shalt  }
0x74: {  	_ =	shalt  }
0x75: {  	_ =	shalt  }
0x76: {  	_ =	shalt  }
0x77: {  	_ =	shalt  }
0x78: {  	_ =	shalt  }
0x79: {  	_ =	shalt  }
0x7a: {  	_ =	shalt  }
0x7b: {  	_ =	shalt  }
0x7c: {  	_ =	shalt  }
0x7d: {  	_ =	shalt  }
0x7e: {  	_ =	shalt  }
0x7f: {  	_ =	shalt  }
0x80: {  	_ =	shalt  }
0x81: {  	_ =	shalt  }
0x82: {  	_ =	shalt  }
0x83: {  	_ =	shalt  }
0x84: {  	_ =	shalt  }
0x85: {  	_ =	shalt  }
0x86: {  	_ =	shalt  }
0x87: {  	_ =	shalt  }
.Lfunc_end0:
.L_simem_size_0:
called_computation_lowered:
.L_overlay_start_0:
0x88: {  	s2 =	sld [smem:$0x3FD9]  }
0x89: {  	s3 =	sld [smem:$0x3FFE];
	_ =	sdelay $0x1  }
0x8a: {  	s1 =	srdreg.scid  }
0x8b: {  	s0 =	sand.u32 $0x1, s1  }
0x8c: {  	s14 =	sshll.u32 s0, $0xA;
	s2 =	sadd.s32 s3, s2  }
0x8d: {  	s2 =	sadd.s32 s2, s14  }
0x8e: {  	[smem:$0x3FC6] =	sst s2  }
0x8f: {  	_ = 	snop  }
0x90: {  	s2 =	sld [smem:$0x3FD0];
	_ =	sdelay $0x2  }
0x91: {  	s4 =	simm.s32 $0xA;
	s5 =	simm.s32 $0x10;
	s15 =	sld [smem:$0x3FC8]  }
0x92: {  	[smem:s5], [sflag:s4] =	dma.local [hbm:s2], $0x1  }
0x93: {  	_ =	swait.eq [sflag:s4], $0x1  }
0x94: {  	[sflag:s4] =	ssyncset.done $0x0  }
0x95: {  	[sflag:s4] =	ssyncadd.s32 $0xFFFFFFFF  }
0x96: {  	s16 =	sld [smem:$0x10];
	(tm) =	ssettm $0x1  }
0x97: {  	s17 =	sld [smem:$0x3FFB];
	_ =	sdelay $0x3  }
0x98: {  	_ =	strace s17  }
0x99: {  	s4 =	sld [smem:$0x3FFC];
	_ =	sdelay $0x3  }
0x9a: {  	_ =	strace s4  }
0x9b: {  	s4 =	sld [smem:$0x3FFD];
	_ =	sdelay $0x3  }
0x9c: {  	_ =	strace s4  }
0x9d: {  	_ =	strace $0x8FFFFFFF  }
0x9e: {  	s18 =	sld [smem:$0x3FDB];
	_ =	sdelay $0x1  }
0x9f: {  	s19 =	simm.s32 $_scs_section_size  }
0xa0: {  	s6 =	simm.s32 $_size__tile_overlayer_lowered;
	s7 =	simm.s32 $_tile_overlayer_lowered  }
0xa1: {  	s22 =	simm.s32 $0x1BFF;
	s21 =	sshll.u32 s7, $0x1;
	s4 =	sadd.s32 s19, s18  }
0xa2: {  	s8 =	simm.s32 $0x0;
	s20 =	sshll.u32 s6, $0x1;
	s6 =	sadd.s32 s21, s4  }
0xa3: {  	[timem:s8], [sflag:s22] =	dma.local [hbm:s6], s20  }
0xa4: {  	_ =	swait.ge [sflag:s22], s20  }
0xa5: {  	s5 =	ssub.s32 $0x0, s20;
	[sflag:s22] =	ssyncset.done $0x0  }
0xa6: {  	[sflag:s22] =	ssyncadd.s32 s5;
	_ =	sdelay $0x1  }
0xa7: {  	s23 =	simm.s32 $0x1B8B  }
0xa8: {  	_ =	swait.ge [sflag:s23], $0x1  }
0xa9: {  	[sflag:s23] =	ssyncset.done $0x0  }
0xaa: {  	s25 =	simm.s32 $0x1B8E;
	s24 =	sld [smem:$0x3FFE];
	[sflag:s23] =	ssyncadd.s32 $0xFFFFFFFF  }
0xab: {  	s26 =	simm.s32 $execute0_lowered;
	[smem:$0x3FD2] =	sst s25  }
0xac: {  	s6 =	sshll.u32 s26, $0x1;
	_ =	strace $0x80000046;
	[dreg:$0x1] =	wrdreg $0xFFFFFFFF  }
0xad: {  	s28 =	simm.s32 $_size_execute0_lowered;
	s4 =	sadd.s32 s4, s6;
	[dreg:$0x0] =	wrdreg $0x0  }
0xae: {  	s6 =	sshll.u32 s28, $0x1;
	[dreg:$0x2] =	wrdreg s4  }
0xaf: {  	[dreg:$0x3] =	wrdreg s6  }
0xb0: {  	[dreg:$0x4] =	wrdreg $0xC0  }
0xb1: {  	_ =	task [dreg:s8], $0x5FFFF  }
0xb2: {  	[dreg:$0x1] =	wrdreg $0xFFFFFFFF  }
0xb3: {  	[dreg:$0x0] =	wrdreg $0x60  }
0xb4: {  	[dreg:$0x2] =	wrdreg s15  }
0xb5: {  	[dreg:$0x3] =	wrdreg s24  }
0xb6: {  	[dreg:$0x4] =	wrdreg s16  }
0xb7: {  	[dreg:$0x5] =	wrdreg $0x9  }
0xb8: {  	_ =	task.clear_ibuf [dreg:s8], $0x6FFFF;
	_ =	strace $0x90000046  }
0xb9: {  	s29 =	simm.s32 $0x9;
	_ =	strace $0x80000048  }
0xba: {  	_ =	swait.ge [sflag:s29], $0x1  }
0xbb: {  	[sflag:s29] =	ssyncadd.s32 $0xFFFFFFFF  }
0xbc: {  	_ =	strace $0x90000048  }
0xbd: {  	_ =	sfence  }
0xbe: {  	s30 =	sld [smem:$0x0];
	_ =	sdelay $0x2  }
0xbf: {  	s31 =	sshll.u32 s1, $0xD;
	s1 =	sshrl.u32 s1, $0x2  }
0xc0: {  	s3 =	sand.u32 $0x4000, s31;
	s1 =	sadd.s32 s1, s30  }
0xc1: {  	s0 =	sor.u32 s3, s0;
	s1 =	sshll.u32 s1, $0x11  }
0xc2: {  	s0 =	sor.u32 s1, s0  }
0xc3: {  	s0 =	sadd.s32 $0x8F2B, s0  }
0xc4: {  	[sflag:s0] =	ssyncadd.remote.s32 $0x1  }
0xc5: {  	_ =	sfence.sel $0xFFFF  }
0xc6: {  	[dreg:$0x0] =	wrdreg $0xFFFFFFFF;
	(pc) =	sbr.abs _section_cstart, $3  }
0xc7: {  	[dreg:$0x1] =	wrdreg $0xFFFFFFFF  }
0xc8: {  	_ =	task.clear_ibuf [dreg:s8], $0x2FFFF;
	_ =	strace $0x9FFFFFFF  }
0xc9: {  	(tm) =	ssettm $0x7FFFFFFF  }
tec
execute0_lowered:
.L_overlay_start_1:
0x0: {  	(tag) =	ssettag $0x1  }
0x1: {  	s0 =	rddreg [dreg:$0x0]  }
0x2: {  	s5 =	rddreg [dreg:$0x1]  }
0x3: {  	s2 =	rddreg [dreg:$0x2];
	s1 =	simm.s32 $0x0;
	s3 =	srdreg.scid  }
0x4: {  	s8 =	stileid.u32;
	[smem:$0x7FF] =	sst s1;
	s3 =	sand.u32 $0x1, s3  }
0x5: {  	s4 =	sadd.s32 $0x3000, s5;
	s7 =	sshll.u32 s8, $0x8;
	s8 =	sshrl.u32 s8, $0x2  }
0x6: {  	s6 =	ssub.s32 $0x2, s3;
	s3 =	sshll.u32 s3, $0x7;
	s7 =	sand.u32 $0x300, s7  }
0x7: {  	s23 =	sshll.u32 s8, $0x10;
	s9 =	sshll.u32 s8, $0xF;
	s3 =	sor.u32 s3, s7  }
0x8: {  	s8 =	sshll.u32 s8, $0xA;
	s10 =	sshrl.u32 s6, $0x1;
	s7 =	sor.u32 s23, s3  }
0x9: {  	s9 =	sor.u32 s9, s3;
	s6 =	ssub.s32 s6, s10;
	s8 =	sor.u32 s8, s3  }
0xa: {  	s7 =	sshrl.u32 s7, $0x3;
	s9 =	sshrl.u32 s9, $0x3;
	s8 =	sshrl.u32 s8, $0x3  }
0xb: {  	s0 =	sadd.s32 s0, s7;
	s24 =	sor.u32 $0x4000, s9;
	s25 =	sor.u32 $0x8000, s9  }
0xc: {  	s26 =	sor.u32 $0xC000, s9;
	s15 =	sor.u32 $0x10000, s9;
	s17 =	sor.u32 $0x14000, s9  }
0xd: {  	s19 =	sor.u32 $0x18000, s9;
	s21 =	sor.u32 $0x1C000, s9;
	s22 =	sor.u32 $0x20000, s9  }
0xe: {  	s23 =	sor.u32 $0x24000, s9;
	s28 =	sadd.s32 s2, s9;
	s29 =	sadd.s32 s4, s9  }
0xf: {  	s3 =	sor.u32 $0x34000, s9;
	[dreg:$0x4] =	wrdreg s0;
	s11 =	sadd.s32 s2, s24  }
0x10: {  	s12 =	sadd.s32 s2, s25;
	s13 =	sadd.s32 s4, s24;
	s14 =	sadd.s32 s2, s26  }
0x11: {  	s7 =	sadd.s32 s4, s25;
	s16 =	sadd.s32 s2, s15;
	[dreg:$0x8] =	wrdreg s14  }
0x12: {  	s10 =	sadd.s32 s4, s26;
	s18 =	sadd.s32 s2, s17;
	[dreg:$0x9] =	wrdreg s7  }
0x13: {  	s0 =	sadd.s32 s4, s15;
	s20 =	sadd.s32 s2, s19;
	[dreg:$0xa] =	wrdreg s16  }
0x14: {  	s15 =	sadd.s32 s4, s19;
	s19 =	sadd.s32 s2, s23;
	[dreg:$0xb] =	wrdreg s10  }
0x15: {  	s24 =	sor.u32 $0x28000, s9;
	s25 =	sor.u32 $0x2C000, s9;
	[dreg:$0xc] =	wrdreg s18  }
0x16: {  	s26 =	sor.u32 $0x30000, s9;
	s31 =	sadd.s32 s2, s3;
	[dreg:$0xd] =	wrdreg s0  }
0x17: {  	s30 =	sadd.s32 s4, s3;
	[dreg:$0xe] =	wrdreg s20;
	s7 =	sadd.s32 s4, s17  }
0x18: {  	s14 =	sadd.s32 s2, s21;
	s16 =	sadd.s32 s2, s22;
	s17 =	sadd.s32 s4, s21  }
0x19: {  	s18 =	sadd.s32 s4, s22;
	s20 =	sadd.s32 s4, s23;
	s21 =	sadd.s32 s2, s24  }
0x1a: {  	s22 =	sadd.s32 s4, s24;
	s23 =	sadd.s32 s2, s25;
	s10 =	sor.u32 $0x3C000, s9  }
0x1b: {  	[dreg:$0xf] =	wrdreg s7;
	s7 =	sor.u32 $0x38000, s9;
	s9 =	sadd.s32 s5, s8  }
0x1c: {  	s5 =	sadd.s32 $0x1000, s5;
	_ =	strace $0x80000047;
	[dreg:$0x10] =	wrdreg s9  }
0x1d: {  	s24 =	sadd.s32 s4, s25;
	s25 =	sadd.s32 s2, s26;
	[dreg:$0x11] =	wrdreg s5  }
0x1e: {  	s26 =	sadd.s32 s4, s26;
	s0 =	sadd.s32 s2, s7;
	[dreg:$0x5] =	wrdreg s11  }
0x1f: {  	s2 =	sadd.s32 s2, s10;
	s3 =	sadd.s32 s4, s7;
	[dreg:$0x6] =	wrdreg s12  }
0x20: {  	s4 =	sadd.s32 s4, s10;
	s10 =	smax.u32 s6, $0x1;
	[dreg:$0x7] =	wrdreg s13  }
0x21: {  	s8 =	simm.s32 $0x5;
	s6 =	simm.s32 $0x0;
	[dreg:$0x12] =	wrdreg s10  }
.LBB2_1:
0x22: {  	[dreg:$0x13] =	wrdreg s6  }
0x23: {  	s5 =	rddreg [dreg:$0x4];
	s10 =	simm.s32 $0x80;
	s7 =	simm.s32 $0x400  }
0x24: {  	[tilespmem:s1], [sflag:$0x5] =	stream.strided.gather [hbm4b:s5+s10], $0x2000, s7, s10, $0x38;
	[tilespmem:$0x16080] =	vst v63  }
0x25: {  	_ =	swait.ge [sflag:s8], $0x2000  }
0x26: {  	[sflag:s8] =	ssyncset.done $0x0  }
0x27: {  	s13 =	simm.s32 $0x2000;
	s12 =	rddreg [dreg:$0x11];
	[sflag:s8] =	ssyncadd.s32 $0xFFFFE000  }
0x28: {  	[tilespmem:s13], [sflag:$0x5] =	stream.linear.gather [hbm4b:s12+s1], $0x10000, $0x38;
	[tilespmem:$0x16080] =	vst v63  }
0x29: {  	_ =	swait.ge [sflag:s8], $0x10000  }
0x2a: {  	s6 =	simm.s32 $0x80;
	s5 =	simm.s32 $0x12000;
	[sflag:s8] =	ssyncset.done $0x0  }
0x2b: {  	s7 =	simm.s32 $0x12100;
	[sflag:s8] =	ssyncadd.s32 $0xFFFF0000;
	s8 =	sadd.s32 $0x0, s28  }
.LBB2_2:
0x2c: {  	[tilespmem:s5], [sflag:$0x1] =	stream.linear.gather [hbm4b:s8+s1], $0x80, $0x38;
	[tilespmem:$0x16080] =	vst v63  }
0x2d: {  	s8 =	smov.u32 s6;
	s5 =	smov.u32 s7;
	p0 =	sne.s32 s6, $0xF80  }
.Ltmp0:
0x2e: {  	s6 =	sadd.s32 $0x80, s6;
	(pc) =	sbr.rel @p0 .LBB2_2-.Ltmp0, $2  }
0x2f: {  	_ =	sdelay $0x2  }
0x30: {  	s7 =	sadd.s32 $0x100, s7;
	s8 =	sadd.s32 s8, s28  }
0x31: {  	[tilespmem:s5], [sflag:$0x1] =	stream.linear.gather [hbm4b:s8+s1], $0x80, $0x38;
	[tilespmem:$0x16080] =	vst v63  }
0x32: {  	s13 =	simm.s32 $0x1  }
0x33: {  	_ =	swait.ge [sflag:s13], $0x1000  }
0x34: {  	s5 =	simm.s32 $0x0;
	[sflag:s13] =	ssyncset.done $0x0  }
0x35: {  	s6 =	simm.s32 $0x12080;
	s7 =	simm.s32 $0x0;
	[sflag:s13] =	ssyncadd.s32 $0xFFFFF000  }
.LBB2_4:
0x36: {  	p0 =	sne.s32 s7, $0xF80  }
.Ltmp1:
0x37: {  	_ = 	snop;
	(pc) =	sbr.rel @p0 .LBB2_4-.Ltmp1, $4  }
0x38: {  	_ = 	snop  }
0x39: {  	s8 =	sadd.s32 s7, s11  }
0x3a: {  	[tilespmem:s6], [sflag:$0x2] =	stream.linear.gather [hbm4b:s8+s5], $0x80, $0x38;
	[tilespmem:$0x16080] =	vst v63  }
0x3b: {  	s7 =	sadd.s32 $0x80, s7;
	s6 =	sadd.s32 $0x100, s6  }
0x3c: {  	s6 =	simm.s32 $0x2000;
	s7 =	sand.u32 $0x60, s5  }
0x3d: {  	s9 =	sand.u32 $0xF80, s5;
	s8 =	sor.u32 $0x10, s7;
	v0 =	vld [tilespmem:s6+$0x0]  }
0x3e: {  	s10 =	sor.u32 s8, s9  }
0x3f: {  	v1 =	vld [tilespmem:s10+$0x2000];
	_ =	sdelay $0x2  }
0x40: {  	s11 =	sand.u32 $0x1F00, s5  }
0x41: {  	s12 =	sor.u32 s7, s11  }
0x42: {  	v2 =	vld [tilespmem:s12+$0x12000]  }
0x43: {  	s7 =	sor.u32 s11, s8;
	v0 =	vld.idx.msk [tilespmem:v0+s1+$0x0], $0xffff  }
0x44: {  	v3 =	vld [tilespmem:s7+$0x12000]  }
0x45: {  	v1 =	vld.idx.msk [tilespmem:v1+s1+$0x0], $0xffff;
	_ =	sdelay $0x2  }
0x46: {  	v4 =	vsub.f32 v0, v2  }
0x47: {  	s13 =	simm.s32 $0x20  }
0x48: {  	s9 =	sand.u32 $0x60, s13;
	v5 =	vsub.f32 v1, v3;
	v6 =	vadd.f32 v4, v2  }
0x49: {  	s11 =	sand.u32 $0xF80, s13;
	s10 =	sor.u32 $0x10, s9;
	v0 =	vimm.f32 $0.0e+00  }
0x4a: {  	s6 =	simm.s32 $0x40;
	s8 =	simm.s32 $0x2020;
	s11 =	sor.u32 s10, s11;
	v1 =	vmul.f32 v4, v4;
	v3 =	vadd.f32 v5, v3;
	v2 =	vmul.f32 v5, v5;
	[tilespmem:s12+$0x14000] =	vst v6  }
.LBB2_6:
0x4b: {  	p0 =	sne.s32 s6, $0xFE0  }
0x4c: {  	[tilespmem:s7+$0x14000] =	vst v3;
	v1 =	vadd.f32 v2, v1;
	s5 =	sadd.s32 $0x40, s5;
	s12 =	smov.u32 s6;
	s6 =	sadd.s32 $0x20, s6  }
0x4d: {  	v2 =	vld [tilespmem:s8+$0x0]  }
0x4e: {  	v3 =	vld [tilespmem:s11+$0x2000];
	v0 =	vadd.f32 v1, v0;
	_ =	sdelay $0x2  }
0x4f: {  	s11 =	sand.u32 $0x1F00, s5  }
0x50: {  	s7 =	sor.u32 s11, s10  }
0x51: {  	s13 =	sor.u32 s9, s11;
	v1 =	vld [tilespmem:s7+$0x12000]  }
0x52: {  	v4 =	vld [tilespmem:s13+$0x12000]  }
0x53: {  	v2 =	vld.idx.msk [tilespmem:v2+s1+$0x0], $0xffff  }
0x54: {  	v3 =	vld.idx.msk [tilespmem:v3+s1+$0x0], $0xffff;
	_ =	sdelay $0x4  }
.Ltmp2:
0x55: {  	v2 =	vsub.f32 v2, v4;
	(pc) =	sbr.rel @p0 .LBB2_6-.Ltmp2, $4  }
0x56: {  	v5 =	vsub.f32 v3, v1  }
0x57: {  	s9 =	sand.u32 $0x60, s12;
	v4 =	vadd.f32 v2, v4  }
0x58: {  	s8 =	sadd.s32 $0x20, s8;
	s11 =	sand.u32 $0xF80, s12;
	s10 =	sor.u32 $0x10, s9;
	v3 =	vadd.f32 v5, v1;
	v1 =	vmul.f32 v2, v2;
	v2 =	vmul.f32 v5, v5  }
0x59: {  	s11 =	sor.u32 s10, s11;
	[tilespmem:s13+$0x14000] =	vst v4  }
0x5a: {  	[tilespmem:s7+$0x14000] =	vst v3  }
0x5b: {  	v3 =	vld [tilespmem:s8+$0x0]  }
0x5c: {  	v4 =	vld [tilespmem:s11+$0x2000];
	_ =	sdelay $0x1  }
0x5d: {  	s5 =	sadd.s32 $0x40, s5  }
0x5e: {  	s5 =	sand.u32 $0x1F00, s5  }
0x5f: {  	s6 =	sor.u32 s5, s10  }
0x60: {  	s5 =	sor.u32 s9, s5;
	v5 =	vld [tilespmem:s6+$0x12000]  }
0x61: {  	v6 =	vld [tilespmem:s5+$0x12000]  }
0x62: {  	v3 =	vld.idx.msk [tilespmem:v3+s1+$0x0], $0xffff  }
0x63: {  	v4 =	vld.idx.msk [tilespmem:v4+s1+$0x0], $0xffff;
	_ =	sdelay $0x4  }
0x64: {  	v3 =	vsub.f32 v3, v6;
	v4 =	vsub.f32 v4, v5  }
0x65: {  	v1 =	vadd.f32 v2, v1  }
0x66: {  	v2 =	vmul.f32 v3, v3;
	v7 =	vmul.f32 v4, v4  }
0x67: {  	v0 =	vadd.f32 v1, v0;
	v1 =	vadd.f32 v3, v6  }
0x68: {  	v3 =	vadd.f32 v4, v5;
	v2 =	vadd.f32 v7, v2  }
0x69: {  	s7 =	simm.s32 $0x14100;
	[tilespmem:s5+$0x14000] =	vst v1  }
0x6a: {  	s8 =	sadd.s32 $0x0, s29;
	s5 =	simm.s32 $0x14000;
	[tilespmem:s6+$0x14000] =	vst v3;
	s6 =	simm.s32 $0x80;
	v0 =	vadd.f32 v2, v0  }
.LBB2_8:
0x6b: {  	[hbm4b:s8+s1] =	stream.linear.scatter [tilespmem:s5], [sflag:$0x3], $0x80, $0x38;
	[tilespmem:$0x16080] =	vst v63  }
0x6c: {  	s8 =	smov.u32 s6;
	s5 =	smov.u32 s7;
	p0 =	sne.s32 s6, $0xF80  }
.Ltmp3:
0x6d: {  	s6 =	sadd.s32 $0x80, s6;
	(pc) =	sbr.rel @p0 .LBB2_8-.Ltmp3, $2  }
0x6e: {  	_ =	sdelay $0x2  }
0x6f: {  	s7 =	sadd.s32 $0x100, s7;
	s8 =	sadd.s32 s8, s29  }
0x70: {  	[hbm4b:s8+s1] =	stream.linear.scatter [tilespmem:s5], [sflag:$0x3], $0x80, $0x38;
	[tilespmem:$0x16080] =	vst v63  }
0x71: {  	s13 =	simm.s32 $0x2  }
0x72: {  	s5 =	simm.s32 $0x0;
	_ =	swait.ge [sflag:s13], $0x1000  }
0x73: {  	s6 =	simm.s32 $0x12000;
	[sflag:s13] =	ssyncset.done $0x0;
	s12 =	rddreg [dreg:$0x6]  }
0x74: {  	s7 =	simm.s32 $0x0;
	[sflag:s13] =	ssyncadd.s32 $0xFFFFF000;
	s13 =	rddreg [dreg:$0x7]  }
.LBB2_10:
0x75: {  	p0 =	sne.s32 s7, $0xF80  }
.Ltmp4:
0x76: {  	_ = 	snop;
	(pc) =	sbr.rel @p0 .LBB2_10-.Ltmp4, $4  }
0x77: {  	_ = 	snop  }
0x78: {  	s8 =	sadd.s32 s7, s12  }
0x79: {  	[tilespmem:s6], [sflag:$0x1] =	stream.linear.gather [hbm4b:s8+s5], $0x80, $0x38;
	[tilespmem:$0x16080] =	vst v63  }
0x7a: {  	s7 =	sadd.s32 $0x80, s7;
	s6 =	sadd.s32 $0x100, s6  }
0x7b: {  	s6 =	sand.u32 $0xFE0, s5  }
0x7c: {  	s7 =	simm.s32 $0x3010;
	v1 =	vld [tilespmem:s6+$0x3000]  }
0x7d: {  	v2 =	vld [tilespmem:s7+$0x0];
	_ =	sdelay $0x2  }
0x7e: {  	s11 =	sand.u32 $0x60, s5;
	s12 =	sand.u32 $0x1F00, s5  }
0x7f: {  	s9 =	sor.u32 s11, s12  }
0x80: {  	v3 =	vld [tilespmem:s9+$0x12080]  }
0x81: {  	v4 =	vld [tilespmem:s9+$0x12090]  }
0x82: {  	v1 =	vld.idx.msk [tilespmem:v1+s1+$0x0], $0xffff  }
0x83: {  	v2 =	vld.idx.msk [tilespmem:v2+s1+$0x0], $0xffff;
	_ =	sdelay $0x3  }
0x84: {  	v1 =	vsub.f32 v1, v3  }
0x85: {  	v2 =	vsub.f32 v2, v4  }
0x86: {  	s6 =	simm.s32 $0x20;
	v3 =	vadd.f32 v1, v3  }
0x87: {  	s8 =	simm.s32 $0x40;
	s7 =	simm.s32 $0x3030;
	s10 =	sand.u32 $0xFE0, s6;
	v1 =	vmul.f32 v1, v1;
	v4 =	vadd.f32 v2, v4;
	v2 =	vmul.f32 v2, v2  }
.LBB2_12:
0x88: {  	p0 =	sne.s32 s8, $0xFE0  }
0x89: {  	[tilespmem:s9+$0x14080] =	vst v3;
	s5 =	sadd.s32 $0x40, s5;
	s11 =	smov.u32 s8;
	s8 =	sadd.s32 $0x20, s8  }
0x8a: {  	[tilespmem:s9+$0x14090] =	vst v4;
	v1 =	vadd.f32 v2, v1  }
0x8b: {  	v2 =	vld [tilespmem:s10+$0x3000]  }
0x8c: {  	v3 =	vld [tilespmem:s7+$0x0];
	v0 =	vadd.f32 v1, v0;
	_ =	sdelay $0x2  }
0x8d: {  	s9 =	sand.u32 $0x60, s6;
	s6 =	smov.u32 s11;
	s10 =	sand.u32 $0x1F00, s5  }
0x8e: {  	s9 =	sor.u32 s9, s10  }
0x8f: {  	v1 =	vld [tilespmem:s9+$0x12080];
	_ =	sdelay $0x1  }
0x90: {  	v2 =	vld.idx.msk [tilespmem:v2+s1+$0x0], $0xffff  }
0x91: {  	v3 =	vld.idx.msk [tilespmem:v3+s1+$0x0], $0xffff  }
0x92: {  	v4 =	vld [tilespmem:s9+$0x12090];
	_ =	sdelay $0x2  }
.Ltmp5:
0x93: {  	(pc) =	sbr.rel @p0 .LBB2_12-.Ltmp5, $4  }
0x94: {  	v2 =	vsub.f32 v2, v1  }
0x95: {  	v5 =	vsub.f32 v3, v4  }
0x96: {  	s7 =	sadd.s32 $0x20, s7;
	v3 =	vadd.f32 v2, v1;
	v1 =	vmul.f32 v2, v2  }
0x97: {  	s10 =	sand.u32 $0xFE0, s6;
	v4 =	vadd.f32 v5, v4;
	v2 =	vmul.f32 v5, v5  }
0x98: {  	[tilespmem:s9+$0x14080] =	vst v3  }
0x99: {  	[tilespmem:s9+$0x14090] =	vst v4  }
0x9a: {  	v3 =	vld [tilespmem:s10+$0x3000]  }
0x9b: {  	v4 =	vld [tilespmem:s7+$0x0];
	_ =	sdelay $0x1  }
0x9c: {  	s5 =	sadd.s32 $0x40, s5  }
0x9d: {  	s6 =	sand.u32 $0x60, s6;
	s5 =	sand.u32 $0x1F00, s5  }
0x9e: {  	s6 =	sor.u32 s6, s5  }
0x9f: {  	v5 =	vld [tilespmem:s6+$0x12080]  }
0xa0: {  	v6 =	vld [tilespmem:s6+$0x12090]  }
0xa1: {  	v3 =	vld.idx.msk [tilespmem:v3+s1+$0x0], $0xffff  }
0xa2: {  	v4 =	vld.idx.msk [tilespmem:v4+s1+$0x0], $0xffff;
	_ =	sdelay $0x4  }
0xa3: {  	v3 =	vsub.f32 v3, v5;
	v4 =	vsub.f32 v4, v6  }
0xa4: {  	v1 =	vadd.f32 v2, v1  }
0xa5: {  	v2 =	vmul.f32 v3, v3;
	v7 =	vmul.f32 v4, v4  }
0xa6: {  	v0 =	vadd.f32 v1, v0;
	v1 =	vadd.f32 v3, v5  }
0xa7: {  	v3 =	vadd.f32 v4, v6;
	v2 =	vadd.f32 v7, v2  }
0xa8: {  	s8 =	sadd.s32 $0x0, s13;
	[tilespmem:s6+$0x14080] =	vst v1  }
0xa9: {  	s5 =	simm.s32 $0x14080;
	s7 =	simm.s32 $0x14180;
	[tilespmem:s6+$0x14090] =	vst v3;
	s6 =	simm.s32 $0x80;
	v0 =	vadd.f32 v2, v0  }
.LBB2_14:
0xaa: {  	[hbm4b:s8+s1] =	stream.linear.scatter [tilespmem:s5], [sflag:$0x4], $0x80, $0x38;
	[tilespmem:$0x16080] =	vst v63  }
0xab: {  	s8 =	smov.u32 s6;
	s5 =	smov.u32 s7;
	p0 =	sne.s32 s6, $0xF80  }
.Ltmp6:
0xac: {  	s6 =	sadd.s32 $0x80, s6;
	(pc) =	sbr.rel @p0 .LBB2_14-.Ltmp6, $2  }
0xad: {  	_ =	sdelay $0x2  }
0xae: {  	s7 =	sadd.s32 $0x100, s7;
	s8 =	sadd.s32 s8, s13  }
0xaf: {  	[hbm4b:s8+s1] =	stream.linear.scatter [tilespmem:s5], [sflag:$0x4], $0x80, $0x38;
	[tilespmem:$0x16080] =	vst v63  }
0xb0: {  	s13 =	simm.s32 $0x1  }
0xb1: {  	s5 =	simm.s32 $0x12080;
	_ =	swait.ge [sflag:s13], $0x1000  }
0xb2: {  	s6 =	simm.s32 $0x80;
	[sflag:s13] =	ssyncset.done $0x0;
	s9 =	rddreg [dreg:$0x8]  }
0xb3: {  	s7 =	simm.s32 $0x12180;
	[sflag:s13] =	ssyncadd.s32 $0xFFFFF000;
	s8 =	sadd.s32 $0x0, s9  }
.LBB2_16:
0xb4: {  	[tilespmem:s5], [sflag:$0x2] =	stream.linear.gather [hbm4b:s8+s1], $0x80, $0x38;
	[tilespmem:$0x16080] =	vst v63  }
0xb5: {  	s8 =	smov.u32 s6;
	s5 =	smov.u32 s7;
	p0 =	sne.s32 s6, $0xF80  }
.Ltmp7:
0xb6: {  	s6 =	sadd.s32 $0x80, s6;
	(pc) =	sbr.rel @p0 .LBB2_16-.Ltmp7, $2  }
0xb7: {  	_ =	sdelay $0x2  }
0xb8: {  	s7 =	sadd.s32 $0x100, s7;
	s8 =	sadd.s32 s8, s9  }
0xb9: {  	[tilespmem:s5], [sflag:$0x2] =	stream.linear.gather [hbm4b:s8+s1], $0x80, $0x38;
	[tilespmem:$0x16080] =	vst v63  }
0xba: {  	s6 =	simm.s32 $0x3  }
0xbb: {  	_ =	swait.ge [sflag:s6], $0x1000  }
0xbc: {  	s5 =	simm.s32 $0x0;
	[sflag:s6] =	ssyncset.done $0x0  }
0xbd: {  	s11 =	sand.u32 $0xFE0, s5;
	[sflag:s6] =	ssyncadd.s32 $0xFFFFF000  }
0xbe: {  	s7 =	simm.s32 $0x4010;
	v1 =	vld [tilespmem:s11+$0x4000]  }
0xbf: {  	v2 =	vld [tilespmem:s7+$0x0];
	_ =	sdelay $0x2  }
0xc0: {  	s12 =	sand.u32 $0x60, s5;
	s13 =	sand.u32 $0x1F00, s5  }
0xc1: {  	s9 =	sor.u32 s12, s13  }
0xc2: {  	v3 =	vld [tilespmem:s9+$0x12000]  }
0xc3: {  	v4 =	vld [tilespmem:s9+$0x12010]  }
0xc4: {  	v1 =	vld.idx.msk [tilespmem:v1+s1+$0x0], $0xffff  }
0xc5: {  	v2 =	vld.idx.msk [tilespmem:v2+s1+$0x0], $0xffff;
	_ =	sdelay $0x3  }
0xc6: {  	v1 =	vsub.f32 v1, v3  }
0xc7: {  	v2 =	vsub.f32 v2, v4  }
0xc8: {  	s6 =	simm.s32 $0x20;
	v3 =	vadd.f32 v1, v3  }
0xc9: {  	s8 =	simm.s32 $0x40;
	s7 =	simm.s32 $0x4030;
	s10 =	sand.u32 $0xFE0, s6;
	v1 =	vmul.f32 v1, v1;
	v4 =	vadd.f32 v2, v4;
	v2 =	vmul.f32 v2, v2  }
.LBB2_18:
0xca: {  	p0 =	sne.s32 s8, $0xFE0  }
0xcb: {  	[tilespmem:s9+$0x14000] =	vst v3;
	s5 =	sadd.s32 $0x40, s5;
	s11 =	smov.u32 s8;
	s8 =	sadd.s32 $0x20, s8  }
0xcc: {  	[tilespmem:s9+$0x14010] =	vst v4;
	v1 =	vadd.f32 v2, v1  }
0xcd: {  	v2 =	vld [tilespmem:s10+$0x4000]  }
0xce: {  	v3 =	vld [tilespmem:s7+$0x0];
	v0 =	vadd.f32 v1, v0;
	_ =	sdelay $0x2  }
0xcf: {  	s9 =	sand.u32 $0x60, s6;
	s6 =	smov.u32 s11;
	s10 =	sand.u32 $0x1F00, s5  }
0xd0: {  	s9 =	sor.u32 s9, s10  }
0xd1: {  	v1 =	vld [tilespmem:s9+$0x12000];
	_ =	sdelay $0x1  }
0xd2: {  	v2 =	vld.idx.msk [tilespmem:v2+s1+$0x0], $0xffff  }
0xd3: {  	v3 =	vld.idx.msk [tilespmem:v3+s1+$0x0], $0xffff  }
0xd4: {  	v4 =	vld [tilespmem:s9+$0x12010];
	_ =	sdelay $0x2  }
.Ltmp8:
0xd5: {  	(pc) =	sbr.rel @p0 .LBB2_18-.Ltmp8, $4  }
0xd6: {  	v2 =	vsub.f32 v2, v1  }
0xd7: {  	v5 =	vsub.f32 v3, v4  }
0xd8: {  	s7 =	sadd.s32 $0x20, s7;
	v3 =	vadd.f32 v2, v1;
	v1 =	vmul.f32 v2, v2  }
0xd9: {  	s10 =	sand.u32 $0xFE0, s6;
	v4 =	vadd.f32 v5, v4;
	v2 =	vmul.f32 v5, v5  }
0xda: {  	[tilespmem:s9+$0x14000] =	vst v3  }
0xdb: {  	[tilespmem:s9+$0x14010] =	vst v4  }
0xdc: {  	v3 =	vld [tilespmem:s10+$0x4000]  }
0xdd: {  	v4 =	vld [tilespmem:s7+$0x0];
	_ =	sdelay $0x1  }
0xde: {  	s5 =	sadd.s32 $0x40, s5  }
0xdf: {  	s6 =	sand.u32 $0x60, s6;
	s5 =	sand.u32 $0x1F00, s5  }
0xe0: {  	s6 =	sor.u32 s6, s5  }
0xe1: {  	v5 =	vld [tilespmem:s6+$0x12000]  }
0xe2: {  	v6 =	vld [tilespmem:s6+$0x12010]  }
0xe3: {  	v3 =	vld.idx.msk [tilespmem:v3+s1+$0x0], $0xffff  }
0xe4: {  	v4 =	vld.idx.msk [tilespmem:v4+s1+$0x0], $0xffff;
	_ =	sdelay $0x4  }
0xe5: {  	v3 =	vsub.f32 v3, v5;
	v4 =	vsub.f32 v4, v6  }
0xe6: {  	v1 =	vadd.f32 v2, v1  }
0xe7: {  	v2 =	vmul.f32 v3, v3;
	v7 =	vmul.f32 v4, v4  }
0xe8: {  	v0 =	vadd.f32 v1, v0;
	v1 =	vadd.f32 v3, v5  }
0xe9: {  	v3 =	vadd.f32 v4, v6;
	v2 =	vadd.f32 v7, v2  }
0xea: {  	s9 =	rddreg [dreg:$0x9];
	s5 =	simm.s32 $0x14000;
	[tilespmem:s6+$0x14000] =	vst v1  }
0xeb: {  	s8 =	sadd.s32 $0x0, s9;
	s7 =	simm.s32 $0x14100;
	[tilespmem:s6+$0x14010] =	vst v3;
	s6 =	simm.s32 $0x80;
	v0 =	vadd.f32 v2, v0  }
.LBB2_20:
0xec: {  	[hbm4b:s8+s1] =	stream.linear.scatter [tilespmem:s5], [sflag:$0x3], $0x80, $0x38;
	[tilespmem:$0x16080] =	vst v63  }
0xed: {  	s8 =	smov.u32 s6;
	s5 =	smov.u32 s7;
	p0 =	sne.s32 s6, $0xF80  }
.Ltmp9:
0xee: {  	s6 =	sadd.s32 $0x80, s6;
	(pc) =	sbr.rel @p0 .LBB2_20-.Ltmp9, $2  }
0xef: {  	_ =	sdelay $0x2  }
0xf0: {  	s7 =	sadd.s32 $0x100, s7;
	s8 =	sadd.s32 s8, s9  }
0xf1: {  	[hbm4b:s8+s1] =	stream.linear.scatter [tilespmem:s5], [sflag:$0x3], $0x80, $0x38;
	[tilespmem:$0x16080] =	vst v63  }
0xf2: {  	s13 =	simm.s32 $0x2  }
0xf3: {  	s5 =	simm.s32 $0x12000;
	_ =	swait.ge [sflag:s13], $0x1000  }
0xf4: {  	s6 =	simm.s32 $0x80;
	[sflag:s13] =	ssyncset.done $0x0;
	s9 =	rddreg [dreg:$0xa]  }
0xf5: {  	s7 =	simm.s32 $0x12100;
	[sflag:s13] =	ssyncadd.s32 $0xFFFFF000;
	s8 =	sadd.s32 $0x0, s9  }
.LBB2_22:
0xf6: {  	[tilespmem:s5], [sflag:$0x1] =	stream.linear.gather [hbm4b:s8+s1], $0x80, $0x38;
	[tilespmem:$0x16080] =	vst v63  }
0xf7: {  	s8 =	smov.u32 s6;
	s5 =	smov.u32 s7;
	p0 =	sne.s32 s6, $0xF80  }
.Ltmp10:
0xf8: {  	s6 =	sadd.s32 $0x80, s6;
	(pc) =	sbr.rel @p0 .LBB2_22-.Ltmp10, $2  }
0xf9: {  	_ =	sdelay $0x2  }
0xfa: {  	s7 =	sadd.s32 $0x100, s7;
	s8 =	sadd.s32 s8, s9  }
0xfb: {  	[tilespmem:s5], [sflag:$0x1] =	stream.linear.gather [hbm4b:s8+s1], $0x80, $0x38;
	[tilespmem:$0x16080] =	vst v63  }
0xfc: {  	s6 =	simm.s32 $0x4  }
0xfd: {  	_ =	swait.ge [sflag:s6], $0x1000  }
0xfe: {  	s5 =	simm.s32 $0x0;
	[sflag:s6] =	ssyncset.done $0x0  }
0xff: {  	s11 =	sand.u32 $0xFE0, s5;
	[sflag:s6] =	ssyncadd.s32 $0xFFFFF000  }
0x100: {  	s7 =	simm.s32 $0x5010;
	v1 =	vld [tilespmem:s11+$0x5000]  }
0x101: {  	v2 =	vld [tilespmem:s7+$0x0];
	_ =	sdelay $0x2  }
0x102: {  	s12 =	sand.u32 $0x60, s5;
	s13 =	sand.u32 $0x1F00, s5  }
0x103: {  	s9 =	sor.u32 s12, s13  }
0x104: {  	v3 =	vld [tilespmem:s9+$0x12080]  }
0x105: {  	v4 =	vld [tilespmem:s9+$0x12090]  }
0x106: {  	v1 =	vld.idx.msk [tilespmem:v1+s1+$0x0], $0xffff  }
0x107: {  	v2 =	vld.idx.msk [tilespmem:v2+s1+$0x0], $0xffff;
	_ =	sdelay $0x3  }
0x108: {  	v1 =	vsub.f32 v1, v3  }
0x109: {  	v2 =	vsub.f32 v2, v4  }
0x10a: {  	s6 =	simm.s32 $0x20;
	v3 =	vadd.f32 v1, v3  }
0x10b: {  	s8 =	simm.s32 $0x40;
	s7 =	simm.s32 $0x5030;
	s10 =	sand.u32 $0xFE0, s6;
	v1 =	vmul.f32 v1, v1;
	v4 =	vadd.f32 v2, v4;
	v2 =	vmul.f32 v2, v2  }
.LBB2_24:
0x10c: {  	p0 =	sne.s32 s8, $0xFE0  }
0x10d: {  	[tilespmem:s9+$0x14080] =	vst v3;
	s5 =	sadd.s32 $0x40, s5;
	s11 =	smov.u32 s8;
	s8 =	sadd.s32 $0x20, s8  }
0x10e: {  	[tilespmem:s9+$0x14090] =	vst v4;
	v1 =	vadd.f32 v2, v1  }
0x10f: {  	v2 =	vld [tilespmem:s10+$0x5000]  }
0x110: {  	v3 =	vld [tilespmem:s7+$0x0];
	v0 =	vadd.f32 v1, v0;
	_ =	sdelay $0x2  }
0x111: {  	s9 =	sand.u32 $0x60, s6;
	s6 =	smov.u32 s11;
	s10 =	sand.u32 $0x1F00, s5  }
0x112: {  	s9 =	sor.u32 s9, s10  }
0x113: {  	v1 =	vld [tilespmem:s9+$0x12080];
	_ =	sdelay $0x1  }
0x114: {  	v2 =	vld.idx.msk [tilespmem:v2+s1+$0x0], $0xffff  }
0x115: {  	v3 =	vld.idx.msk [tilespmem:v3+s1+$0x0], $0xffff  }
0x116: {  	v4 =	vld [tilespmem:s9+$0x12090];
	_ =	sdelay $0x2  }
.Ltmp11:
0x117: {  	(pc) =	sbr.rel @p0 .LBB2_24-.Ltmp11, $4  }
0x118: {  	v2 =	vsub.f32 v2, v1  }
0x119: {  	v5 =	vsub.f32 v3, v4  }
0x11a: {  	s7 =	sadd.s32 $0x20, s7;
	v3 =	vadd.f32 v2, v1;
	v1 =	vmul.f32 v2, v2  }
0x11b: {  	s10 =	sand.u32 $0xFE0, s6;
	v4 =	vadd.f32 v5, v4;
	v2 =	vmul.f32 v5, v5  }
0x11c: {  	[tilespmem:s9+$0x14080] =	vst v3  }
0x11d: {  	[tilespmem:s9+$0x14090] =	vst v4  }
0x11e: {  	v3 =	vld [tilespmem:s10+$0x5000]  }
0x11f: {  	v4 =	vld [tilespmem:s7+$0x0];
	_ =	sdelay $0x1  }
0x120: {  	s5 =	sadd.s32 $0x40, s5  }
0x121: {  	s6 =	sand.u32 $0x60, s6;
	s5 =	sand.u32 $0x1F00, s5  }
0x122: {  	s6 =	sor.u32 s6, s5  }
0x123: {  	v5 =	vld [tilespmem:s6+$0x12080]  }
0x124: {  	v6 =	vld [tilespmem:s6+$0x12090]  }
0x125: {  	v3 =	vld.idx.msk [tilespmem:v3+s1+$0x0], $0xffff  }
0x126: {  	v4 =	vld.idx.msk [tilespmem:v4+s1+$0x0], $0xffff;
	_ =	sdelay $0x4  }
0x127: {  	v3 =	vsub.f32 v3, v5;
	v4 =	vsub.f32 v4, v6  }
0x128: {  	v1 =	vadd.f32 v2, v1  }
0x129: {  	v2 =	vmul.f32 v3, v3;
	v7 =	vmul.f32 v4, v4  }
0x12a: {  	v0 =	vadd.f32 v1, v0;
	v1 =	vadd.f32 v3, v5  }
0x12b: {  	v3 =	vadd.f32 v4, v6;
	v2 =	vadd.f32 v7, v2  }
0x12c: {  	s9 =	rddreg [dreg:$0xb];
	s5 =	simm.s32 $0x14080;
	[tilespmem:s6+$0x14080] =	vst v1  }
0x12d: {  	s8 =	sadd.s32 $0x0, s9;
	s7 =	simm.s32 $0x14180;
	[tilespmem:s6+$0x14090] =	vst v3;
	s6 =	simm.s32 $0x80;
	v0 =	vadd.f32 v2, v0  }
.LBB2_26:
0x12e: {  	[hbm4b:s8+s1] =	stream.linear.scatter [tilespmem:s5], [sflag:$0x4], $0x80, $0x38;
	[tilespmem:$0x16080] =	vst v63  }
0x12f: {  	s8 =	smov.u32 s6;
	s5 =	smov.u32 s7;
	p0 =	sne.s32 s6, $0xF80  }
.Ltmp12:
0x130: {  	s6 =	sadd.s32 $0x80, s6;
	(pc) =	sbr.rel @p0 .LBB2_26-.Ltmp12, $2  }
0x131: {  	_ =	sdelay $0x2  }
0x132: {  	s7 =	sadd.s32 $0x100, s7;
	s8 =	sadd.s32 s8, s9  }
0x133: {  	[hbm4b:s8+s1] =	stream.linear.scatter [tilespmem:s5], [sflag:$0x4], $0x80, $0x38;
	[tilespmem:$0x16080] =	vst v63  }
0x134: {  	s13 =	simm.s32 $0x1  }
0x135: {  	s5 =	simm.s32 $0x12080;
	_ =	swait.ge [sflag:s13], $0x1000  }
0x136: {  	s6 =	simm.s32 $0x80;
	[sflag:s13] =	ssyncset.done $0x0;
	s9 =	rddreg [dreg:$0xc]  }
0x137: {  	s7 =	simm.s32 $0x12180;
	[sflag:s13] =	ssyncadd.s32 $0xFFFFF000;
	s8 =	sadd.s32 $0x0, s9  }
.LBB2_28:
0x138: {  	[tilespmem:s5], [sflag:$0x2] =	stream.linear.gather [hbm4b:s8+s1], $0x80, $0x38;
	[tilespmem:$0x16080] =	vst v63  }
0x139: {  	s8 =	smov.u32 s6;
	s5 =	smov.u32 s7;
	p0 =	sne.s32 s6, $0xF80  }
.Ltmp13:
0x13a: {  	s6 =	sadd.s32 $0x80, s6;
	(pc) =	sbr.rel @p0 .LBB2_28-.Ltmp13, $2  }
0x13b: {  	_ =	sdelay $0x2  }
0x13c: {  	s7 =	sadd.s32 $0x100, s7;
	s8 =	sadd.s32 s8, s9  }
0x13d: {  	[tilespmem:s5], [sflag:$0x2] =	stream.linear.gather [hbm4b:s8+s1], $0x80, $0x38;
	[tilespmem:$0x16080] =	vst v63  }
0x13e: {  	s6 =	simm.s32 $0x3  }
0x13f: {  	_ =	swait.ge [sflag:s6], $0x1000  }
0x140: {  	s5 =	simm.s32 $0x0;
	[sflag:s6] =	ssyncset.done $0x0  }
0x141: {  	s11 =	sand.u32 $0xFE0, s5;
	[sflag:s6] =	ssyncadd.s32 $0xFFFFF000  }
0x142: {  	s7 =	simm.s32 $0x6010;
	v1 =	vld [tilespmem:s11+$0x6000]  }
0x143: {  	v2 =	vld [tilespmem:s7+$0x0];
	_ =	sdelay $0x2  }
0x144: {  	s12 =	sand.u32 $0x60, s5;
	s13 =	sand.u32 $0x1F00, s5  }
0x145: {  	s9 =	sor.u32 s12, s13  }
0x146: {  	v3 =	vld [tilespmem:s9+$0x12000]  }
0x147: {  	v4 =	vld [tilespmem:s9+$0x12010]  }
0x148: {  	v1 =	vld.idx.msk [tilespmem:v1+s1+$0x0], $0xffff  }
0x149: {  	v2 =	vld.idx.msk [tilespmem:v2+s1+$0x0], $0xffff;
	_ =	sdelay $0x3  }
0x14a: {  	v1 =	vsub.f32 v1, v3  }
0x14b: {  	v2 =	vsub.f32 v2, v4  }
0x14c: {  	s6 =	simm.s32 $0x20;
	v3 =	vadd.f32 v1, v3  }
0x14d: {  	s8 =	simm.s32 $0x40;
	s7 =	simm.s32 $0x6030;
	s10 =	sand.u32 $0xFE0, s6;
	v1 =	vmul.f32 v1, v1;
	v4 =	vadd.f32 v2, v4;
	v2 =	vmul.f32 v2, v2  }
.LBB2_30:
0x14e: {  	p0 =	sne.s32 s8, $0xFE0  }
0x14f: {  	[tilespmem:s9+$0x14000] =	vst v3;
	s5 =	sadd.s32 $0x40, s5;
	s11 =	smov.u32 s8;
	s8 =	sadd.s32 $0x20, s8  }
0x150: {  	[tilespmem:s9+$0x14010] =	vst v4;
	v1 =	vadd.f32 v2, v1  }
0x151: {  	v2 =	vld [tilespmem:s10+$0x6000]  }
0x152: {  	v3 =	vld [tilespmem:s7+$0x0];
	v0 =	vadd.f32 v1, v0;
	_ =	sdelay $0x2  }
0x153: {  	s9 =	sand.u32 $0x60, s6;
	s6 =	smov.u32 s11;
	s10 =	sand.u32 $0x1F00, s5  }
0x154: {  	s9 =	sor.u32 s9, s10  }
0x155: {  	v1 =	vld [tilespmem:s9+$0x12000];
	_ =	sdelay $0x1  }
0x156: {  	v2 =	vld.idx.msk [tilespmem:v2+s1+$0x0], $0xffff  }
0x157: {  	v3 =	vld.idx.msk [tilespmem:v3+s1+$0x0], $0xffff  }
0x158: {  	v4 =	vld [tilespmem:s9+$0x12010];
	_ =	sdelay $0x2  }
.Ltmp14:
0x159: {  	(pc) =	sbr.rel @p0 .LBB2_30-.Ltmp14, $4  }
0x15a: {  	v2 =	vsub.f32 v2, v1  }
0x15b: {  	v5 =	vsub.f32 v3, v4  }
0x15c: {  	s7 =	sadd.s32 $0x20, s7;
	v3 =	vadd.f32 v2, v1;
	v1 =	vmul.f32 v2, v2  }
0x15d: {  	s10 =	sand.u32 $0xFE0, s6;
	v4 =	vadd.f32 v5, v4;
	v2 =	vmul.f32 v5, v5  }
0x15e: {  	[tilespmem:s9+$0x14000] =	vst v3  }
0x15f: {  	[tilespmem:s9+$0x14010] =	vst v4  }
0x160: {  	v3 =	vld [tilespmem:s10+$0x6000]  }
0x161: {  	v4 =	vld [tilespmem:s7+$0x0];
	_ =	sdelay $0x1  }
0x162: {  	s5 =	sadd.s32 $0x40, s5  }
0x163: {  	s6 =	sand.u32 $0x60, s6;
	s5 =	sand.u32 $0x1F00, s5  }
0x164: {  	s6 =	sor.u32 s6, s5  }
0x165: {  	v5 =	vld [tilespmem:s6+$0x12000]  }
0x166: {  	v6 =	vld [tilespmem:s6+$0x12010]  }
0x167: {  	v3 =	vld.idx.msk [tilespmem:v3+s1+$0x0], $0xffff  }
0x168: {  	v4 =	vld.idx.msk [tilespmem:v4+s1+$0x0], $0xffff;
	_ =	sdelay $0x4  }
0x169: {  	v3 =	vsub.f32 v3, v5;
	v4 =	vsub.f32 v4, v6  }
0x16a: {  	v1 =	vadd.f32 v2, v1  }
0x16b: {  	v2 =	vmul.f32 v3, v3;
	v7 =	vmul.f32 v4, v4  }
0x16c: {  	v0 =	vadd.f32 v1, v0;
	v1 =	vadd.f32 v3, v5  }
0x16d: {  	v3 =	vadd.f32 v4, v6;
	v2 =	vadd.f32 v7, v2  }
0x16e: {  	s9 =	rddreg [dreg:$0xd];
	s5 =	simm.s32 $0x14000;
	[tilespmem:s6+$0x14000] =	vst v1  }
0x16f: {  	s8 =	sadd.s32 $0x0, s9;
	s7 =	simm.s32 $0x14100;
	[tilespmem:s6+$0x14010] =	vst v3;
	s6 =	simm.s32 $0x80;
	v0 =	vadd.f32 v2, v0  }
.LBB2_32:
0x170: {  	[hbm4b:s8+s1] =	stream.linear.scatter [tilespmem:s5], [sflag:$0x3], $0x80, $0x38;
	[tilespmem:$0x16080] =	vst v63  }
0x171: {  	s8 =	smov.u32 s6;
	s5 =	smov.u32 s7;
	p0 =	sne.s32 s6, $0xF80  }
.Ltmp15:
0x172: {  	s6 =	sadd.s32 $0x80, s6;
	(pc) =	sbr.rel @p0 .LBB2_32-.Ltmp15, $2  }
0x173: {  	_ =	sdelay $0x2  }
0x174: {  	s7 =	sadd.s32 $0x100, s7;
	s8 =	sadd.s32 s8, s9  }
0x175: {  	[hbm4b:s8+s1] =	stream.linear.scatter [tilespmem:s5], [sflag:$0x3], $0x80, $0x38;
	[tilespmem:$0x16080] =	vst v63  }
0x176: {  	s13 =	simm.s32 $0x2  }
0x177: {  	s5 =	simm.s32 $0x12000;
	_ =	swait.ge [sflag:s13], $0x1000  }
0x178: {  	s6 =	simm.s32 $0x80;
	[sflag:s13] =	ssyncset.done $0x0;
	s9 =	rddreg [dreg:$0xe]  }
0x179: {  	s7 =	simm.s32 $0x12100;
	[sflag:s13] =	ssyncadd.s32 $0xFFFFF000;
	s8 =	sadd.s32 $0x0, s9  }
.LBB2_34:
0x17a: {  	[tilespmem:s5], [sflag:$0x1] =	stream.linear.gather [hbm4b:s8+s1], $0x80, $0x38;
	[tilespmem:$0x16080] =	vst v63  }
0x17b: {  	s8 =	smov.u32 s6;
	s5 =	smov.u32 s7;
	p0 =	sne.s32 s6, $0xF80  }
.Ltmp16:
0x17c: {  	s6 =	sadd.s32 $0x80, s6;
	(pc) =	sbr.rel @p0 .LBB2_34-.Ltmp16, $2  }
0x17d: {  	_ =	sdelay $0x2  }
0x17e: {  	s7 =	sadd.s32 $0x100, s7;
	s8 =	sadd.s32 s8, s9  }
0x17f: {  	[tilespmem:s5], [sflag:$0x1] =	stream.linear.gather [hbm4b:s8+s1], $0x80, $0x38;
	[tilespmem:$0x16080] =	vst v63  }
0x180: {  	s6 =	simm.s32 $0x4  }
0x181: {  	_ =	swait.ge [sflag:s6], $0x1000  }
0x182: {  	s5 =	simm.s32 $0x0;
	[sflag:s6] =	ssyncset.done $0x0  }
0x183: {  	s11 =	sand.u32 $0xFE0, s5;
	[sflag:s6] =	ssyncadd.s32 $0xFFFFF000  }
0x184: {  	s7 =	simm.s32 $0x7010;
	v1 =	vld [tilespmem:s11+$0x7000]  }
0x185: {  	v2 =	vld [tilespmem:s7+$0x0];
	_ =	sdelay $0x2  }
0x186: {  	s12 =	sand.u32 $0x60, s5;
	s13 =	sand.u32 $0x1F00, s5  }
0x187: {  	s9 =	sor.u32 s12, s13  }
0x188: {  	v3 =	vld [tilespmem:s9+$0x12080]  }
0x189: {  	v4 =	vld [tilespmem:s9+$0x12090]  }
0x18a: {  	v1 =	vld.idx.msk [tilespmem:v1+s1+$0x0], $0xffff  }
0x18b: {  	v2 =	vld.idx.msk [tilespmem:v2+s1+$0x0], $0xffff;
	_ =	sdelay $0x3  }
0x18c: {  	v1 =	vsub.f32 v1, v3  }
0x18d: {  	v2 =	vsub.f32 v2, v4  }
0x18e: {  	s6 =	simm.s32 $0x20;
	v3 =	vadd.f32 v1, v3  }
0x18f: {  	s8 =	simm.s32 $0x40;
	s7 =	simm.s32 $0x7030;
	s10 =	sand.u32 $0xFE0, s6;
	v1 =	vmul.f32 v1, v1;
	v4 =	vadd.f32 v2, v4;
	v2 =	vmul.f32 v2, v2  }
.LBB2_36:
0x190: {  	p0 =	sne.s32 s8, $0xFE0  }
0x191: {  	[tilespmem:s9+$0x14080] =	vst v3;
	s5 =	sadd.s32 $0x40, s5;
	s11 =	smov.u32 s8;
	s8 =	sadd.s32 $0x20, s8  }
0x192: {  	[tilespmem:s9+$0x14090] =	vst v4;
	v1 =	vadd.f32 v2, v1  }
0x193: {  	v2 =	vld [tilespmem:s10+$0x7000]  }
0x194: {  	v3 =	vld [tilespmem:s7+$0x0];
	v0 =	vadd.f32 v1, v0;
	_ =	sdelay $0x2  }
0x195: {  	s9 =	sand.u32 $0x60, s6;
	s6 =	smov.u32 s11;
	s10 =	sand.u32 $0x1F00, s5  }
0x196: {  	s9 =	sor.u32 s9, s10  }
0x197: {  	v1 =	vld [tilespmem:s9+$0x12080];
	_ =	sdelay $0x1  }
0x198: {  	v2 =	vld.idx.msk [tilespmem:v2+s1+$0x0], $0xffff  }
0x199: {  	v3 =	vld.idx.msk [tilespmem:v3+s1+$0x0], $0xffff  }
0x19a: {  	v4 =	vld [tilespmem:s9+$0x12090];
	_ =	sdelay $0x2  }
.Ltmp17:
0x19b: {  	(pc) =	sbr.rel @p0 .LBB2_36-.Ltmp17, $4  }
0x19c: {  	v2 =	vsub.f32 v2, v1  }
0x19d: {  	v5 =	vsub.f32 v3, v4  }
0x19e: {  	s7 =	sadd.s32 $0x20, s7;
	v3 =	vadd.f32 v2, v1;
	v1 =	vmul.f32 v2, v2  }
0x19f: {  	s10 =	sand.u32 $0xFE0, s6;
	v4 =	vadd.f32 v5, v4;
	v2 =	vmul.f32 v5, v5  }
0x1a0: {  	[tilespmem:s9+$0x14080] =	vst v3  }
0x1a1: {  	[tilespmem:s9+$0x14090] =	vst v4  }
0x1a2: {  	v3 =	vld [tilespmem:s10+$0x7000]  }
0x1a3: {  	v4 =	vld [tilespmem:s7+$0x0];
	_ =	sdelay $0x1  }
0x1a4: {  	s5 =	sadd.s32 $0x40, s5  }
0x1a5: {  	s6 =	sand.u32 $0x60, s6;
	s5 =	sand.u32 $0x1F00, s5  }
0x1a6: {  	s6 =	sor.u32 s6, s5  }
0x1a7: {  	v5 =	vld [tilespmem:s6+$0x12080]  }
0x1a8: {  	v6 =	vld [tilespmem:s6+$0x12090]  }
0x1a9: {  	v3 =	vld.idx.msk [tilespmem:v3+s1+$0x0], $0xffff  }
0x1aa: {  	v4 =	vld.idx.msk [tilespmem:v4+s1+$0x0], $0xffff;
	_ =	sdelay $0x4  }
0x1ab: {  	v3 =	vsub.f32 v3, v5;
	v4 =	vsub.f32 v4, v6  }
0x1ac: {  	v1 =	vadd.f32 v2, v1  }
0x1ad: {  	v2 =	vmul.f32 v3, v3;
	v7 =	vmul.f32 v4, v4  }
0x1ae: {  	v0 =	vadd.f32 v1, v0;
	v1 =	vadd.f32 v3, v5  }
0x1af: {  	v3 =	vadd.f32 v4, v6;
	v2 =	vadd.f32 v7, v2  }
0x1b0: {  	s9 =	rddreg [dreg:$0xf];
	s5 =	simm.s32 $0x14080;
	[tilespmem:s6+$0x14080] =	vst v1  }
0x1b1: {  	s8 =	sadd.s32 $0x0, s9;
	s7 =	simm.s32 $0x14180;
	[tilespmem:s6+$0x14090] =	vst v3;
	s6 =	simm.s32 $0x80;
	v0 =	vadd.f32 v2, v0  }
.LBB2_38:
0x1b2: {  	[hbm4b:s8+s1] =	stream.linear.scatter [tilespmem:s5], [sflag:$0x4], $0x80, $0x38;
	[tilespmem:$0x16080] =	vst v63  }
0x1b3: {  	s8 =	smov.u32 s6;
	s5 =	smov.u32 s7;
	p0 =	sne.s32 s6, $0xF80  }
.Ltmp18:
0x1b4: {  	s6 =	sadd.s32 $0x80, s6;
	(pc) =	sbr.rel @p0 .LBB2_38-.Ltmp18, $2  }
0x1b5: {  	_ =	sdelay $0x2  }
0x1b6: {  	s7 =	sadd.s32 $0x100, s7;
	s8 =	sadd.s32 s8, s9  }
0x1b7: {  	[hbm4b:s8+s1] =	stream.linear.scatter [tilespmem:s5], [sflag:$0x4], $0x80, $0x38;
	[tilespmem:$0x16080] =	vst v63  }
0x1b8: {  	s13 =	simm.s32 $0x1  }
0x1b9: {  	_ =	swait.ge [sflag:s13], $0x1000  }
0x1ba: {  	s5 =	simm.s32 $0x12080;
	s6 =	simm.s32 $0x80;
	[sflag:s13] =	ssyncset.done $0x0  }
0x1bb: {  	s8 =	sadd.s32 $0x0, s14;
	s7 =	simm.s32 $0x12180;
	[sflag:s13] =	ssyncadd.s32 $0xFFFFF000  }
.LBB2_40:
0x1bc: {  	[tilespmem:s5], [sflag:$0x2] =	stream.linear.gather [hbm4b:s8+s1], $0x80, $0x38;
	[tilespmem:$0x16080] =	vst v63  }
0x1bd: {  	s8 =	smov.u32 s6;
	s5 =	smov.u32 s7;
	p0 =	sne.s32 s6, $0xF80  }
.Ltmp19:
0x1be: {  	s6 =	sadd.s32 $0x80, s6;
	(pc) =	sbr.rel @p0 .LBB2_40-.Ltmp19, $2  }
0x1bf: {  	_ =	sdelay $0x2  }
0x1c0: {  	s7 =	sadd.s32 $0x100, s7;
	s8 =	sadd.s32 s8, s14  }
0x1c1: {  	[tilespmem:s5], [sflag:$0x2] =	stream.linear.gather [hbm4b:s8+s1], $0x80, $0x38;
	[tilespmem:$0x16080] =	vst v63  }
0x1c2: {  	s6 =	simm.s32 $0x3  }
0x1c3: {  	_ =	swait.ge [sflag:s6], $0x1000  }
0x1c4: {  	s5 =	simm.s32 $0x0;
	[sflag:s6] =	ssyncset.done $0x0  }
0x1c5: {  	s11 =	sand.u32 $0xFE0, s5;
	[sflag:s6] =	ssyncadd.s32 $0xFFFFF000  }
0x1c6: {  	s7 =	simm.s32 $0x8010;
	v1 =	vld [tilespmem:s11+$0x8000]  }
0x1c7: {  	v2 =	vld [tilespmem:s7+$0x0];
	_ =	sdelay $0x2  }
0x1c8: {  	s12 =	sand.u32 $0x60, s5;
	s13 =	sand.u32 $0x1F00, s5  }
0x1c9: {  	s9 =	sor.u32 s12, s13  }
0x1ca: {  	v3 =	vld [tilespmem:s9+$0x12000]  }
0x1cb: {  	v4 =	vld [tilespmem:s9+$0x12010]  }
0x1cc: {  	v1 =	vld.idx.msk [tilespmem:v1+s1+$0x0], $0xffff  }
0x1cd: {  	v2 =	vld.idx.msk [tilespmem:v2+s1+$0x0], $0xffff;
	_ =	sdelay $0x3  }
0x1ce: {  	v1 =	vsub.f32 v1, v3  }
0x1cf: {  	v2 =	vsub.f32 v2, v4  }
0x1d0: {  	s6 =	simm.s32 $0x20;
	v3 =	vadd.f32 v1, v3  }
0x1d1: {  	s8 =	simm.s32 $0x40;
	s7 =	simm.s32 $0x8030;
	s10 =	sand.u32 $0xFE0, s6;
	v1 =	vmul.f32 v1, v1;
	v4 =	vadd.f32 v2, v4;
	v2 =	vmul.f32 v2, v2  }
.LBB2_42:
0x1d2: {  	p0 =	sne.s32 s8, $0xFE0  }
0x1d3: {  	[tilespmem:s9+$0x14000] =	vst v3;
	s5 =	sadd.s32 $0x40, s5;
	s11 =	smov.u32 s8;
	s8 =	sadd.s32 $0x20, s8  }
0x1d4: {  	[tilespmem:s9+$0x14010] =	vst v4;
	v1 =	vadd.f32 v2, v1  }
0x1d5: {  	v2 =	vld [tilespmem:s10+$0x8000]  }
0x1d6: {  	v3 =	vld [tilespmem:s7+$0x0];
	v0 =	vadd.f32 v1, v0;
	_ =	sdelay $0x2  }
0x1d7: {  	s9 =	sand.u32 $0x60, s6;
	s6 =	smov.u32 s11;
	s10 =	sand.u32 $0x1F00, s5  }
0x1d8: {  	s9 =	sor.u32 s9, s10  }
0x1d9: {  	v1 =	vld [tilespmem:s9+$0x12000];
	_ =	sdelay $0x1  }
0x1da: {  	v2 =	vld.idx.msk [tilespmem:v2+s1+$0x0], $0xffff  }
0x1db: {  	v3 =	vld.idx.msk [tilespmem:v3+s1+$0x0], $0xffff  }
0x1dc: {  	v4 =	vld [tilespmem:s9+$0x12010];
	_ =	sdelay $0x2  }
.Ltmp20:
0x1dd: {  	(pc) =	sbr.rel @p0 .LBB2_42-.Ltmp20, $4  }
0x1de: {  	v2 =	vsub.f32 v2, v1  }
0x1df: {  	v5 =	vsub.f32 v3, v4  }
0x1e0: {  	s7 =	sadd.s32 $0x20, s7;
	v3 =	vadd.f32 v2, v1;
	v1 =	vmul.f32 v2, v2  }
0x1e1: {  	s10 =	sand.u32 $0xFE0, s6;
	v4 =	vadd.f32 v5, v4;
	v2 =	vmul.f32 v5, v5  }
0x1e2: {  	[tilespmem:s9+$0x14000] =	vst v3  }
0x1e3: {  	[tilespmem:s9+$0x14010] =	vst v4  }
0x1e4: {  	v3 =	vld [tilespmem:s10+$0x8000]  }
0x1e5: {  	v4 =	vld [tilespmem:s7+$0x0];
	_ =	sdelay $0x1  }
0x1e6: {  	s5 =	sadd.s32 $0x40, s5  }
0x1e7: {  	s6 =	sand.u32 $0x60, s6;
	s5 =	sand.u32 $0x1F00, s5  }
0x1e8: {  	s6 =	sor.u32 s6, s5  }
0x1e9: {  	v5 =	vld [tilespmem:s6+$0x12000]  }
0x1ea: {  	v6 =	vld [tilespmem:s6+$0x12010]  }
0x1eb: {  	v3 =	vld.idx.msk [tilespmem:v3+s1+$0x0], $0xffff  }
0x1ec: {  	v4 =	vld.idx.msk [tilespmem:v4+s1+$0x0], $0xffff;
	_ =	sdelay $0x4  }
0x1ed: {  	v3 =	vsub.f32 v3, v5;
	v4 =	vsub.f32 v4, v6  }
0x1ee: {  	v1 =	vadd.f32 v2, v1  }
0x1ef: {  	v2 =	vmul.f32 v3, v3;
	v7 =	vmul.f32 v4, v4  }
0x1f0: {  	v0 =	vadd.f32 v1, v0;
	v1 =	vadd.f32 v3, v5  }
0x1f1: {  	v3 =	vadd.f32 v4, v6;
	v2 =	vadd.f32 v7, v2  }
0x1f2: {  	s8 =	sadd.s32 $0x0, s15;
	[tilespmem:s6+$0x14000] =	vst v1  }
0x1f3: {  	s5 =	simm.s32 $0x14000;
	s7 =	simm.s32 $0x14100;
	[tilespmem:s6+$0x14010] =	vst v3;
	s6 =	simm.s32 $0x80;
	v0 =	vadd.f32 v2, v0  }
.LBB2_44:
0x1f4: {  	[hbm4b:s8+s1] =	stream.linear.scatter [tilespmem:s5], [sflag:$0x3], $0x80, $0x38;
	[tilespmem:$0x16080] =	vst v63  }
0x1f5: {  	s8 =	smov.u32 s6;
	s5 =	smov.u32 s7;
	p0 =	sne.s32 s6, $0xF80  }
.Ltmp21:
0x1f6: {  	s6 =	sadd.s32 $0x80, s6;
	(pc) =	sbr.rel @p0 .LBB2_44-.Ltmp21, $2  }
0x1f7: {  	_ =	sdelay $0x2  }
0x1f8: {  	s7 =	sadd.s32 $0x100, s7;
	s8 =	sadd.s32 s8, s15  }
0x1f9: {  	[hbm4b:s8+s1] =	stream.linear.scatter [tilespmem:s5], [sflag:$0x3], $0x80, $0x38;
	[tilespmem:$0x16080] =	vst v63  }
0x1fa: {  	s13 =	simm.s32 $0x2  }
0x1fb: {  	_ =	swait.ge [sflag:s13], $0x1000  }
0x1fc: {  	s5 =	simm.s32 $0x12000;
	s6 =	simm.s32 $0x80;
	[sflag:s13] =	ssyncset.done $0x0  }
0x1fd: {  	s8 =	sadd.s32 $0x0, s16;
	s7 =	simm.s32 $0x12100;
	[sflag:s13] =	ssyncadd.s32 $0xFFFFF000  }
.LBB2_46:
0x1fe: {  	[tilespmem:s5], [sflag:$0x1] =	stream.linear.gather [hbm4b:s8+s1], $0x80, $0x38;
	[tilespmem:$0x16080] =	vst v63  }
0x1ff: {  	s8 =	smov.u32 s6;
	s5 =	smov.u32 s7;
	p0 =	sne.s32 s6, $0xF80  }
.Ltmp22:
0x200: {  	s6 =	sadd.s32 $0x80, s6;
	(pc) =	sbr.rel @p0 .LBB2_46-.Ltmp22, $2  }
0x201: {  	_ =	sdelay $0x2  }
0x202: {  	s7 =	sadd.s32 $0x100, s7;
	s8 =	sadd.s32 s8, s16  }
0x203: {  	[tilespmem:s5], [sflag:$0x1] =	stream.linear.gather [hbm4b:s8+s1], $0x80, $0x38;
	[tilespmem:$0x16080] =	vst v63  }
0x204: {  	s6 =	simm.s32 $0x4  }
0x205: {  	_ =	swait.ge [sflag:s6], $0x1000  }
0x206: {  	s5 =	simm.s32 $0x0;
	[sflag:s6] =	ssyncset.done $0x0  }
0x207: {  	s11 =	sand.u32 $0xFE0, s5;
	[sflag:s6] =	ssyncadd.s32 $0xFFFFF000  }
0x208: {  	s7 =	simm.s32 $0x9010;
	v1 =	vld [tilespmem:s11+$0x9000]  }
0x209: {  	v2 =	vld [tilespmem:s7+$0x0];
	_ =	sdelay $0x2  }
0x20a: {  	s12 =	sand.u32 $0x60, s5;
	s13 =	sand.u32 $0x1F00, s5  }
0x20b: {  	s9 =	sor.u32 s12, s13  }
0x20c: {  	v3 =	vld [tilespmem:s9+$0x12080]  }
0x20d: {  	v4 =	vld [tilespmem:s9+$0x12090]  }
0x20e: {  	v1 =	vld.idx.msk [tilespmem:v1+s1+$0x0], $0xffff  }
0x20f: {  	v2 =	vld.idx.msk [tilespmem:v2+s1+$0x0], $0xffff;
	_ =	sdelay $0x3  }
0x210: {  	v1 =	vsub.f32 v1, v3  }
0x211: {  	v2 =	vsub.f32 v2, v4  }
0x212: {  	s6 =	simm.s32 $0x20;
	v3 =	vadd.f32 v1, v3  }
0x213: {  	s8 =	simm.s32 $0x40;
	s7 =	simm.s32 $0x9030;
	s10 =	sand.u32 $0xFE0, s6;
	v1 =	vmul.f32 v1, v1;
	v4 =	vadd.f32 v2, v4;
	v2 =	vmul.f32 v2, v2  }
.LBB2_48:
0x214: {  	p0 =	sne.s32 s8, $0xFE0  }
0x215: {  	[tilespmem:s9+$0x14080] =	vst v3;
	s5 =	sadd.s32 $0x40, s5;
	s11 =	smov.u32 s8;
	s8 =	sadd.s32 $0x20, s8  }
0x216: {  	[tilespmem:s9+$0x14090] =	vst v4;
	v1 =	vadd.f32 v2, v1  }
0x217: {  	v2 =	vld [tilespmem:s10+$0x9000]  }
0x218: {  	v3 =	vld [tilespmem:s7+$0x0];
	v0 =	vadd.f32 v1, v0;
	_ =	sdelay $0x2  }
0x219: {  	s9 =	sand.u32 $0x60, s6;
	s6 =	smov.u32 s11;
	s10 =	sand.u32 $0x1F00, s5  }
0x21a: {  	s9 =	sor.u32 s9, s10  }
0x21b: {  	v1 =	vld [tilespmem:s9+$0x12080];
	_ =	sdelay $0x1  }
0x21c: {  	v2 =	vld.idx.msk [tilespmem:v2+s1+$0x0], $0xffff  }
0x21d: {  	v3 =	vld.idx.msk [tilespmem:v3+s1+$0x0], $0xffff  }
0x21e: {  	v4 =	vld [tilespmem:s9+$0x12090];
	_ =	sdelay $0x2  }
.Ltmp23:
0x21f: {  	(pc) =	sbr.rel @p0 .LBB2_48-.Ltmp23, $4  }
0x220: {  	v2 =	vsub.f32 v2, v1  }
0x221: {  	v5 =	vsub.f32 v3, v4  }
0x222: {  	s7 =	sadd.s32 $0x20, s7;
	v3 =	vadd.f32 v2, v1;
	v1 =	vmul.f32 v2, v2  }
0x223: {  	s10 =	sand.u32 $0xFE0, s6;
	v4 =	vadd.f32 v5, v4;
	v2 =	vmul.f32 v5, v5  }
0x224: {  	[tilespmem:s9+$0x14080] =	vst v3  }
0x225: {  	[tilespmem:s9+$0x14090] =	vst v4  }
0x226: {  	v3 =	vld [tilespmem:s10+$0x9000]  }
0x227: {  	v4 =	vld [tilespmem:s7+$0x0];
	_ =	sdelay $0x1  }
0x228: {  	s5 =	sadd.s32 $0x40, s5  }
0x229: {  	s6 =	sand.u32 $0x60, s6;
	s5 =	sand.u32 $0x1F00, s5  }
0x22a: {  	s6 =	sor.u32 s6, s5  }
0x22b: {  	v5 =	vld [tilespmem:s6+$0x12080]  }
0x22c: {  	v6 =	vld [tilespmem:s6+$0x12090]  }
0x22d: {  	v3 =	vld.idx.msk [tilespmem:v3+s1+$0x0], $0xffff  }
0x22e: {  	v4 =	vld.idx.msk [tilespmem:v4+s1+$0x0], $0xffff;
	_ =	sdelay $0x4  }
0x22f: {  	v3 =	vsub.f32 v3, v5;
	v4 =	vsub.f32 v4, v6  }
0x230: {  	v1 =	vadd.f32 v2, v1  }
0x231: {  	v2 =	vmul.f32 v3, v3;
	v7 =	vmul.f32 v4, v4  }
0x232: {  	v0 =	vadd.f32 v1, v0;
	v1 =	vadd.f32 v3, v5  }
0x233: {  	v3 =	vadd.f32 v4, v6;
	v2 =	vadd.f32 v7, v2  }
0x234: {  	s8 =	sadd.s32 $0x0, s17;
	[tilespmem:s6+$0x14080] =	vst v1  }
0x235: {  	s5 =	simm.s32 $0x14080;
	s7 =	simm.s32 $0x14180;
	[tilespmem:s6+$0x14090] =	vst v3;
	s6 =	simm.s32 $0x80;
	v0 =	vadd.f32 v2, v0  }
.LBB2_50:
0x236: {  	[hbm4b:s8+s1] =	stream.linear.scatter [tilespmem:s5], [sflag:$0x4], $0x80, $0x38;
	[tilespmem:$0x16080] =	vst v63  }
0x237: {  	s8 =	smov.u32 s6;
	s5 =	smov.u32 s7;
	p0 =	sne.s32 s6, $0xF80  }
.Ltmp24:
0x238: {  	s6 =	sadd.s32 $0x80, s6;
	(pc) =	sbr.rel @p0 .LBB2_50-.Ltmp24, $2  }
0x239: {  	_ =	sdelay $0x2  }
0x23a: {  	s7 =	sadd.s32 $0x100, s7;
	s8 =	sadd.s32 s8, s17  }
0x23b: {  	[hbm4b:s8+s1] =	stream.linear.scatter [tilespmem:s5], [sflag:$0x4], $0x80, $0x38;
	[tilespmem:$0x16080] =	vst v63  }
0x23c: {  	s13 =	simm.s32 $0x1  }
0x23d: {  	_ =	swait.ge [sflag:s13], $0x1000  }
0x23e: {  	s5 =	simm.s32 $0x12080;
	s6 =	simm.s32 $0x80;
	[sflag:s13] =	ssyncset.done $0x0  }
0x23f: {  	s8 =	sadd.s32 $0x0, s19;
	s7 =	simm.s32 $0x12180;
	[sflag:s13] =	ssyncadd.s32 $0xFFFFF000  }
.LBB2_52:
0x240: {  	[tilespmem:s5], [sflag:$0x2] =	stream.linear.gather [hbm4b:s8+s1], $0x80, $0x38;
	[tilespmem:$0x16080] =	vst v63  }
0x241: {  	s8 =	smov.u32 s6;
	s5 =	smov.u32 s7;
	p0 =	sne.s32 s6, $0xF80  }
.Ltmp25:
0x242: {  	s6 =	sadd.s32 $0x80, s6;
	(pc) =	sbr.rel @p0 .LBB2_52-.Ltmp25, $2  }
0x243: {  	_ =	sdelay $0x2  }
0x244: {  	s7 =	sadd.s32 $0x100, s7;
	s8 =	sadd.s32 s8, s19  }
0x245: {  	[tilespmem:s5], [sflag:$0x2] =	stream.linear.gather [hbm4b:s8+s1], $0x80, $0x38;
	[tilespmem:$0x16080] =	vst v63  }
0x246: {  	s6 =	simm.s32 $0x3  }
0x247: {  	_ =	swait.ge [sflag:s6], $0x1000  }
0x248: {  	s5 =	simm.s32 $0x0;
	[sflag:s6] =	ssyncset.done $0x0  }
0x249: {  	s11 =	sand.u32 $0xFE0, s5;
	[sflag:s6] =	ssyncadd.s32 $0xFFFFF000  }
0x24a: {  	s7 =	simm.s32 $0xA010;
	v1 =	vld [tilespmem:s11+$0xA000]  }
0x24b: {  	v2 =	vld [tilespmem:s7+$0x0];
	_ =	sdelay $0x2  }
0x24c: {  	s12 =	sand.u32 $0x60, s5;
	s13 =	sand.u32 $0x1F00, s5  }
0x24d: {  	s9 =	sor.u32 s12, s13  }
0x24e: {  	v3 =	vld [tilespmem:s9+$0x12000]  }
0x24f: {  	v4 =	vld [tilespmem:s9+$0x12010]  }
0x250: {  	v1 =	vld.idx.msk [tilespmem:v1+s1+$0x0], $0xffff  }
0x251: {  	v2 =	vld.idx.msk [tilespmem:v2+s1+$0x0], $0xffff;
	_ =	sdelay $0x3  }
0x252: {  	v1 =	vsub.f32 v1, v3  }
0x253: {  	v2 =	vsub.f32 v2, v4  }
0x254: {  	s6 =	simm.s32 $0x20;
	v3 =	vadd.f32 v1, v3  }
0x255: {  	s8 =	simm.s32 $0x40;
	s7 =	simm.s32 $0xA030;
	s10 =	sand.u32 $0xFE0, s6;
	v1 =	vmul.f32 v1, v1;
	v4 =	vadd.f32 v2, v4;
	v2 =	vmul.f32 v2, v2  }
.LBB2_54:
0x256: {  	p0 =	sne.s32 s8, $0xFE0  }
0x257: {  	[tilespmem:s9+$0x14000] =	vst v3;
	s5 =	sadd.s32 $0x40, s5;
	s11 =	smov.u32 s8;
	s8 =	sadd.s32 $0x20, s8  }
0x258: {  	[tilespmem:s9+$0x14010] =	vst v4;
	v1 =	vadd.f32 v2, v1  }
0x259: {  	v2 =	vld [tilespmem:s10+$0xA000]  }
0x25a: {  	v3 =	vld [tilespmem:s7+$0x0];
	v0 =	vadd.f32 v1, v0;
	_ =	sdelay $0x2  }
0x25b: {  	s9 =	sand.u32 $0x60, s6;
	s6 =	smov.u32 s11;
	s10 =	sand.u32 $0x1F00, s5  }
0x25c: {  	s9 =	sor.u32 s9, s10  }
0x25d: {  	v1 =	vld [tilespmem:s9+$0x12000];
	_ =	sdelay $0x1  }
0x25e: {  	v2 =	vld.idx.msk [tilespmem:v2+s1+$0x0], $0xffff  }
0x25f: {  	v3 =	vld.idx.msk [tilespmem:v3+s1+$0x0], $0xffff  }
0x260: {  	v4 =	vld [tilespmem:s9+$0x12010];
	_ =	sdelay $0x2  }
.Ltmp26:
0x261: {  	(pc) =	sbr.rel @p0 .LBB2_54-.Ltmp26, $4  }
0x262: {  	v2 =	vsub.f32 v2, v1  }
0x263: {  	v5 =	vsub.f32 v3, v4  }
0x264: {  	s7 =	sadd.s32 $0x20, s7;
	v3 =	vadd.f32 v2, v1;
	v1 =	vmul.f32 v2, v2  }
0x265: {  	s10 =	sand.u32 $0xFE0, s6;
	v4 =	vadd.f32 v5, v4;
	v2 =	vmul.f32 v5, v5  }
0x266: {  	[tilespmem:s9+$0x14000] =	vst v3  }
0x267: {  	[tilespmem:s9+$0x14010] =	vst v4  }
0x268: {  	v3 =	vld [tilespmem:s10+$0xA000]  }
0x269: {  	v4 =	vld [tilespmem:s7+$0x0];
	_ =	sdelay $0x1  }
0x26a: {  	s5 =	sadd.s32 $0x40, s5  }
0x26b: {  	s6 =	sand.u32 $0x60, s6;
	s5 =	sand.u32 $0x1F00, s5  }
0x26c: {  	s6 =	sor.u32 s6, s5  }
0x26d: {  	v5 =	vld [tilespmem:s6+$0x12000]  }
0x26e: {  	v6 =	vld [tilespmem:s6+$0x12010]  }
0x26f: {  	v3 =	vld.idx.msk [tilespmem:v3+s1+$0x0], $0xffff  }
0x270: {  	v4 =	vld.idx.msk [tilespmem:v4+s1+$0x0], $0xffff;
	_ =	sdelay $0x4  }
0x271: {  	v3 =	vsub.f32 v3, v5;
	v4 =	vsub.f32 v4, v6  }
0x272: {  	v1 =	vadd.f32 v2, v1  }
0x273: {  	v2 =	vmul.f32 v3, v3;
	v7 =	vmul.f32 v4, v4  }
0x274: {  	v0 =	vadd.f32 v1, v0;
	v1 =	vadd.f32 v3, v5  }
0x275: {  	v3 =	vadd.f32 v4, v6;
	v2 =	vadd.f32 v7, v2  }
0x276: {  	s8 =	sadd.s32 $0x0, s18;
	[tilespmem:s6+$0x14000] =	vst v1  }
0x277: {  	s5 =	simm.s32 $0x14000;
	s7 =	simm.s32 $0x14100;
	[tilespmem:s6+$0x14010] =	vst v3;
	s6 =	simm.s32 $0x80;
	v0 =	vadd.f32 v2, v0  }
.LBB2_56:
0x278: {  	[hbm4b:s8+s1] =	stream.linear.scatter [tilespmem:s5], [sflag:$0x3], $0x80, $0x38;
	[tilespmem:$0x16080] =	vst v63  }
0x279: {  	s8 =	smov.u32 s6;
	s5 =	smov.u32 s7;
	p0 =	sne.s32 s6, $0xF80  }
.Ltmp27:
0x27a: {  	s6 =	sadd.s32 $0x80, s6;
	(pc) =	sbr.rel @p0 .LBB2_56-.Ltmp27, $2  }
0x27b: {  	_ =	sdelay $0x2  }
0x27c: {  	s7 =	sadd.s32 $0x100, s7;
	s8 =	sadd.s32 s8, s18  }
0x27d: {  	[hbm4b:s8+s1] =	stream.linear.scatter [tilespmem:s5], [sflag:$0x3], $0x80, $0x38;
	[tilespmem:$0x16080] =	vst v63  }
0x27e: {  	s13 =	simm.s32 $0x2  }
0x27f: {  	_ =	swait.ge [sflag:s13], $0x1000  }
0x280: {  	s5 =	simm.s32 $0x12000;
	s6 =	simm.s32 $0x80;
	[sflag:s13] =	ssyncset.done $0x0  }
0x281: {  	s8 =	sadd.s32 $0x0, s21;
	s7 =	simm.s32 $0x12100;
	[sflag:s13] =	ssyncadd.s32 $0xFFFFF000  }
.LBB2_58:
0x282: {  	[tilespmem:s5], [sflag:$0x1] =	stream.linear.gather [hbm4b:s8+s1], $0x80, $0x38;
	[tilespmem:$0x16080] =	vst v63  }
0x283: {  	s8 =	smov.u32 s6;
	s5 =	smov.u32 s7;
	p0 =	sne.s32 s6, $0xF80  }
.Ltmp28:
0x284: {  	s6 =	sadd.s32 $0x80, s6;
	(pc) =	sbr.rel @p0 .LBB2_58-.Ltmp28, $2  }
0x285: {  	_ =	sdelay $0x2  }
0x286: {  	s7 =	sadd.s32 $0x100, s7;
	s8 =	sadd.s32 s8, s21  }
0x287: {  	[tilespmem:s5], [sflag:$0x1] =	stream.linear.gather [hbm4b:s8+s1], $0x80, $0x38;
	[tilespmem:$0x16080] =	vst v63  }
0x288: {  	s6 =	simm.s32 $0x4  }
0x289: {  	_ =	swait.ge [sflag:s6], $0x1000  }
0x28a: {  	s5 =	simm.s32 $0x0;
	[sflag:s6] =	ssyncset.done $0x0  }
0x28b: {  	s11 =	sand.u32 $0xFE0, s5;
	[sflag:s6] =	ssyncadd.s32 $0xFFFFF000  }
0x28c: {  	s7 =	simm.s32 $0xB010;
	v1 =	vld [tilespmem:s11+$0xB000]  }
0x28d: {  	v2 =	vld [tilespmem:s7+$0x0];
	_ =	sdelay $0x2  }
0x28e: {  	s12 =	sand.u32 $0x60, s5;
	s13 =	sand.u32 $0x1F00, s5  }
0x28f: {  	s9 =	sor.u32 s12, s13  }
0x290: {  	v3 =	vld [tilespmem:s9+$0x12080]  }
0x291: {  	v4 =	vld [tilespmem:s9+$0x12090]  }
0x292: {  	v1 =	vld.idx.msk [tilespmem:v1+s1+$0x0], $0xffff  }
0x293: {  	v2 =	vld.idx.msk [tilespmem:v2+s1+$0x0], $0xffff;
	_ =	sdelay $0x3  }
0x294: {  	v1 =	vsub.f32 v1, v3  }
0x295: {  	v2 =	vsub.f32 v2, v4  }
0x296: {  	s6 =	simm.s32 $0x20;
	v3 =	vadd.f32 v1, v3  }
0x297: {  	s8 =	simm.s32 $0x40;
	s7 =	simm.s32 $0xB030;
	s10 =	sand.u32 $0xFE0, s6;
	v1 =	vmul.f32 v1, v1;
	v4 =	vadd.f32 v2, v4;
	v2 =	vmul.f32 v2, v2  }
.LBB2_60:
0x298: {  	p0 =	sne.s32 s8, $0xFE0  }
0x299: {  	[tilespmem:s9+$0x14080] =	vst v3;
	s5 =	sadd.s32 $0x40, s5;
	s11 =	smov.u32 s8;
	s8 =	sadd.s32 $0x20, s8  }
0x29a: {  	[tilespmem:s9+$0x14090] =	vst v4;
	v1 =	vadd.f32 v2, v1  }
0x29b: {  	v2 =	vld [tilespmem:s10+$0xB000]  }
0x29c: {  	v3 =	vld [tilespmem:s7+$0x0];
	v0 =	vadd.f32 v1, v0;
	_ =	sdelay $0x2  }
0x29d: {  	s9 =	sand.u32 $0x60, s6;
	s6 =	smov.u32 s11;
	s10 =	sand.u32 $0x1F00, s5  }
0x29e: {  	s9 =	sor.u32 s9, s10  }
0x29f: {  	v1 =	vld [tilespmem:s9+$0x12080];
	_ =	sdelay $0x1  }
0x2a0: {  	v2 =	vld.idx.msk [tilespmem:v2+s1+$0x0], $0xffff  }
0x2a1: {  	v3 =	vld.idx.msk [tilespmem:v3+s1+$0x0], $0xffff  }
0x2a2: {  	v4 =	vld [tilespmem:s9+$0x12090];
	_ =	sdelay $0x2  }
.Ltmp29:
0x2a3: {  	(pc) =	sbr.rel @p0 .LBB2_60-.Ltmp29, $4  }
0x2a4: {  	v2 =	vsub.f32 v2, v1  }
0x2a5: {  	v5 =	vsub.f32 v3, v4  }
0x2a6: {  	s7 =	sadd.s32 $0x20, s7;
	v3 =	vadd.f32 v2, v1;
	v1 =	vmul.f32 v2, v2  }
0x2a7: {  	s10 =	sand.u32 $0xFE0, s6;
	v4 =	vadd.f32 v5, v4;
	v2 =	vmul.f32 v5, v5  }
0x2a8: {  	[tilespmem:s9+$0x14080] =	vst v3  }
0x2a9: {  	[tilespmem:s9+$0x14090] =	vst v4  }
0x2aa: {  	v3 =	vld [tilespmem:s10+$0xB000]  }
0x2ab: {  	v4 =	vld [tilespmem:s7+$0x0];
	_ =	sdelay $0x1  }
0x2ac: {  	s5 =	sadd.s32 $0x40, s5  }
0x2ad: {  	s6 =	sand.u32 $0x60, s6;
	s5 =	sand.u32 $0x1F00, s5  }
0x2ae: {  	s6 =	sor.u32 s6, s5  }
0x2af: {  	v5 =	vld [tilespmem:s6+$0x12080]  }
0x2b0: {  	v6 =	vld [tilespmem:s6+$0x12090]  }
0x2b1: {  	v3 =	vld.idx.msk [tilespmem:v3+s1+$0x0], $0xffff  }
0x2b2: {  	v4 =	vld.idx.msk [tilespmem:v4+s1+$0x0], $0xffff;
	_ =	sdelay $0x4  }
0x2b3: {  	v3 =	vsub.f32 v3, v5;
	v4 =	vsub.f32 v4, v6  }
0x2b4: {  	v1 =	vadd.f32 v2, v1  }
0x2b5: {  	v2 =	vmul.f32 v3, v3;
	v7 =	vmul.f32 v4, v4  }
0x2b6: {  	v0 =	vadd.f32 v1, v0;
	v1 =	vadd.f32 v3, v5  }
0x2b7: {  	v3 =	vadd.f32 v4, v6;
	v2 =	vadd.f32 v7, v2  }
0x2b8: {  	s8 =	sadd.s32 $0x0, s20;
	[tilespmem:s6+$0x14080] =	vst v1  }
0x2b9: {  	s5 =	simm.s32 $0x14080;
	s7 =	simm.s32 $0x14180;
	[tilespmem:s6+$0x14090] =	vst v3;
	s6 =	simm.s32 $0x80;
	v0 =	vadd.f32 v2, v0  }
.LBB2_62:
0x2ba: {  	[hbm4b:s8+s1] =	stream.linear.scatter [tilespmem:s5], [sflag:$0x4], $0x80, $0x38;
	[tilespmem:$0x16080] =	vst v63  }
0x2bb: {  	s8 =	smov.u32 s6;
	s5 =	smov.u32 s7;
	p0 =	sne.s32 s6, $0xF80  }
.Ltmp30:
0x2bc: {  	s6 =	sadd.s32 $0x80, s6;
	(pc) =	sbr.rel @p0 .LBB2_62-.Ltmp30, $2  }
0x2bd: {  	_ =	sdelay $0x2  }
0x2be: {  	s7 =	sadd.s32 $0x100, s7;
	s8 =	sadd.s32 s8, s20  }
0x2bf: {  	[hbm4b:s8+s1] =	stream.linear.scatter [tilespmem:s5], [sflag:$0x4], $0x80, $0x38;
	[tilespmem:$0x16080] =	vst v63  }
0x2c0: {  	s13 =	simm.s32 $0x1  }
0x2c1: {  	_ =	swait.ge [sflag:s13], $0x1000  }
0x2c2: {  	s5 =	simm.s32 $0x12080;
	s6 =	simm.s32 $0x80;
	[sflag:s13] =	ssyncset.done $0x0  }
0x2c3: {  	s8 =	sadd.s32 $0x0, s23;
	s7 =	simm.s32 $0x12180;
	[sflag:s13] =	ssyncadd.s32 $0xFFFFF000  }
.LBB2_64:
0x2c4: {  	[tilespmem:s5], [sflag:$0x2] =	stream.linear.gather [hbm4b:s8+s1], $0x80, $0x38;
	[tilespmem:$0x16080] =	vst v63  }
0x2c5: {  	s8 =	smov.u32 s6;
	s5 =	smov.u32 s7;
	p0 =	sne.s32 s6, $0xF80  }
.Ltmp31:
0x2c6: {  	s6 =	sadd.s32 $0x80, s6;
	(pc) =	sbr.rel @p0 .LBB2_64-.Ltmp31, $2  }
0x2c7: {  	_ =	sdelay $0x2  }
0x2c8: {  	s7 =	sadd.s32 $0x100, s7;
	s8 =	sadd.s32 s8, s23  }
0x2c9: {  	[tilespmem:s5], [sflag:$0x2] =	stream.linear.gather [hbm4b:s8+s1], $0x80, $0x38;
	[tilespmem:$0x16080] =	vst v63  }
0x2ca: {  	s6 =	simm.s32 $0x3  }
0x2cb: {  	_ =	swait.ge [sflag:s6], $0x1000  }
0x2cc: {  	s5 =	simm.s32 $0x0;
	[sflag:s6] =	ssyncset.done $0x0  }
0x2cd: {  	s11 =	sand.u32 $0xFE0, s5;
	[sflag:s6] =	ssyncadd.s32 $0xFFFFF000  }
0x2ce: {  	s7 =	simm.s32 $0xC010;
	v1 =	vld [tilespmem:s11+$0xC000]  }
0x2cf: {  	v2 =	vld [tilespmem:s7+$0x0];
	_ =	sdelay $0x2  }
0x2d0: {  	s12 =	sand.u32 $0x60, s5;
	s13 =	sand.u32 $0x1F00, s5  }
0x2d1: {  	s9 =	sor.u32 s12, s13  }
0x2d2: {  	v3 =	vld [tilespmem:s9+$0x12000]  }
0x2d3: {  	v4 =	vld [tilespmem:s9+$0x12010]  }
0x2d4: {  	v1 =	vld.idx.msk [tilespmem:v1+s1+$0x0], $0xffff  }
0x2d5: {  	v2 =	vld.idx.msk [tilespmem:v2+s1+$0x0], $0xffff;
	_ =	sdelay $0x3  }
0x2d6: {  	v1 =	vsub.f32 v1, v3  }
0x2d7: {  	v2 =	vsub.f32 v2, v4  }
0x2d8: {  	s6 =	simm.s32 $0x20;
	v3 =	vadd.f32 v1, v3  }
0x2d9: {  	s8 =	simm.s32 $0x40;
	s7 =	simm.s32 $0xC030;
	s10 =	sand.u32 $0xFE0, s6;
	v1 =	vmul.f32 v1, v1;
	v4 =	vadd.f32 v2, v4;
	v2 =	vmul.f32 v2, v2  }
.LBB2_66:
0x2da: {  	p0 =	sne.s32 s8, $0xFE0  }
0x2db: {  	[tilespmem:s9+$0x14000] =	vst v3;
	s5 =	sadd.s32 $0x40, s5;
	s11 =	smov.u32 s8;
	s8 =	sadd.s32 $0x20, s8  }
0x2dc: {  	[tilespmem:s9+$0x14010] =	vst v4;
	v1 =	vadd.f32 v2, v1  }
0x2dd: {  	v2 =	vld [tilespmem:s10+$0xC000]  }
0x2de: {  	v3 =	vld [tilespmem:s7+$0x0];
	v0 =	vadd.f32 v1, v0;
	_ =	sdelay $0x2  }
0x2df: {  	s9 =	sand.u32 $0x60, s6;
	s6 =	smov.u32 s11;
	s10 =	sand.u32 $0x1F00, s5  }
0x2e0: {  	s9 =	sor.u32 s9, s10  }
0x2e1: {  	v1 =	vld [tilespmem:s9+$0x12000];
	_ =	sdelay $0x1  }
0x2e2: {  	v2 =	vld.idx.msk [tilespmem:v2+s1+$0x0], $0xffff  }
0x2e3: {  	v3 =	vld.idx.msk [tilespmem:v3+s1+$0x0], $0xffff  }
0x2e4: {  	v4 =	vld [tilespmem:s9+$0x12010];
	_ =	sdelay $0x2  }
.Ltmp32:
0x2e5: {  	(pc) =	sbr.rel @p0 .LBB2_66-.Ltmp32, $4  }
0x2e6: {  	v2 =	vsub.f32 v2, v1  }
0x2e7: {  	v5 =	vsub.f32 v3, v4  }
0x2e8: {  	s7 =	sadd.s32 $0x20, s7;
	v3 =	vadd.f32 v2, v1;
	v1 =	vmul.f32 v2, v2  }
0x2e9: {  	s10 =	sand.u32 $0xFE0, s6;
	v4 =	vadd.f32 v5, v4;
	v2 =	vmul.f32 v5, v5  }
0x2ea: {  	[tilespmem:s9+$0x14000] =	vst v3  }
0x2eb: {  	[tilespmem:s9+$0x14010] =	vst v4  }
0x2ec: {  	v3 =	vld [tilespmem:s10+$0xC000]  }
0x2ed: {  	v4 =	vld [tilespmem:s7+$0x0];
	_ =	sdelay $0x1  }
0x2ee: {  	s5 =	sadd.s32 $0x40, s5  }
0x2ef: {  	s6 =	sand.u32 $0x60, s6;
	s5 =	sand.u32 $0x1F00, s5  }
0x2f0: {  	s6 =	sor.u32 s6, s5  }
0x2f1: {  	v5 =	vld [tilespmem:s6+$0x12000]  }
0x2f2: {  	v6 =	vld [tilespmem:s6+$0x12010]  }
0x2f3: {  	v3 =	vld.idx.msk [tilespmem:v3+s1+$0x0], $0xffff  }
0x2f4: {  	v4 =	vld.idx.msk [tilespmem:v4+s1+$0x0], $0xffff;
	_ =	sdelay $0x4  }
0x2f5: {  	v3 =	vsub.f32 v3, v5;
	v4 =	vsub.f32 v4, v6  }
0x2f6: {  	v1 =	vadd.f32 v2, v1  }
0x2f7: {  	v2 =	vmul.f32 v3, v3;
	v7 =	vmul.f32 v4, v4  }
0x2f8: {  	v0 =	vadd.f32 v1, v0;
	v1 =	vadd.f32 v3, v5  }
0x2f9: {  	v3 =	vadd.f32 v4, v6;
	v2 =	vadd.f32 v7, v2  }
0x2fa: {  	s8 =	sadd.s32 $0x0, s22;
	[tilespmem:s6+$0x14000] =	vst v1  }
0x2fb: {  	s5 =	simm.s32 $0x14000;
	s7 =	simm.s32 $0x14100;
	[tilespmem:s6+$0x14010] =	vst v3;
	s6 =	simm.s32 $0x80;
	v0 =	vadd.f32 v2, v0  }
.LBB2_68:
0x2fc: {  	[hbm4b:s8+s1] =	stream.linear.scatter [tilespmem:s5], [sflag:$0x3], $0x80, $0x38;
	[tilespmem:$0x16080] =	vst v63  }
0x2fd: {  	s8 =	smov.u32 s6;
	s5 =	smov.u32 s7;
	p0 =	sne.s32 s6, $0xF80  }
.Ltmp33:
0x2fe: {  	s6 =	sadd.s32 $0x80, s6;
	(pc) =	sbr.rel @p0 .LBB2_68-.Ltmp33, $2  }
0x2ff: {  	_ =	sdelay $0x2  }
0x300: {  	s7 =	sadd.s32 $0x100, s7;
	s8 =	sadd.s32 s8, s22  }
0x301: {  	[hbm4b:s8+s1] =	stream.linear.scatter [tilespmem:s5], [sflag:$0x3], $0x80, $0x38;
	[tilespmem:$0x16080] =	vst v63  }
0x302: {  	s13 =	simm.s32 $0x2  }
0x303: {  	_ =	swait.ge [sflag:s13], $0x1000  }
0x304: {  	s5 =	simm.s32 $0x12000;
	s6 =	simm.s32 $0x80;
	[sflag:s13] =	ssyncset.done $0x0  }
0x305: {  	s8 =	sadd.s32 $0x0, s25;
	s7 =	simm.s32 $0x12100;
	[sflag:s13] =	ssyncadd.s32 $0xFFFFF000  }
.LBB2_70:
0x306: {  	[tilespmem:s5], [sflag:$0x1] =	stream.linear.gather [hbm4b:s8+s1], $0x80, $0x38;
	[tilespmem:$0x16080] =	vst v63  }
0x307: {  	s8 =	smov.u32 s6;
	s5 =	smov.u32 s7;
	p0 =	sne.s32 s6, $0xF80  }
.Ltmp34:
0x308: {  	s6 =	sadd.s32 $0x80, s6;
	(pc) =	sbr.rel @p0 .LBB2_70-.Ltmp34, $2  }
0x309: {  	_ =	sdelay $0x2  }
0x30a: {  	s7 =	sadd.s32 $0x100, s7;
	s8 =	sadd.s32 s8, s25  }
0x30b: {  	[tilespmem:s5], [sflag:$0x1] =	stream.linear.gather [hbm4b:s8+s1], $0x80, $0x38;
	[tilespmem:$0x16080] =	vst v63  }
0x30c: {  	s6 =	simm.s32 $0x4  }
0x30d: {  	_ =	swait.ge [sflag:s6], $0x1000  }
0x30e: {  	s5 =	simm.s32 $0x0;
	[sflag:s6] =	ssyncset.done $0x0  }
0x30f: {  	s11 =	sand.u32 $0xFE0, s5;
	[sflag:s6] =	ssyncadd.s32 $0xFFFFF000  }
0x310: {  	s7 =	simm.s32 $0xD010;
	v1 =	vld [tilespmem:s11+$0xD000]  }
0x311: {  	v2 =	vld [tilespmem:s7+$0x0];
	_ =	sdelay $0x2  }
0x312: {  	s12 =	sand.u32 $0x60, s5;
	s13 =	sand.u32 $0x1F00, s5  }
0x313: {  	s9 =	sor.u32 s12, s13  }
0x314: {  	v3 =	vld [tilespmem:s9+$0x12080]  }
0x315: {  	v4 =	vld [tilespmem:s9+$0x12090]  }
0x316: {  	v1 =	vld.idx.msk [tilespmem:v1+s1+$0x0], $0xffff  }
0x317: {  	v2 =	vld.idx.msk [tilespmem:v2+s1+$0x0], $0xffff;
	_ =	sdelay $0x3  }
0x318: {  	v1 =	vsub.f32 v1, v3  }
0x319: {  	v2 =	vsub.f32 v2, v4  }
0x31a: {  	s6 =	simm.s32 $0x20;
	v3 =	vadd.f32 v1, v3  }
0x31b: {  	s8 =	simm.s32 $0x40;
	s7 =	simm.s32 $0xD030;
	s10 =	sand.u32 $0xFE0, s6;
	v1 =	vmul.f32 v1, v1;
	v4 =	vadd.f32 v2, v4;
	v2 =	vmul.f32 v2, v2  }
.LBB2_72:
0x31c: {  	p0 =	sne.s32 s8, $0xFE0  }
0x31d: {  	[tilespmem:s9+$0x14080] =	vst v3;
	s5 =	sadd.s32 $0x40, s5;
	s11 =	smov.u32 s8;
	s8 =	sadd.s32 $0x20, s8  }
0x31e: {  	[tilespmem:s9+$0x14090] =	vst v4;
	v1 =	vadd.f32 v2, v1  }
0x31f: {  	v2 =	vld [tilespmem:s10+$0xD000]  }
0x320: {  	v3 =	vld [tilespmem:s7+$0x0];
	v0 =	vadd.f32 v1, v0;
	_ =	sdelay $0x2  }
0x321: {  	s9 =	sand.u32 $0x60, s6;
	s6 =	smov.u32 s11;
	s10 =	sand.u32 $0x1F00, s5  }
0x322: {  	s9 =	sor.u32 s9, s10  }
0x323: {  	v1 =	vld [tilespmem:s9+$0x12080];
	_ =	sdelay $0x1  }
0x324: {  	v2 =	vld.idx.msk [tilespmem:v2+s1+$0x0], $0xffff  }
0x325: {  	v3 =	vld.idx.msk [tilespmem:v3+s1+$0x0], $0xffff  }
0x326: {  	v4 =	vld [tilespmem:s9+$0x12090];
	_ =	sdelay $0x2  }
.Ltmp35:
0x327: {  	(pc) =	sbr.rel @p0 .LBB2_72-.Ltmp35, $4  }
0x328: {  	v2 =	vsub.f32 v2, v1  }
0x329: {  	v5 =	vsub.f32 v3, v4  }
0x32a: {  	s7 =	sadd.s32 $0x20, s7;
	v3 =	vadd.f32 v2, v1;
	v1 =	vmul.f32 v2, v2  }
0x32b: {  	s10 =	sand.u32 $0xFE0, s6;
	v4 =	vadd.f32 v5, v4;
	v2 =	vmul.f32 v5, v5  }
0x32c: {  	[tilespmem:s9+$0x14080] =	vst v3  }
0x32d: {  	[tilespmem:s9+$0x14090] =	vst v4  }
0x32e: {  	v3 =	vld [tilespmem:s10+$0xD000]  }
0x32f: {  	v4 =	vld [tilespmem:s7+$0x0];
	_ =	sdelay $0x1  }
0x330: {  	s5 =	sadd.s32 $0x40, s5  }
0x331: {  	s6 =	sand.u32 $0x60, s6;
	s5 =	sand.u32 $0x1F00, s5  }
0x332: {  	s6 =	sor.u32 s6, s5  }
0x333: {  	v5 =	vld [tilespmem:s6+$0x12080]  }
0x334: {  	v6 =	vld [tilespmem:s6+$0x12090]  }
0x335: {  	v3 =	vld.idx.msk [tilespmem:v3+s1+$0x0], $0xffff  }
0x336: {  	v4 =	vld.idx.msk [tilespmem:v4+s1+$0x0], $0xffff;
	_ =	sdelay $0x4  }
0x337: {  	v3 =	vsub.f32 v3, v5;
	v4 =	vsub.f32 v4, v6  }
0x338: {  	v1 =	vadd.f32 v2, v1  }
0x339: {  	v2 =	vmul.f32 v3, v3;
	v7 =	vmul.f32 v4, v4  }
0x33a: {  	v0 =	vadd.f32 v1, v0;
	v1 =	vadd.f32 v3, v5  }
0x33b: {  	v3 =	vadd.f32 v4, v6;
	v2 =	vadd.f32 v7, v2  }
0x33c: {  	s8 =	sadd.s32 $0x0, s24;
	[tilespmem:s6+$0x14080] =	vst v1  }
0x33d: {  	s5 =	simm.s32 $0x14080;
	s7 =	simm.s32 $0x14180;
	[tilespmem:s6+$0x14090] =	vst v3;
	s6 =	simm.s32 $0x80;
	v0 =	vadd.f32 v2, v0  }
.LBB2_74:
0x33e: {  	[hbm4b:s8+s1] =	stream.linear.scatter [tilespmem:s5], [sflag:$0x4], $0x80, $0x38;
	[tilespmem:$0x16080] =	vst v63  }
0x33f: {  	s8 =	smov.u32 s6;
	s5 =	smov.u32 s7;
	p0 =	sne.s32 s6, $0xF80  }
.Ltmp36:
0x340: {  	s6 =	sadd.s32 $0x80, s6;
	(pc) =	sbr.rel @p0 .LBB2_74-.Ltmp36, $2  }
0x341: {  	_ =	sdelay $0x2  }
0x342: {  	s7 =	sadd.s32 $0x100, s7;
	s8 =	sadd.s32 s8, s24  }
0x343: {  	[hbm4b:s8+s1] =	stream.linear.scatter [tilespmem:s5], [sflag:$0x4], $0x80, $0x38;
	[tilespmem:$0x16080] =	vst v63  }
0x344: {  	s13 =	simm.s32 $0x1  }
0x345: {  	_ =	swait.ge [sflag:s13], $0x1000  }
0x346: {  	s5 =	simm.s32 $0x12080;
	s6 =	simm.s32 $0x80;
	[sflag:s13] =	ssyncset.done $0x0  }
0x347: {  	s8 =	sadd.s32 $0x0, s31;
	s7 =	simm.s32 $0x12180;
	[sflag:s13] =	ssyncadd.s32 $0xFFFFF000  }
.LBB2_76:
0x348: {  	[tilespmem:s5], [sflag:$0x2] =	stream.linear.gather [hbm4b:s8+s1], $0x80, $0x38;
	[tilespmem:$0x16080] =	vst v63  }
0x349: {  	s8 =	smov.u32 s6;
	s5 =	smov.u32 s7;
	p0 =	sne.s32 s6, $0xF80  }
.Ltmp37:
0x34a: {  	s6 =	sadd.s32 $0x80, s6;
	(pc) =	sbr.rel @p0 .LBB2_76-.Ltmp37, $2  }
0x34b: {  	_ =	sdelay $0x2  }
0x34c: {  	s7 =	sadd.s32 $0x100, s7;
	s8 =	sadd.s32 s8, s31  }
0x34d: {  	[tilespmem:s5], [sflag:$0x2] =	stream.linear.gather [hbm4b:s8+s1], $0x80, $0x38;
	[tilespmem:$0x16080] =	vst v63  }
0x34e: {  	s6 =	simm.s32 $0x3  }
0x34f: {  	_ =	swait.ge [sflag:s6], $0x1000  }
0x350: {  	s5 =	simm.s32 $0x0;
	[sflag:s6] =	ssyncset.done $0x0  }
0x351: {  	s11 =	sand.u32 $0xFE0, s5;
	[sflag:s6] =	ssyncadd.s32 $0xFFFFF000  }
0x352: {  	s7 =	simm.s32 $0xE010;
	v1 =	vld [tilespmem:s11+$0xE000]  }
0x353: {  	v2 =	vld [tilespmem:s7+$0x0];
	_ =	sdelay $0x2  }
0x354: {  	s12 =	sand.u32 $0x60, s5;
	s13 =	sand.u32 $0x1F00, s5  }
0x355: {  	s9 =	sor.u32 s12, s13  }
0x356: {  	v3 =	vld [tilespmem:s9+$0x12000]  }
0x357: {  	v4 =	vld [tilespmem:s9+$0x12010]  }
0x358: {  	v1 =	vld.idx.msk [tilespmem:v1+s1+$0x0], $0xffff  }
0x359: {  	v2 =	vld.idx.msk [tilespmem:v2+s1+$0x0], $0xffff;
	_ =	sdelay $0x3  }
0x35a: {  	v1 =	vsub.f32 v1, v3  }
0x35b: {  	v2 =	vsub.f32 v2, v4  }
0x35c: {  	s6 =	simm.s32 $0x20;
	v3 =	vadd.f32 v1, v3  }
0x35d: {  	s8 =	simm.s32 $0x40;
	s7 =	simm.s32 $0xE030;
	s10 =	sand.u32 $0xFE0, s6;
	v1 =	vmul.f32 v1, v1;
	v4 =	vadd.f32 v2, v4;
	v2 =	vmul.f32 v2, v2  }
.LBB2_78:
0x35e: {  	p0 =	sne.s32 s8, $0xFE0  }
0x35f: {  	[tilespmem:s9+$0x14000] =	vst v3;
	s5 =	sadd.s32 $0x40, s5;
	s11 =	smov.u32 s8;
	s8 =	sadd.s32 $0x20, s8  }
0x360: {  	[tilespmem:s9+$0x14010] =	vst v4;
	v1 =	vadd.f32 v2, v1  }
0x361: {  	v2 =	vld [tilespmem:s10+$0xE000]  }
0x362: {  	v3 =	vld [tilespmem:s7+$0x0];
	v0 =	vadd.f32 v1, v0;
	_ =	sdelay $0x2  }
0x363: {  	s9 =	sand.u32 $0x60, s6;
	s6 =	smov.u32 s11;
	s10 =	sand.u32 $0x1F00, s5  }
0x364: {  	s9 =	sor.u32 s9, s10  }
0x365: {  	v1 =	vld [tilespmem:s9+$0x12000];
	_ =	sdelay $0x1  }
0x366: {  	v2 =	vld.idx.msk [tilespmem:v2+s1+$0x0], $0xffff  }
0x367: {  	v3 =	vld.idx.msk [tilespmem:v3+s1+$0x0], $0xffff  }
0x368: {  	v4 =	vld [tilespmem:s9+$0x12010];
	_ =	sdelay $0x2  }
.Ltmp38:
0x369: {  	(pc) =	sbr.rel @p0 .LBB2_78-.Ltmp38, $4  }
0x36a: {  	v2 =	vsub.f32 v2, v1  }
0x36b: {  	v5 =	vsub.f32 v3, v4  }
0x36c: {  	s7 =	sadd.s32 $0x20, s7;
	v3 =	vadd.f32 v2, v1;
	v1 =	vmul.f32 v2, v2  }
0x36d: {  	s10 =	sand.u32 $0xFE0, s6;
	v4 =	vadd.f32 v5, v4;
	v2 =	vmul.f32 v5, v5  }
0x36e: {  	[tilespmem:s9+$0x14000] =	vst v3  }
0x36f: {  	[tilespmem:s9+$0x14010] =	vst v4  }
0x370: {  	v3 =	vld [tilespmem:s10+$0xE000]  }
0x371: {  	v4 =	vld [tilespmem:s7+$0x0];
	_ =	sdelay $0x1  }
0x372: {  	s5 =	sadd.s32 $0x40, s5  }
0x373: {  	s6 =	sand.u32 $0x60, s6;
	s5 =	sand.u32 $0x1F00, s5  }
0x374: {  	s6 =	sor.u32 s6, s5  }
0x375: {  	v5 =	vld [tilespmem:s6+$0x12000]  }
0x376: {  	v6 =	vld [tilespmem:s6+$0x12010]  }
0x377: {  	v3 =	vld.idx.msk [tilespmem:v3+s1+$0x0], $0xffff  }
0x378: {  	v4 =	vld.idx.msk [tilespmem:v4+s1+$0x0], $0xffff;
	_ =	sdelay $0x4  }
0x379: {  	v3 =	vsub.f32 v3, v5;
	v4 =	vsub.f32 v4, v6  }
0x37a: {  	v1 =	vadd.f32 v2, v1  }
0x37b: {  	v2 =	vmul.f32 v3, v3;
	v7 =	vmul.f32 v4, v4  }
0x37c: {  	v0 =	vadd.f32 v1, v0;
	v1 =	vadd.f32 v3, v5  }
0x37d: {  	v3 =	vadd.f32 v4, v6;
	v2 =	vadd.f32 v7, v2  }
0x37e: {  	s8 =	sadd.s32 $0x0, s26;
	[tilespmem:s6+$0x14000] =	vst v1  }
0x37f: {  	s5 =	simm.s32 $0x14000;
	s7 =	simm.s32 $0x14100;
	[tilespmem:s6+$0x14010] =	vst v3;
	s6 =	simm.s32 $0x80;
	v0 =	vadd.f32 v2, v0  }
.LBB2_80:
0x380: {  	[hbm4b:s8+s1] =	stream.linear.scatter [tilespmem:s5], [sflag:$0x3], $0x80, $0x38;
	[tilespmem:$0x16080] =	vst v63  }
0x381: {  	s8 =	smov.u32 s6;
	s5 =	smov.u32 s7;
	p0 =	sne.s32 s6, $0xF80  }
.Ltmp39:
0x382: {  	s6 =	sadd.s32 $0x80, s6;
	(pc) =	sbr.rel @p0 .LBB2_80-.Ltmp39, $2  }
0x383: {  	_ =	sdelay $0x2  }
0x384: {  	s7 =	sadd.s32 $0x100, s7;
	s8 =	sadd.s32 s8, s26  }
0x385: {  	[hbm4b:s8+s1] =	stream.linear.scatter [tilespmem:s5], [sflag:$0x3], $0x80, $0x38;
	[tilespmem:$0x16080] =	vst v63  }
0x386: {  	s13 =	simm.s32 $0x2  }
0x387: {  	_ =	swait.ge [sflag:s13], $0x1000  }
0x388: {  	s5 =	simm.s32 $0x12000;
	s6 =	simm.s32 $0x80;
	[sflag:s13] =	ssyncset.done $0x0  }
0x389: {  	s8 =	sadd.s32 $0x0, s0;
	s7 =	simm.s32 $0x12100;
	[sflag:s13] =	ssyncadd.s32 $0xFFFFF000  }
.LBB2_82:
0x38a: {  	[tilespmem:s5], [sflag:$0x1] =	stream.linear.gather [hbm4b:s8+s1], $0x80, $0x38;
	[tilespmem:$0x16080] =	vst v63  }
0x38b: {  	s8 =	smov.u32 s6;
	s5 =	smov.u32 s7;
	p0 =	sne.s32 s6, $0xF80  }
.Ltmp40:
0x38c: {  	s6 =	sadd.s32 $0x80, s6;
	(pc) =	sbr.rel @p0 .LBB2_82-.Ltmp40, $2  }
0x38d: {  	_ =	sdelay $0x2  }
0x38e: {  	s7 =	sadd.s32 $0x100, s7;
	s8 =	sadd.s32 s8, s0  }
0x38f: {  	[tilespmem:s5], [sflag:$0x1] =	stream.linear.gather [hbm4b:s8+s1], $0x80, $0x38;
	[tilespmem:$0x16080] =	vst v63  }
0x390: {  	s6 =	simm.s32 $0x4  }
0x391: {  	_ =	swait.ge [sflag:s6], $0x1000  }
0x392: {  	s5 =	simm.s32 $0x0;
	[sflag:s6] =	ssyncset.done $0x0  }
0x393: {  	s11 =	sand.u32 $0xFE0, s5;
	[sflag:s6] =	ssyncadd.s32 $0xFFFFF000  }
0x394: {  	s7 =	simm.s32 $0xF010;
	v1 =	vld [tilespmem:s11+$0xF000]  }
0x395: {  	v2 =	vld [tilespmem:s7+$0x0];
	_ =	sdelay $0x2  }
0x396: {  	s12 =	sand.u32 $0x60, s5;
	s13 =	sand.u32 $0x1F00, s5  }
0x397: {  	s9 =	sor.u32 s12, s13  }
0x398: {  	v3 =	vld [tilespmem:s9+$0x12080]  }
0x399: {  	v4 =	vld [tilespmem:s9+$0x12090]  }
0x39a: {  	v1 =	vld.idx.msk [tilespmem:v1+s1+$0x0], $0xffff  }
0x39b: {  	v2 =	vld.idx.msk [tilespmem:v2+s1+$0x0], $0xffff;
	_ =	sdelay $0x3  }
0x39c: {  	v1 =	vsub.f32 v1, v3  }
0x39d: {  	v2 =	vsub.f32 v2, v4  }
0x39e: {  	s6 =	simm.s32 $0x20;
	v3 =	vadd.f32 v1, v3  }
0x39f: {  	s8 =	simm.s32 $0x40;
	s7 =	simm.s32 $0xF030;
	s10 =	sand.u32 $0xFE0, s6;
	v1 =	vmul.f32 v1, v1;
	v4 =	vadd.f32 v2, v4;
	v2 =	vmul.f32 v2, v2  }
.LBB2_84:
0x3a0: {  	p0 =	sne.s32 s8, $0xFE0  }
0x3a1: {  	[tilespmem:s9+$0x14080] =	vst v3;
	s5 =	sadd.s32 $0x40, s5;
	s11 =	smov.u32 s8;
	s8 =	sadd.s32 $0x20, s8  }
0x3a2: {  	[tilespmem:s9+$0x14090] =	vst v4;
	v1 =	vadd.f32 v2, v1  }
0x3a3: {  	v2 =	vld [tilespmem:s10+$0xF000]  }
0x3a4: {  	v3 =	vld [tilespmem:s7+$0x0];
	v0 =	vadd.f32 v1, v0;
	_ =	sdelay $0x2  }
0x3a5: {  	s9 =	sand.u32 $0x60, s6;
	s6 =	smov.u32 s11;
	s10 =	sand.u32 $0x1F00, s5  }
0x3a6: {  	s9 =	sor.u32 s9, s10  }
0x3a7: {  	v1 =	vld [tilespmem:s9+$0x12080];
	_ =	sdelay $0x1  }
0x3a8: {  	v2 =	vld.idx.msk [tilespmem:v2+s1+$0x0], $0xffff  }
0x3a9: {  	v3 =	vld.idx.msk [tilespmem:v3+s1+$0x0], $0xffff  }
0x3aa: {  	v4 =	vld [tilespmem:s9+$0x12090];
	_ =	sdelay $0x2  }
.Ltmp41:
0x3ab: {  	(pc) =	sbr.rel @p0 .LBB2_84-.Ltmp41, $4  }
0x3ac: {  	v2 =	vsub.f32 v2, v1  }
0x3ad: {  	v5 =	vsub.f32 v3, v4  }
0x3ae: {  	s7 =	sadd.s32 $0x20, s7;
	v3 =	vadd.f32 v2, v1;
	v1 =	vmul.f32 v2, v2  }
0x3af: {  	s10 =	sand.u32 $0xFE0, s6;
	v4 =	vadd.f32 v5, v4;
	v2 =	vmul.f32 v5, v5  }
0x3b0: {  	[tilespmem:s9+$0x14080] =	vst v3  }
0x3b1: {  	[tilespmem:s9+$0x14090] =	vst v4  }
0x3b2: {  	v3 =	vld [tilespmem:s10+$0xF000]  }
0x3b3: {  	v4 =	vld [tilespmem:s7+$0x0];
	_ =	sdelay $0x1  }
0x3b4: {  	s5 =	sadd.s32 $0x40, s5  }
0x3b5: {  	s6 =	sand.u32 $0x60, s6;
	s5 =	sand.u32 $0x1F00, s5  }
0x3b6: {  	s6 =	sor.u32 s6, s5  }
0x3b7: {  	v5 =	vld [tilespmem:s6+$0x12080]  }
0x3b8: {  	v6 =	vld [tilespmem:s6+$0x12090]  }
0x3b9: {  	v3 =	vld.idx.msk [tilespmem:v3+s1+$0x0], $0xffff  }
0x3ba: {  	v4 =	vld.idx.msk [tilespmem:v4+s1+$0x0], $0xffff;
	_ =	sdelay $0x4  }
0x3bb: {  	v3 =	vsub.f32 v3, v5;
	v4 =	vsub.f32 v4, v6  }
0x3bc: {  	v1 =	vadd.f32 v2, v1  }
0x3bd: {  	v2 =	vmul.f32 v3, v3;
	v7 =	vmul.f32 v4, v4  }
0x3be: {  	v0 =	vadd.f32 v1, v0;
	v1 =	vadd.f32 v3, v5  }
0x3bf: {  	v3 =	vadd.f32 v4, v6;
	v2 =	vadd.f32 v7, v2  }
0x3c0: {  	s8 =	sadd.s32 $0x0, s30;
	[tilespmem:s6+$0x14080] =	vst v1  }
0x3c1: {  	s5 =	simm.s32 $0x14080;
	s7 =	simm.s32 $0x14180;
	[tilespmem:s6+$0x14090] =	vst v3;
	s6 =	simm.s32 $0x80;
	v0 =	vadd.f32 v2, v0  }
.LBB2_86:
0x3c2: {  	[hbm4b:s8+s1] =	stream.linear.scatter [tilespmem:s5], [sflag:$0x4], $0x80, $0x38;
	[tilespmem:$0x16080] =	vst v63  }
0x3c3: {  	s8 =	smov.u32 s6;
	s5 =	smov.u32 s7;
	p0 =	sne.s32 s6, $0xF80  }
.Ltmp42:
0x3c4: {  	s6 =	sadd.s32 $0x80, s6;
	(pc) =	sbr.rel @p0 .LBB2_86-.Ltmp42, $2  }
0x3c5: {  	_ =	sdelay $0x2  }
0x3c6: {  	s7 =	sadd.s32 $0x100, s7;
	s8 =	sadd.s32 s8, s30  }
0x3c7: {  	[hbm4b:s8+s1] =	stream.linear.scatter [tilespmem:s5], [sflag:$0x4], $0x80, $0x38;
	[tilespmem:$0x16080] =	vst v63  }
0x3c8: {  	s13 =	simm.s32 $0x1  }
0x3c9: {  	_ =	swait.ge [sflag:s13], $0x1000  }
0x3ca: {  	s5 =	simm.s32 $0x12080;
	s6 =	simm.s32 $0x80;
	[sflag:s13] =	ssyncset.done $0x0  }
0x3cb: {  	s8 =	sadd.s32 $0x0, s2;
	s7 =	simm.s32 $0x12180;
	[sflag:s13] =	ssyncadd.s32 $0xFFFFF000  }
.LBB2_88:
0x3cc: {  	[tilespmem:s5], [sflag:$0x2] =	stream.linear.gather [hbm4b:s8+s1], $0x80, $0x38;
	[tilespmem:$0x16080] =	vst v63  }
0x3cd: {  	s8 =	smov.u32 s6;
	s5 =	smov.u32 s7;
	p0 =	sne.s32 s6, $0xF80  }
.Ltmp43:
0x3ce: {  	s6 =	sadd.s32 $0x80, s6;
	(pc) =	sbr.rel @p0 .LBB2_88-.Ltmp43, $2  }
0x3cf: {  	_ =	sdelay $0x2  }
0x3d0: {  	s7 =	sadd.s32 $0x100, s7;
	s8 =	sadd.s32 s8, s2  }
0x3d1: {  	[tilespmem:s5], [sflag:$0x2] =	stream.linear.gather [hbm4b:s8+s1], $0x80, $0x38;
	[tilespmem:$0x16080] =	vst v63  }
0x3d2: {  	s6 =	simm.s32 $0x3  }
0x3d3: {  	_ =	swait.ge [sflag:s6], $0x1000  }
0x3d4: {  	s5 =	simm.s32 $0x0;
	[sflag:s6] =	ssyncset.done $0x0  }
0x3d5: {  	s11 =	sand.u32 $0xFE0, s5;
	[sflag:s6] =	ssyncadd.s32 $0xFFFFF000  }
0x3d6: {  	s7 =	simm.s32 $0x10010;
	v1 =	vld [tilespmem:s11+$0x10000]  }
0x3d7: {  	v2 =	vld [tilespmem:s7+$0x0];
	_ =	sdelay $0x2  }
0x3d8: {  	s12 =	sand.u32 $0x60, s5;
	s13 =	sand.u32 $0x1F00, s5  }
0x3d9: {  	s9 =	sor.u32 s12, s13  }
0x3da: {  	v3 =	vld [tilespmem:s9+$0x12000]  }
0x3db: {  	v4 =	vld [tilespmem:s9+$0x12010]  }
0x3dc: {  	v1 =	vld.idx.msk [tilespmem:v1+s1+$0x0], $0xffff  }
0x3dd: {  	v2 =	vld.idx.msk [tilespmem:v2+s1+$0x0], $0xffff;
	_ =	sdelay $0x3  }
0x3de: {  	v1 =	vsub.f32 v1, v3  }
0x3df: {  	v2 =	vsub.f32 v2, v4  }
0x3e0: {  	s6 =	simm.s32 $0x20;
	v3 =	vadd.f32 v1, v3  }
0x3e1: {  	s8 =	simm.s32 $0x40;
	s7 =	simm.s32 $0x10030;
	s10 =	sand.u32 $0xFE0, s6;
	v1 =	vmul.f32 v1, v1;
	v4 =	vadd.f32 v2, v4;
	v2 =	vmul.f32 v2, v2  }
.LBB2_90:
0x3e2: {  	p0 =	sne.s32 s8, $0xFE0  }
0x3e3: {  	[tilespmem:s9+$0x14000] =	vst v3;
	s5 =	sadd.s32 $0x40, s5;
	s11 =	smov.u32 s8;
	s8 =	sadd.s32 $0x20, s8  }
0x3e4: {  	[tilespmem:s9+$0x14010] =	vst v4;
	v1 =	vadd.f32 v2, v1  }
0x3e5: {  	v2 =	vld [tilespmem:s10+$0x10000]  }
0x3e6: {  	v3 =	vld [tilespmem:s7+$0x0];
	v0 =	vadd.f32 v1, v0;
	_ =	sdelay $0x2  }
0x3e7: {  	s9 =	sand.u32 $0x60, s6;
	s6 =	smov.u32 s11;
	s10 =	sand.u32 $0x1F00, s5  }
0x3e8: {  	s9 =	sor.u32 s9, s10  }
0x3e9: {  	v1 =	vld [tilespmem:s9+$0x12000];
	_ =	sdelay $0x1  }
0x3ea: {  	v2 =	vld.idx.msk [tilespmem:v2+s1+$0x0], $0xffff  }
0x3eb: {  	v3 =	vld.idx.msk [tilespmem:v3+s1+$0x0], $0xffff  }
0x3ec: {  	v4 =	vld [tilespmem:s9+$0x12010];
	_ =	sdelay $0x2  }
.Ltmp44:
0x3ed: {  	(pc) =	sbr.rel @p0 .LBB2_90-.Ltmp44, $4  }
0x3ee: {  	v2 =	vsub.f32 v2, v1  }
0x3ef: {  	v5 =	vsub.f32 v3, v4  }
0x3f0: {  	s7 =	sadd.s32 $0x20, s7;
	v3 =	vadd.f32 v2, v1;
	v1 =	vmul.f32 v2, v2  }
0x3f1: {  	s10 =	sand.u32 $0xFE0, s6;
	v4 =	vadd.f32 v5, v4;
	v2 =	vmul.f32 v5, v5  }
0x3f2: {  	[tilespmem:s9+$0x14000] =	vst v3  }
0x3f3: {  	[tilespmem:s9+$0x14010] =	vst v4  }
0x3f4: {  	v3 =	vld [tilespmem:s10+$0x10000]  }
0x3f5: {  	v4 =	vld [tilespmem:s7+$0x0];
	_ =	sdelay $0x1  }
0x3f6: {  	s5 =	sadd.s32 $0x40, s5  }
0x3f7: {  	s6 =	sand.u32 $0x60, s6;
	s5 =	sand.u32 $0x1F00, s5  }
0x3f8: {  	s6 =	sor.u32 s6, s5  }
0x3f9: {  	v5 =	vld [tilespmem:s6+$0x12000]  }
0x3fa: {  	v6 =	vld [tilespmem:s6+$0x12010]  }
0x3fb: {  	v3 =	vld.idx.msk [tilespmem:v3+s1+$0x0], $0xffff  }
0x3fc: {  	v4 =	vld.idx.msk [tilespmem:v4+s1+$0x0], $0xffff;
	_ =	sdelay $0x4  }
0x3fd: {  	v3 =	vsub.f32 v3, v5;
	v4 =	vsub.f32 v4, v6  }
0x3fe: {  	v1 =	vadd.f32 v2, v1  }
0x3ff: {  	v2 =	vmul.f32 v3, v3;
	v7 =	vmul.f32 v4, v4  }
0x400: {  	v0 =	vadd.f32 v1, v0;
	v1 =	vadd.f32 v3, v5  }
0x401: {  	v3 =	vadd.f32 v4, v6;
	v2 =	vadd.f32 v7, v2  }
0x402: {  	s8 =	sadd.s32 $0x0, s3;
	[tilespmem:s6+$0x14000] =	vst v1  }
0x403: {  	s5 =	simm.s32 $0x14000;
	s7 =	simm.s32 $0x14100;
	[tilespmem:s6+$0x14010] =	vst v3;
	s6 =	simm.s32 $0x80;
	v0 =	vadd.f32 v2, v0  }
.LBB2_92:
0x404: {  	[hbm4b:s8+s1] =	stream.linear.scatter [tilespmem:s5], [sflag:$0x3], $0x80, $0x38;
	[tilespmem:$0x16080] =	vst v63  }
0x405: {  	s8 =	smov.u32 s6;
	s5 =	smov.u32 s7;
	p0 =	sne.s32 s6, $0xF80  }
.Ltmp45:
0x406: {  	s6 =	sadd.s32 $0x80, s6;
	(pc) =	sbr.rel @p0 .LBB2_92-.Ltmp45, $2  }
0x407: {  	_ =	sdelay $0x2  }
0x408: {  	s7 =	sadd.s32 $0x100, s7;
	s8 =	sadd.s32 s8, s3  }
0x409: {  	[hbm4b:s8+s1] =	stream.linear.scatter [tilespmem:s5], [sflag:$0x3], $0x80, $0x38;
	[tilespmem:$0x16080] =	vst v63  }
0x40a: {  	s10 =	simm.s32 $0x2  }
0x40b: {  	_ =	swait.ge [sflag:s10], $0x1000  }
0x40c: {  	[sflag:s10] =	ssyncset.done $0x0  }
0x40d: {  	s6 =	simm.s32 $0x4;
	[sflag:s10] =	ssyncadd.s32 $0xFFFFF000  }
0x40e: {  	_ =	swait.ge [sflag:s6], $0x1000  }
0x40f: {  	s5 =	simm.s32 $0x0;
	[sflag:s6] =	ssyncset.done $0x0  }
0x410: {  	s11 =	sand.u32 $0xFE0, s5;
	[sflag:s6] =	ssyncadd.s32 $0xFFFFF000  }
0x411: {  	s7 =	simm.s32 $0x11010;
	v1 =	vld [tilespmem:s11+$0x11000]  }
0x412: {  	v2 =	vld [tilespmem:s7+$0x0];
	_ =	sdelay $0x2  }
0x413: {  	s12 =	sand.u32 $0x60, s5;
	s13 =	sand.u32 $0x1F00, s5  }
0x414: {  	s9 =	sor.u32 s12, s13  }
0x415: {  	v3 =	vld [tilespmem:s9+$0x12080]  }
0x416: {  	v4 =	vld [tilespmem:s9+$0x12090]  }
0x417: {  	v1 =	vld.idx.msk [tilespmem:v1+s1+$0x0], $0xffff  }
0x418: {  	v2 =	vld.idx.msk [tilespmem:v2+s1+$0x0], $0xffff;
	_ =	sdelay $0x3  }
0x419: {  	v1 =	vsub.f32 v1, v3  }
0x41a: {  	v2 =	vsub.f32 v2, v4  }
0x41b: {  	s6 =	simm.s32 $0x20;
	v3 =	vadd.f32 v1, v3  }
0x41c: {  	s8 =	simm.s32 $0x40;
	s7 =	simm.s32 $0x11030;
	s10 =	sand.u32 $0xFE0, s6;
	v1 =	vmul.f32 v1, v1;
	v4 =	vadd.f32 v2, v4;
	v2 =	vmul.f32 v2, v2  }
.LBB2_94:
0x41d: {  	p0 =	sne.s32 s8, $0xFE0  }
0x41e: {  	[tilespmem:s9+$0x14080] =	vst v3;
	s5 =	sadd.s32 $0x40, s5;
	s11 =	smov.u32 s8;
	s8 =	sadd.s32 $0x20, s8  }
0x41f: {  	[tilespmem:s9+$0x14090] =	vst v4;
	v1 =	vadd.f32 v2, v1  }
0x420: {  	v2 =	vld [tilespmem:s10+$0x11000]  }
0x421: {  	v3 =	vld [tilespmem:s7+$0x0];
	v0 =	vadd.f32 v1, v0;
	_ =	sdelay $0x2  }
0x422: {  	s9 =	sand.u32 $0x60, s6;
	s6 =	smov.u32 s11;
	s10 =	sand.u32 $0x1F00, s5  }
0x423: {  	s9 =	sor.u32 s9, s10  }
0x424: {  	v1 =	vld [tilespmem:s9+$0x12080];
	_ =	sdelay $0x1  }
0x425: {  	v2 =	vld.idx.msk [tilespmem:v2+s1+$0x0], $0xffff  }
0x426: {  	v3 =	vld.idx.msk [tilespmem:v3+s1+$0x0], $0xffff  }
0x427: {  	v4 =	vld [tilespmem:s9+$0x12090];
	_ =	sdelay $0x2  }
.Ltmp46:
0x428: {  	(pc) =	sbr.rel @p0 .LBB2_94-.Ltmp46, $4  }
0x429: {  	v2 =	vsub.f32 v2, v1  }
0x42a: {  	v5 =	vsub.f32 v3, v4  }
0x42b: {  	s7 =	sadd.s32 $0x20, s7;
	v3 =	vadd.f32 v2, v1;
	v1 =	vmul.f32 v2, v2  }
0x42c: {  	s10 =	sand.u32 $0xFE0, s6;
	v4 =	vadd.f32 v5, v4;
	v2 =	vmul.f32 v5, v5  }
0x42d: {  	[tilespmem:s9+$0x14080] =	vst v3  }
0x42e: {  	[tilespmem:s9+$0x14090] =	vst v4  }
0x42f: {  	v3 =	vld [tilespmem:s10+$0x11000]  }
0x430: {  	v4 =	vld [tilespmem:s7+$0x0];
	_ =	sdelay $0x1  }
0x431: {  	s5 =	sadd.s32 $0x40, s5  }
0x432: {  	s6 =	sand.u32 $0x60, s6;
	s5 =	sand.u32 $0x1F00, s5  }
0x433: {  	s6 =	sor.u32 s6, s5  }
0x434: {  	v5 =	vld [tilespmem:s6+$0x12080]  }
0x435: {  	v6 =	vld [tilespmem:s6+$0x12090]  }
0x436: {  	v3 =	vld.idx.msk [tilespmem:v3+s1+$0x0], $0xffff  }
0x437: {  	v4 =	vld.idx.msk [tilespmem:v4+s1+$0x0], $0xffff;
	_ =	sdelay $0x4  }
0x438: {  	v3 =	vsub.f32 v3, v5;
	v4 =	vsub.f32 v4, v6  }
0x439: {  	v1 =	vadd.f32 v2, v1  }
0x43a: {  	v2 =	vmul.f32 v3, v3;
	v7 =	vmul.f32 v4, v4  }
0x43b: {  	v0 =	vadd.f32 v1, v0;
	v1 =	vadd.f32 v3, v5  }
0x43c: {  	v3 =	vadd.f32 v4, v6;
	v2 =	vadd.f32 v7, v2  }
0x43d: {  	s8 =	sadd.s32 $0x0, s4;
	[tilespmem:s6+$0x14080] =	vst v1  }
0x43e: {  	s5 =	simm.s32 $0x14080;
	s7 =	simm.s32 $0x14180;
	[tilespmem:s6+$0x14090] =	vst v3;
	s6 =	simm.s32 $0x80;
	v0 =	vadd.f32 v2, v0  }
.LBB2_96:
0x43f: {  	[hbm4b:s8+s1] =	stream.linear.scatter [tilespmem:s5], [sflag:$0x4], $0x80, $0x38;
	[tilespmem:$0x16080] =	vst v63  }
0x440: {  	s8 =	smov.u32 s6;
	s5 =	smov.u32 s7;
	p0 =	sne.s32 s6, $0xF80  }
.Ltmp47:
0x441: {  	s6 =	sadd.s32 $0x80, s6;
	(pc) =	sbr.rel @p0 .LBB2_96-.Ltmp47, $2  }
0x442: {  	_ =	sdelay $0x2  }
0x443: {  	s7 =	sadd.s32 $0x100, s7;
	s8 =	sadd.s32 s8, s4  }
0x444: {  	[hbm4b:s8+s1] =	stream.linear.scatter [tilespmem:s5], [sflag:$0x4], $0x80, $0x38;
	[tilespmem:$0x16080] =	vst v63  }
0x445: {  	s9 =	simm.s32 $0x3  }
0x446: {  	_ =	swait.ge [sflag:s9], $0x1000  }
0x447: {  	[sflag:s9] =	ssyncset.done $0x0  }
0x448: {  	s10 =	simm.s32 $0x4;
	[sflag:s9] =	ssyncadd.s32 $0xFFFFF000  }
0x449: {  	_ =	swait.ge [sflag:s10], $0x1000  }
0x44a: {  	[sflag:s10] =	ssyncset.done $0x0  }
0x44b: {  	[sflag:s10] =	ssyncadd.s32 $0xFFFFF000  }
0x44c: {  	s6 =	simm.s32 $0x16000;
	s8 =	simm.s32 $0x5;
	s11 =	rddreg [dreg:$0x10];
	[tilespmem:$0x16000] =	vst v0  }
0x44d: {  	[hbm4b:s11+s1] =	stream.linear.scatter [tilespmem:s6], [sflag:$0x5], $0x80, $0x38;
	[tilespmem:$0x16080] =	vst v63  }
0x44e: {  	_ =	swait.ge [sflag:s8], $0x80  }
0x44f: {  	s12 =	rddreg [dreg:$0x13]  }
0x450: {  	s13 =	rddreg [dreg:$0x12];
	s6 =	sadd.s32 $0x1, s12  }
0x451: {  	p0 =	sne.s32 s6, s13  }
.Ltmp48:
0x452: {  	_ = 	snop;
	(pc) =	sbr.rel @p0 .LBB2_1-.Ltmp48, $3  }
0x453: {  	_ =	sdelay $0x1  }
0x454: {  	[sflag:s8] =	ssyncset.done $0x0  }
0x455: {  	s11 =	rddreg [dreg:$0x5];
	[sflag:s8] =	ssyncadd.s32 $0xFFFFFF80  }
0x456: {  	_ =	sfence.sel $0x180000  }
0x457: {  	[bflag:$0x0] =	sbarrier.arrive $0xFFFF  }
0x458: {  	_ =	strace $0x90000047  }
0x459: {  	s0 =	stileid.u32;
	[bflag:$0x2] =	sbarrier.arrive $0xFFFF  }
0x45a: {  	p0 =	sne.s32 s0, $0x0;
	s0 =	rddreg [dreg:$0x3]  }
0x45b: {  	s0 =	sadd.s32 @!p0 $0x100000, s0  }
0x45c: {  	[sflag:s0] =	ssyncadd.tile.s32 @!p0 $0x1;
	_ =	shalt  }
.Lfunc_end2:
_tile_overlayer_lowered:
.L_overlay_start_2:
0x45d: {  	(tag) =	ssettag $0x2  }
0x45e: {  	s0 =	rddreg [dreg:$0x0];
	s2 =	stileid.u32  }
0x45f: {  	s1 =	rddreg [dreg:$0x1];
	p0 =	sne.s32 s2, $0x0  }
0x460: {  	s3 =	rddreg [dreg:$0x2];
	[bflag:$0x3] =	sbarrier.arrive $0xFFFF;
	s2 =	simm.s32 @!p0 $0x1C05  }
0x461: {  	[timem:s3], [sflag:s2] =	dma.local @!p0 [hbm:s0], s1  }
0x462: {  	s0 =	simm.s32 @!p0 $0x5  }
0x463: {  	_ =	swait.ge @!p0 [sflag:s0], s1  }
0x464: {  	s1 =	ssub.s32 @!p0 $0x0, s1;
	[sflag:s0] =	ssyncset.done @!p0 $0x0  }
0x465: {  	[sflag:s0] =	ssyncadd.s32 @!p0 s1  }
0x466: {  	[bflag:$0x3] =	sbarrier.arrive $0xFFFF  }
0x467: {  	_ =	shalt  }

</sc_bundles>
